<compile_context>
chip_gen: v7x
topology: tpu7x:2x2x1
jax: 0.10.2.dev20260603
libtpu: 0.0.44.dev20260713+nightly
codegen_flags: <defaults>
</compile_context>

<pallas_src>
import functools

import jax
import jax.numpy as jnp
from jax import lax
from jax.experimental import pallas as pl
from jax.experimental.pallas import tpu as pltpu
from jax.experimental.pallas import tpu_sc as plsc

N = 10000
E = 320000
D = 128
NC = 2
NS = 16
NW = NC * NS
EPT = E // NW
CHUNK = 40
NBUF = 7
GEDGES = NBUF * CHUNK
EPT_PAD = 10080
NGROUP = EPT_PAD // GEDGES
PAD = EPT_PAD - EPT
NACC = N + 8

RPS_BIG = 632
RPS_SMALL = 624


def _sc_aggregate_body(x_hbm, src_hbm, dst_hbm, out_hbm, sA, dA, sB, dB,
                       rows, acc, gsems, ssems, psems, isem):
    cid = lax.axis_index("c")
    sid = lax.axis_index("s")
    wid = sid * NC + cid

    i_src = pltpu.async_copy(src_hbm.at[wid, 0], sA, psems[0])
    i_dst = pltpu.async_copy(dst_hbm.at[wid, 0], dA, psems[1])

    st = pl.multiple_of(sid * RPS_SMALL, 8)
    seed_main = pltpu.async_copy(x_hbm.at[pl.ds(st, RPS_SMALL)],
                                 acc.at[pl.ds(st, RPS_SMALL)], isem)
    seed_tail = pltpu.async_copy(x_hbm.at[pl.ds(NS * RPS_SMALL, N - NS * RPS_SMALL)],
                                 acc.at[pl.ds(NS * RPS_SMALL, N - NS * RPS_SMALL)],
                                 isem)
    i_src.wait()
    i_dst.wait()

    gh0 = [pltpu.async_copy(x_hbm.at[sA.at[b]], rows[b], gsems[b])
           for b in range(NBUF)]
    seed_main.wait()
    seed_tail.wait()
    plsc.subcore_barrier()

    def process(kv, cur_s, cur_d, nxt_s, nxt_d, gh=None):
        knext = jnp.minimum(kv + 1, NGROUP - 1)
        pf_s = pltpu.async_copy(src_hbm.at[wid, knext], nxt_s, psems[0])
        pf_d = pltpu.async_copy(dst_hbm.at[wid, knext], nxt_d, psems[1])
        if gh is None:
            gh = [pltpu.async_copy(x_hbm.at[cur_s.at[b]], rows[b], gsems[b])
                  for b in range(NBUF)]
        sh = []
        for b in range(NBUF):
            gh[b].wait()
            sh.append(
                pltpu.async_copy(rows[b], acc.at[cur_d.at[b]], ssems[b],
                                 add=True)
            )
        pf_s.wait()
        pf_d.wait()
        for b in range(NBUF):
            sh[b].wait()

    process(0, sA, dA, sB, dB, gh=gh0)
    process(1, sB, dB, sA, dA)

    @pl.loop(2, NGROUP, step=2)
    def _(k):
        process(k, sA, dA, sB, dB)
        process(k + 1, sB, dB, sA, dA)

    plsc.subcore_barrier()

    @pl.when(sid < 2)
    def _():
        st = pl.multiple_of(sid * RPS_BIG, 8)
        pltpu.async_copy(acc.at[pl.ds(st, RPS_BIG)],
                         out_hbm.at[cid, pl.ds(st, RPS_BIG)], isem).wait()

    @pl.when(sid >= 2)
    def _():
        st = pl.multiple_of(2 * RPS_BIG + (sid - 2) * RPS_SMALL, 8)
        pltpu.async_copy(acc.at[pl.ds(st, RPS_SMALL)],
                         out_hbm.at[cid, pl.ds(st, RPS_SMALL)], isem).wait()


@functools.cache
def _sc_aggregate():
    mesh = plsc.VectorSubcoreMesh(
        core_axis_name="c", subcore_axis_name="s", num_cores=NC, num_subcores=NS
    )

    def wrapper(x_hbm, src_hbm, dst_hbm, out_hbm, sA, dA, sB, dB, *rest):
        rows = list(rest[:NBUF])
        acc = rest[NBUF]
        gsems = list(rest[NBUF + 1:2 * NBUF + 1])
        ssems = list(rest[2 * NBUF + 1:3 * NBUF + 1])
        psems = list(rest[3 * NBUF + 1:3 * NBUF + 3])
        isem = rest[3 * NBUF + 3]
        _sc_aggregate_body(
            x_hbm, src_hbm, dst_hbm, out_hbm, sA, dA, sB, dB,
            rows, acc, gsems, ssems, psems, isem,
        )

    return pl.kernel(
        wrapper,
        out_type=jax.ShapeDtypeStruct((NC, N, D), jnp.float32),
        mesh=mesh,
        scratch_types=(
            [pltpu.VMEM((NBUF, CHUNK), jnp.int32) for _ in range(4)]
            + [pltpu.VMEM((CHUNK, D), jnp.float32) for _ in range(NBUF)]
            + [pltpu.VMEM_SHARED((NACC, D), jnp.float32)]
            + [pltpu.SemaphoreType.DMA for _ in range(2 * NBUF + 2 + 1)]
        ),
    )


def _mlp_body(x_ref, p_ref, w1_ref, b1_ref, g_ref, be_ref, w2_ref, b2_ref,
              wl_ref, bl_ref, o_ref):
    h = p_ref[0] + p_ref[1] - x_ref[...]
    h = jnp.dot(h, w1_ref[...], preferred_element_type=jnp.float32) + b1_ref[...]
    h = jnp.maximum(h, 0.0)
    mean = jnp.mean(h, axis=0, keepdims=True)
    cen = h - mean
    var = jnp.mean(cen * cen, axis=0, keepdims=True)
    h = cen * lax.rsqrt(var + 1e-5) * g_ref[...] + be_ref[...]
    h = jnp.dot(h, w2_ref[...], preferred_element_type=jnp.float32) + b2_ref[...]
    o_ref[...] = (
        jnp.dot(h, wl_ref[...], preferred_element_type=jnp.float32) + bl_ref[...]
    )


_mlp = pl.pallas_call(
    _mlp_body,
    out_shape=jax.ShapeDtypeStruct((N, 10), jnp.float32),
)


def kernel(x, edge_index, W1, b1, gamma, beta, W2, b2, Wlin, blin):
    pad_src = jnp.broadcast_to((jnp.arange(PAD, dtype=jnp.int32) * 125) % N,
                               (NW, PAD))
    pad_dst = jnp.broadcast_to(N + (jnp.arange(PAD, dtype=jnp.int32) % 8),
                               (NW, PAD))
    src = jnp.concatenate([edge_index[0].reshape(NW, EPT), pad_src], axis=1)
    dst = jnp.concatenate([edge_index[1].reshape(NW, EPT), pad_dst], axis=1)
    src = src.reshape(NW, NGROUP, NBUF, CHUNK)
    dst = dst.reshape(NW, NGROUP, NBUF, CHUNK)
    partials = _sc_aggregate()(x, src, dst)
    return _mlp(
        x,
        partials,
        W1,
        b1.reshape(1, -1),
        gamma.reshape(1, -1),
        beta.reshape(1, -1),
        W2,
        b2.reshape(1, -1),
        Wlin,
        blin.reshape(1, -1),
    )

# --- scband reference (transcript-rebuilt; emitter-appended) ---
"""Pipeline reference for scband-gin-classifier-90443421319566 (READ-ONLY COPY).

The authoritative reference and input builder live on the scoring server;
editing this copy changes nothing except your own understanding.
"""

import jax, jax.numpy as jnp
import numpy as np

N_NODES = 10000
N_EDGES = 320000
D_FEAT = 128
HIDDEN = 128
N_CLASSES = 10
BN_EPS = 1e-5


def setup_inputs(seed: int = 0) -> dict:
    key = jax.random.key(seed)
    ks = jax.random.split(key, 8)
    x = jax.random.normal(ks[0], (N_NODES, D_FEAT), dtype=jnp.float32)
    edge_index = jax.random.randint(ks[1], (2, N_EDGES), 0, N_NODES, dtype=jnp.int64 if jax.config.jax_enable_x64 else jnp.int32).astype(jnp.int32)
    # learned parameters (GINConv mlp: Linear(d->h), ReLU, BatchNorm1d(h), Linear(h->h); then lin: h->classes)
    W1 = jax.random.normal(ks[2], (D_FEAT, HIDDEN), dtype=jnp.float32) * (1.0 / np.sqrt(D_FEAT))
    b1 = jnp.zeros((HIDDEN,), dtype=jnp.float32)
    gamma = jnp.ones((HIDDEN,), dtype=jnp.float32)
    beta = jnp.zeros((HIDDEN,), dtype=jnp.float32)
    W2 = jax.random.normal(ks[3], (HIDDEN, HIDDEN), dtype=jnp.float32) * (1.0 / np.sqrt(HIDDEN))
    b2 = jnp.zeros((HIDDEN,), dtype=jnp.float32)
    Wlin = jax.random.normal(ks[4], (HIDDEN, N_CLASSES), dtype=jnp.float32) * (1.0 / np.sqrt(HIDDEN))
    blin = jnp.zeros((N_CLASSES,), dtype=jnp.float32)
    return {"x": x, "edge_index": edge_index, "W1": W1, "b1": b1, "gamma": gamma, "beta": beta, "W2": W2, "b2": b2, "Wlin": Wlin, "blin": blin}


def reference(x, edge_index, W1, b1, gamma, beta, W2, b2, Wlin, blin):
    # GINConv: h_i = mlp((1 + eps) * x_i + sum_{j in N(i)} x_j), default eps = 0
    src = edge_index[0]
    dst = edge_index[1]
    msgs = jnp.take(x, src, axis=0)                      # gather
    agg = jax.ops.segment_sum(msgs, dst, num_segments=x.shape[0])  # scatter-add
    h = x + agg
    # mlp
    h = h @ W1 + b1
    h = jax.nn.relu(h)
    # BatchNorm1d (training-mode batch statistics, as in a freshly-constructed torch module)
    mean = jnp.mean(h, axis=0)
    var = jnp.var(h, axis=0)
    h = (h - mean) / jnp.sqrt(var + BN_EPS) * gamma + beta
    h = h @ W2 + b2
    # classifier head
    out = h @ Wlin + blin
    return out

if __name__ == "__main__":
    import jax
    _d = setup_inputs()
    print(jax.jit(kernel)(*tuple(_d.values())))

</pallas_src>

<mosaic_0001>
#map = affine_map<(d0, d1) -> (0, 0)>
#map1 = affine_map<(d0, d1) -> (0, 0, 0, 0)>
#map2 = affine_map<(d0, d1) -> (0, 0, 0)>
module attributes {stable_mosaic.version = 14 : i64} {
  func.func @wrapper(%arg0: i32, %arg1: i32, %arg2: memref<10000x128xf32, #tpu.memory_space<hbm>>, %arg3: memref<32x36x7x40xi32, #tpu.memory_space<hbm>>, %arg4: memref<32x36x7x40xi32, #tpu.memory_space<hbm>>, %arg5: memref<2x10000x128xf32, #tpu.memory_space<hbm>>, %arg6: memref<7x40xi32, #tpu.memory_space<vmem>>, %arg7: memref<7x40xi32, #tpu.memory_space<vmem>>, %arg8: memref<7x40xi32, #tpu.memory_space<vmem>>, %arg9: memref<7x40xi32, #tpu.memory_space<vmem>>, %arg10: memref<40x128xf32, #tpu.memory_space<vmem>>, %arg11: memref<40x128xf32, #tpu.memory_space<vmem>>, %arg12: memref<40x128xf32, #tpu.memory_space<vmem>>, %arg13: memref<40x128xf32, #tpu.memory_space<vmem>>, %arg14: memref<40x128xf32, #tpu.memory_space<vmem>>, %arg15: memref<40x128xf32, #tpu.memory_space<vmem>>, %arg16: memref<40x128xf32, #tpu.memory_space<vmem>>, %arg17: memref<10008x128xf32, #tpu.memory_space<vmem_shared>>, %arg18: memref<!tpu.dma_semaphore, #tpu.memory_space<semaphore_mem>>, %arg19: memref<!tpu.dma_semaphore, #tpu.memory_space<semaphore_mem>>, %arg20: memref<!tpu.dma_semaphore, #tpu.memory_space<semaphore_mem>>, %arg21: memref<!tpu.dma_semaphore, #tpu.memory_space<semaphore_mem>>, %arg22: memref<!tpu.dma_semaphore, #tpu.memory_space<semaphore_mem>>, %arg23: memref<!tpu.dma_semaphore, #tpu.memory_space<semaphore_mem>>, %arg24: memref<!tpu.dma_semaphore, #tpu.memory_space<semaphore_mem>>, %arg25: memref<!tpu.dma_semaphore, #tpu.memory_space<semaphore_mem>>, %arg26: memref<!tpu.dma_semaphore, #tpu.memory_space<semaphore_mem>>, %arg27: memref<!tpu.dma_semaphore, #tpu.memory_space<semaphore_mem>>, %arg28: memref<!tpu.dma_semaphore, #tpu.memory_space<semaphore_mem>>, %arg29: memref<!tpu.dma_semaphore, #tpu.memory_space<semaphore_mem>>, %arg30: memref<!tpu.dma_semaphore, #tpu.memory_space<semaphore_mem>>, %arg31: memref<!tpu.dma_semaphore, #tpu.memory_space<semaphore_mem>>, %arg32: memref<!tpu.dma_semaphore, #tpu.memory_space<semaphore_mem>>, %arg33: memref<!tpu.dma_semaphore, #tpu.memory_space<semaphore_mem>>, %arg34: memref<!tpu.dma_semaphore, #tpu.memory_space<semaphore_mem>>) attributes {dimension_semantics = [#tpu.dimension_semantics<core_parallel>, #tpu.dimension_semantics<subcore_parallel>], iteration_bounds = array<i64: 2, 16>, scalar_prefetch = 0 : i64, scratch_operands = 29 : i64, tpu.core_type = #tpu.core_type<sc_vector_subcore>, window_params = [{transform_indices = #map}, {transform_indices = #map1}, {transform_indices = #map1}, {transform_indices = #map2}]} {
    %mul3A = arith.constant 2 : i32
    %mul3A_0 = arith.muli %arg1, %mul3A : i32
    %add3A = arith.addi %mul3A_0, %arg0 : i32
    %dma_start3A = arith.constant 0 : i32
    %dma_start3A_1 = arith.constant 0 : i32
    %dma_start3A_2 = arith.constant 0 : i32
    %dma_start3A_3 = tpu.memref_slice %arg3[%add3A, %dma_start3A, %dma_start3A_1, %dma_start3A_2] : memref<32x36x7x40xi32, #tpu.memory_space<hbm>> -> memref<1x1x7x40xi32, #tpu.memory_space<hbm>>
    %dma_start3A_4 = tpu.memref_squeeze %dma_start3A_3 : memref<1x1x7x40xi32, #tpu.memory_space<hbm>> -> memref<7x40xi32, #tpu.memory_space<hbm>>
    %dma_start3A_5 = arith.constant 0 : i32
    %dma_start3A_6 = arith.constant 0 : i32
    %dma_start3A_7 = tpu.memref_slice %arg3[%add3A, %dma_start3A, %dma_start3A_5, %dma_start3A_6] : memref<32x36x7x40xi32, #tpu.memory_space<hbm>> -> memref<1x1x7x40xi32, #tpu.memory_space<hbm>>
    %dma_start3A_8 = tpu.memref_squeeze %dma_start3A_7 : memref<1x1x7x40xi32, #tpu.memory_space<hbm>> -> memref<7x40xi32, #tpu.memory_space<hbm>>
    tpu.enqueue_dma source(%dma_start3A_8 : memref<7x40xi32, #tpu.memory_space<hbm>>) target(%arg6 : memref<7x40xi32, #tpu.memory_space<vmem>>) target_semaphore(%arg32 : memref<!tpu.dma_semaphore, #tpu.memory_space<semaphore_mem>>)
    %dma_start3A_9 = arith.constant 0 : i32
    %dma_start3A_10 = arith.constant 0 : i32
    %dma_start3A_11 = arith.constant 0 : i32
    %dma_start3A_12 = tpu.memref_slice %arg4[%add3A, %dma_start3A_9, %dma_start3A_10, %dma_start3A_11] : memref<32x36x7x40xi32, #tpu.memory_space<hbm>> -> memref<1x1x7x40xi32, #tpu.memory_space<hbm>>
    %dma_start3A_13 = tpu.memref_squeeze %dma_start3A_12 : memref<1x1x7x40xi32, #tpu.memory_space<hbm>> -> memref<7x40xi32, #tpu.memory_space<hbm>>
    %dma_start3A_14 = arith.constant 0 : i32
    %dma_start3A_15 = arith.constant 0 : i32
    %dma_start3A_16 = tpu.memref_slice %arg4[%add3A, %dma_start3A_9, %dma_start3A_14, %dma_start3A_15] : memref<32x36x7x40xi32, #tpu.memory_space<hbm>> -> memref<1x1x7x40xi32, #tpu.memory_space<hbm>>
    %dma_start3A_17 = tpu.memref_squeeze %dma_start3A_16 : memref<1x1x7x40xi32, #tpu.memory_space<hbm>> -> memref<7x40xi32, #tpu.memory_space<hbm>>
    tpu.enqueue_dma source(%dma_start3A_17 : memref<7x40xi32, #tpu.memory_space<hbm>>) target(%arg7 : memref<7x40xi32, #tpu.memory_space<vmem>>) target_semaphore(%arg33 : memref<!tpu.dma_semaphore, #tpu.memory_space<semaphore_mem>>)
    %mul3A_18 = arith.constant 624 : i32
    %mul3A_19 = arith.muli %arg1, %mul3A_18 : i32
    %multiple_of3A = tpu.assume_multiple %mul3A_19, 8 : i32
    %dma_start3A_20 = arith.constant 0 : i32
    %dma_start3A_21 = tpu.memref_slice %arg17[%multiple_of3A, %dma_start3A_20] : memref<10008x128xf32, #tpu.memory_space<vmem_shared>> -> memref<624x128xf32, #tpu.memory_space<vmem_shared>>
    %dma_start3A_22 = arith.constant 0 : i32
    %dma_start3A_23 = tpu.memref_slice %arg2[%multiple_of3A, %dma_start3A_22] : memref<10000x128xf32, #tpu.memory_space<hbm>> -> memref<624x128xf32, #tpu.memory_space<hbm>>
    tpu.enqueue_dma source(%dma_start3A_23 : memref<624x128xf32, #tpu.memory_space<hbm>>) target(%dma_start3A_21 : memref<624x128xf32, #tpu.memory_space<vmem_shared>>) target_semaphore(%arg34 : memref<!tpu.dma_semaphore, #tpu.memory_space<semaphore_mem>>)
    %dma_start3A_24 = arith.constant 9984 : i32
    %dma_start3A_25 = arith.constant 0 : i32
    %dma_start3A_26 = tpu.memref_slice %arg17[%dma_start3A_24, %dma_start3A_25] : memref<10008x128xf32, #tpu.memory_space<vmem_shared>> -> memref<16x128xf32, #tpu.memory_space<vmem_shared>>
    %dma_start3A_27 = arith.constant 9984 : i32
    %dma_start3A_28 = arith.constant 0 : i32
    %dma_start3A_29 = tpu.memref_slice %arg2[%dma_start3A_27, %dma_start3A_28] : memref<10000x128xf32, #tpu.memory_space<hbm>> -> memref<16x128xf32, #tpu.memory_space<hbm>>
    tpu.enqueue_dma source(%dma_start3A_29 : memref<16x128xf32, #tpu.memory_space<hbm>>) target(%dma_start3A_26 : memref<16x128xf32, #tpu.memory_space<vmem_shared>>) target_semaphore(%arg34 : memref<!tpu.dma_semaphore, #tpu.memory_space<semaphore_mem>>)
    %dma_wait3A = arith.constant 0 : i32
    %dma_wait3A_30 = arith.constant 0 : i32
    %dma_wait3A_31 = arith.constant 0 : i32
    %dma_wait3A_32 = tpu.memref_slice %arg3[%add3A, %dma_wait3A, %dma_wait3A_30, %dma_wait3A_31] : memref<32x36x7x40xi32, #tpu.memory_space<hbm>> -> memref<1x1x7x40xi32, #tpu.memory_space<hbm>>
    %dma_wait3A_33 = tpu.memref_squeeze %dma_wait3A_32 : memref<1x1x7x40xi32, #tpu.memory_space<hbm>> -> memref<7x40xi32, #tpu.memory_space<hbm>>
    %dma_wait3A_34 = arith.constant 0 : i32
    %dma_wait3A_35 = arith.constant 0 : i32
    %dma_wait3A_36 = tpu.memref_slice %arg3[%add3A, %dma_wait3A, %dma_wait3A_34, %dma_wait3A_35] : memref<32x36x7x40xi32, #tpu.memory_space<hbm>> -> memref<1x1x7x40xi32, #tpu.memory_space<hbm>>
    %dma_wait3A_37 = tpu.memref_squeeze %dma_wait3A_36 : memref<1x1x7x40xi32, #tpu.memory_space<hbm>> -> memref<7x40xi32, #tpu.memory_space<hbm>>
    tpu.wait_dma2 semaphore(%arg32 : memref<!tpu.dma_semaphore, #tpu.memory_space<semaphore_mem>>) src(%dma_wait3A_37 : memref<7x40xi32, #tpu.memory_space<hbm>>) dst(%arg6 : memref<7x40xi32, #tpu.memory_space<vmem>>)
    %dma_wait3A_38 = arith.constant 0 : i32
    %dma_wait3A_39 = arith.constant 0 : i32
    %dma_wait3A_40 = arith.constant 0 : i32
    %dma_wait3A_41 = tpu.memref_slice %arg4[%add3A, %dma_wait3A_38, %dma_wait3A_39, %dma_wait3A_40] : memref<32x36x7x40xi32, #tpu.memory_space<hbm>> -> memref<1x1x7x40xi32, #tpu.memory_space<hbm>>
    %dma_wait3A_42 = tpu.memref_squeeze %dma_wait3A_41 : memref<1x1x7x40xi32, #tpu.memory_space<hbm>> -> memref<7x40xi32, #tpu.memory_space<hbm>>
    %dma_wait3A_43 = arith.constant 0 : i32
    %dma_wait3A_44 = arith.constant 0 : i32
    %dma_wait3A_45 = tpu.memref_slice %arg4[%add3A, %dma_wait3A_38, %dma_wait3A_43, %dma_wait3A_44] : memref<32x36x7x40xi32, #tpu.memory_space<hbm>> -> memref<1x1x7x40xi32, #tpu.memory_space<hbm>>
    %dma_wait3A_46 = tpu.memref_squeeze %dma_wait3A_45 : memref<1x1x7x40xi32, #tpu.memory_space<hbm>> -> memref<7x40xi32, #tpu.memory_space<hbm>>
    tpu.wait_dma2 semaphore(%arg33 : memref<!tpu.dma_semaphore, #tpu.memory_space<semaphore_mem>>) src(%dma_wait3A_46 : memref<7x40xi32, #tpu.memory_space<hbm>>) dst(%arg7 : memref<7x40xi32, #tpu.memory_space<vmem>>)
    %dma_start3A_47 = arith.constant 0 : i32
    %dma_start3A_48 = arith.constant 0 : i32
    %dma_start3A_49 = tpu.memref_slice %arg6[%dma_start3A_47, %dma_start3A_48] : memref<7x40xi32, #tpu.memory_space<vmem>> -> memref<1x40xi32, #tpu.memory_space<vmem>>
    %dma_start3A_50 = tpu.memref_squeeze %dma_start3A_49 : memref<1x40xi32, #tpu.memory_space<vmem>> -> memref<40xi32, #tpu.memory_space<vmem>>
    %dma_start3A_51 = arith.constant 0 : i32
    %dma_start3A_52 = arith.constant 0 : i32
    %dma_start3A_53 = tpu.memref_slice %arg2[%dma_start3A_51, %dma_start3A_52] : memref<10000x128xf32, #tpu.memory_space<hbm>> -> memref<10000x128xf32, #tpu.memory_space<hbm>>
    tpu.enqueue_indirect_dma source(%dma_start3A_53 : memref<10000x128xf32, #tpu.memory_space<hbm>>) target(%arg10 : memref<40x128xf32, #tpu.memory_space<vmem>>) offsets(%dma_start3A_50 : memref<40xi32, #tpu.memory_space<vmem>>) semaphore(%arg18 : memref<!tpu.dma_semaphore, #tpu.memory_space<semaphore_mem>>)
    %dma_start3A_54 = arith.constant 1 : i32
    %dma_start3A_55 = arith.constant 0 : i32
    %dma_start3A_56 = tpu.memref_slice %arg6[%dma_start3A_54, %dma_start3A_55] : memref<7x40xi32, #tpu.memory_space<vmem>> -> memref<1x40xi32, #tpu.memory_space<vmem>>
    %dma_start3A_57 = tpu.memref_squeeze %dma_start3A_56 : memref<1x40xi32, #tpu.memory_space<vmem>> -> memref<40xi32, #tpu.memory_space<vmem>>
    %dma_start3A_58 = arith.constant 0 : i32
    %dma_start3A_59 = arith.constant 0 : i32
    %dma_start3A_60 = tpu.memref_slice %arg2[%dma_start3A_58, %dma_start3A_59] : memref<10000x128xf32, #tpu.memory_space<hbm>> -> memref<10000x128xf32, #tpu.memory_space<hbm>>
    tpu.enqueue_indirect_dma source(%dma_start3A_60 : memref<10000x128xf32, #tpu.memory_space<hbm>>) target(%arg11 : memref<40x128xf32, #tpu.memory_space<vmem>>) offsets(%dma_start3A_57 : memref<40xi32, #tpu.memory_space<vmem>>) semaphore(%arg19 : memref<!tpu.dma_semaphore, #tpu.memory_space<semaphore_mem>>)
    %dma_start3A_61 = arith.constant 2 : i32
    %dma_start3A_62 = arith.constant 0 : i32
    %dma_start3A_63 = tpu.memref_slice %arg6[%dma_start3A_61, %dma_start3A_62] : memref<7x40xi32, #tpu.memory_space<vmem>> -> memref<1x40xi32, #tpu.memory_space<vmem>>
    %dma_start3A_64 = tpu.memref_squeeze %dma_start3A_63 : memref<1x40xi32, #tpu.memory_space<vmem>> -> memref<40xi32, #tpu.memory_space<vmem>>
    %dma_start3A_65 = arith.constant 0 : i32
    %dma_start3A_66 = arith.constant 0 : i32
    %dma_start3A_67 = tpu.memref_slice %arg2[%dma_start3A_65, %dma_start3A_66] : memref<10000x128xf32, #tpu.memory_space<hbm>> -> memref<10000x128xf32, #tpu.memory_space<hbm>>
    tpu.enqueue_indirect_dma source(%dma_start3A_67 : memref<10000x128xf32, #tpu.memory_space<hbm>>) target(%arg12 : memref<40x128xf32, #tpu.memory_space<vmem>>) offsets(%dma_start3A_64 : memref<40xi32, #tpu.memory_space<vmem>>) semaphore(%arg20 : memref<!tpu.dma_semaphore, #tpu.memory_space<semaphore_mem>>)
    %dma_start3A_68 = arith.constant 3 : i32
    %dma_start3A_69 = arith.constant 0 : i32
    %dma_start3A_70 = tpu.memref_slice %arg6[%dma_start3A_68, %dma_start3A_69] : memref<7x40xi32, #tpu.memory_space<vmem>> -> memref<1x40xi32, #tpu.memory_space<vmem>>
    %dma_start3A_71 = tpu.memref_squeeze %dma_start3A_70 : memref<1x40xi32, #tpu.memory_space<vmem>> -> memref<40xi32, #tpu.memory_space<vmem>>
    %dma_start3A_72 = arith.constant 0 : i32
    %dma_start3A_73 = arith.constant 0 : i32
    %dma_start3A_74 = tpu.memref_slice %arg2[%dma_start3A_72, %dma_start3A_73] : memref<10000x128xf32, #tpu.memory_space<hbm>> -> memref<10000x128xf32, #tpu.memory_space<hbm>>
    tpu.enqueue_indirect_dma source(%dma_start3A_74 : memref<10000x128xf32, #tpu.memory_space<hbm>>) target(%arg13 : memref<40x128xf32, #tpu.memory_space<vmem>>) offsets(%dma_start3A_71 : memref<40xi32, #tpu.memory_space<vmem>>) semaphore(%arg21 : memref<!tpu.dma_semaphore, #tpu.memory_space<semaphore_mem>>)
    %dma_start3A_75 = arith.constant 4 : i32
    %dma_start3A_76 = arith.constant 0 : i32
    %dma_start3A_77 = tpu.memref_slice %arg6[%dma_start3A_75, %dma_start3A_76] : memref<7x40xi32, #tpu.memory_space<vmem>> -> memref<1x40xi32, #tpu.memory_space<vmem>>
    %dma_start3A_78 = tpu.memref_squeeze %dma_start3A_77 : memref<1x40xi32, #tpu.memory_space<vmem>> -> memref<40xi32, #tpu.memory_space<vmem>>
    %dma_start3A_79 = arith.constant 0 : i32
    %dma_start3A_80 = arith.constant 0 : i32
    %dma_start3A_81 = tpu.memref_slice %arg2[%dma_start3A_79, %dma_start3A_80] : memref<10000x128xf32, #tpu.memory_space<hbm>> -> memref<10000x128xf32, #tpu.memory_space<hbm>>
    tpu.enqueue_indirect_dma source(%dma_start3A_81 : memref<10000x128xf32, #tpu.memory_space<hbm>>) target(%arg14 : memref<40x128xf32, #tpu.memory_space<vmem>>) offsets(%dma_start3A_78 : memref<40xi32, #tpu.memory_space<vmem>>) semaphore(%arg22 : memref<!tpu.dma_semaphore, #tpu.memory_space<semaphore_mem>>)
    %dma_start3A_82 = arith.constant 5 : i32
    %dma_start3A_83 = arith.constant 0 : i32
    %dma_start3A_84 = tpu.memref_slice %arg6[%dma_start3A_82, %dma_start3A_83] : memref<7x40xi32, #tpu.memory_space<vmem>> -> memref<1x40xi32, #tpu.memory_space<vmem>>
    %dma_start3A_85 = tpu.memref_squeeze %dma_start3A_84 : memref<1x40xi32, #tpu.memory_space<vmem>> -> memref<40xi32, #tpu.memory_space<vmem>>
    %dma_start3A_86 = arith.constant 0 : i32
    %dma_start3A_87 = arith.constant 0 : i32
    %dma_start3A_88 = tpu.memref_slice %arg2[%dma_start3A_86, %dma_start3A_87] : memref<10000x128xf32, #tpu.memory_space<hbm>> -> memref<10000x128xf32, #tpu.memory_space<hbm>>
    tpu.enqueue_indirect_dma source(%dma_start3A_88 : memref<10000x128xf32, #tpu.memory_space<hbm>>) target(%arg15 : memref<40x128xf32, #tpu.memory_space<vmem>>) offsets(%dma_start3A_85 : memref<40xi32, #tpu.memory_space<vmem>>) semaphore(%arg23 : memref<!tpu.dma_semaphore, #tpu.memory_space<semaphore_mem>>)
    %dma_start3A_89 = arith.constant 6 : i32
    %dma_start3A_90 = arith.constant 0 : i32
    %dma_start3A_91 = tpu.memref_slice %arg6[%dma_start3A_89, %dma_start3A_90] : memref<7x40xi32, #tpu.memory_space<vmem>> -> memref<1x40xi32, #tpu.memory_space<vmem>>
    %dma_start3A_92 = tpu.memref_squeeze %dma_start3A_91 : memref<1x40xi32, #tpu.memory_space<vmem>> -> memref<40xi32, #tpu.memory_space<vmem>>
    %dma_start3A_93 = arith.constant 0 : i32
    %dma_start3A_94 = arith.constant 0 : i32
    %dma_start3A_95 = tpu.memref_slice %arg2[%dma_start3A_93, %dma_start3A_94] : memref<10000x128xf32, #tpu.memory_space<hbm>> -> memref<10000x128xf32, #tpu.memory_space<hbm>>
    tpu.enqueue_indirect_dma source(%dma_start3A_95 : memref<10000x128xf32, #tpu.memory_space<hbm>>) target(%arg16 : memref<40x128xf32, #tpu.memory_space<vmem>>) offsets(%dma_start3A_92 : memref<40xi32, #tpu.memory_space<vmem>>) semaphore(%arg24 : memref<!tpu.dma_semaphore, #tpu.memory_space<semaphore_mem>>)
    %dma_wait3A_96 = arith.constant 0 : i32
    %dma_wait3A_97 = tpu.memref_slice %arg17[%multiple_of3A, %dma_wait3A_96] : memref<10008x128xf32, #tpu.memory_space<vmem_shared>> -> memref<624x128xf32, #tpu.memory_space<vmem_shared>>
    %dma_wait3A_98 = arith.constant 0 : i32
    %dma_wait3A_99 = tpu.memref_slice %arg2[%multiple_of3A, %dma_wait3A_98] : memref<10000x128xf32, #tpu.memory_space<hbm>> -> memref<624x128xf32, #tpu.memory_space<hbm>>
    tpu.wait_dma2 semaphore(%arg34 : memref<!tpu.dma_semaphore, #tpu.memory_space<semaphore_mem>>) src(%dma_wait3A_99 : memref<624x128xf32, #tpu.memory_space<hbm>>) dst(%dma_wait3A_97 : memref<624x128xf32, #tpu.memory_space<vmem_shared>>)
    %dma_wait3A_100 = arith.constant 9984 : i32
    %dma_wait3A_101 = arith.constant 0 : i32
    %dma_wait3A_102 = tpu.memref_slice %arg17[%dma_wait3A_100, %dma_wait3A_101] : memref<10008x128xf32, #tpu.memory_space<vmem_shared>> -> memref<16x128xf32, #tpu.memory_space<vmem_shared>>
    %dma_wait3A_103 = arith.constant 9984 : i32
    %dma_wait3A_104 = arith.constant 0 : i32
    %dma_wait3A_105 = tpu.memref_slice %arg2[%dma_wait3A_103, %dma_wait3A_104] : memref<10000x128xf32, #tpu.memory_space<hbm>> -> memref<16x128xf32, #tpu.memory_space<hbm>>
    tpu.wait_dma2 semaphore(%arg34 : memref<!tpu.dma_semaphore, #tpu.memory_space<semaphore_mem>>) src(%dma_wait3A_105 : memref<16x128xf32, #tpu.memory_space<hbm>>) dst(%dma_wait3A_102 : memref<16x128xf32, #tpu.memory_space<vmem_shared>>)
    %barrier3A = arith.constant 0 : index
    tpu.barrier barrier_id(%barrier3A)
    %min3A = arith.constant 1 : i32
    %min3A_106 = arith.constant 35 : i32
    %min3A_107 = arith.minsi %min3A, %min3A_106 : i32
    %dma_start3A_108 = arith.constant 0 : i32
    %dma_start3A_109 = arith.constant 0 : i32
    %dma_start3A_110 = tpu.memref_slice %arg3[%add3A, %min3A_107, %dma_start3A_108, %dma_start3A_109] : memref<32x36x7x40xi32, #tpu.memory_space<hbm>> -> memref<1x1x7x40xi32, #tpu.memory_space<hbm>>
    %dma_start3A_111 = tpu.memref_squeeze %dma_start3A_110 : memref<1x1x7x40xi32, #tpu.memory_space<hbm>> -> memref<7x40xi32, #tpu.memory_space<hbm>>
    %dma_start3A_112 = arith.constant 0 : i32
    %dma_start3A_113 = arith.constant 0 : i32
    %dma_start3A_114 = tpu.memref_slice %arg3[%add3A, %min3A_107, %dma_start3A_112, %dma_start3A_113] : memref<32x36x7x40xi32, #tpu.memory_space<hbm>> -> memref<1x1x7x40xi32, #tpu.memory_space<hbm>>
    %dma_start3A_115 = tpu.memref_squeeze %dma_start3A_114 : memref<1x1x7x40xi32, #tpu.memory_space<hbm>> -> memref<7x40xi32, #tpu.memory_space<hbm>>
    tpu.enqueue_dma source(%dma_start3A_115 : memref<7x40xi32, #tpu.memory_space<hbm>>) target(%arg8 : memref<7x40xi32, #tpu.memory_space<vmem>>) target_semaphore(%arg32 : memref<!tpu.dma_semaphore, #tpu.memory_space<semaphore_mem>>)
    %dma_start3A_116 = arith.constant 0 : i32
    %dma_start3A_117 = arith.constant 0 : i32
    %dma_start3A_118 = tpu.memref_slice %arg4[%add3A, %min3A_107, %dma_start3A_116, %dma_start3A_117] : memref<32x36x7x40xi32, #tpu.memory_space<hbm>> -> memref<1x1x7x40xi32, #tpu.memory_space<hbm>>
    %dma_start3A_119 = tpu.memref_squeeze %dma_start3A_118 : memref<1x1x7x40xi32, #tpu.memory_space<hbm>> -> memref<7x40xi32, #tpu.memory_space<hbm>>
    %dma_start3A_120 = arith.constant 0 : i32
    %dma_start3A_121 = arith.constant 0 : i32
    %dma_start3A_122 = tpu.memref_slice %arg4[%add3A, %min3A_107, %dma_start3A_120, %dma_start3A_121] : memref<32x36x7x40xi32, #tpu.memory_space<hbm>> -> memref<1x1x7x40xi32, #tpu.memory_space<hbm>>
    %dma_start3A_123 = tpu.memref_squeeze %dma_start3A_122 : memref<1x1x7x40xi32, #tpu.memory_space<hbm>> -> memref<7x40xi32, #tpu.memory_space<hbm>>
    tpu.enqueue_dma source(%dma_start3A_123 : memref<7x40xi32, #tpu.memory_space<hbm>>) target(%arg9 : memref<7x40xi32, #tpu.memory_space<vmem>>) target_semaphore(%arg33 : memref<!tpu.dma_semaphore, #tpu.memory_space<semaphore_mem>>)
    %dma_wait3A_124 = arith.constant 0 : i32
    %dma_wait3A_125 = arith.constant 0 : i32
    %dma_wait3A_126 = tpu.memref_slice %arg6[%dma_wait3A_124, %dma_wait3A_125] : memref<7x40xi32, #tpu.memory_space<vmem>> -> memref<1x40xi32, #tpu.memory_space<vmem>>
    %dma_wait3A_127 = tpu.memref_squeeze %dma_wait3A_126 : memref<1x40xi32, #tpu.memory_space<vmem>> -> memref<40xi32, #tpu.memory_space<vmem>>
    %dma_wait3A_128 = arith.constant 0 : i32
    %dma_wait3A_129 = arith.constant 0 : i32
    %dma_wait3A_130 = tpu.memref_slice %arg2[%dma_wait3A_128, %dma_wait3A_129] : memref<10000x128xf32, #tpu.memory_space<hbm>> -> memref<10000x128xf32, #tpu.memory_space<hbm>>
    tpu.wait_indirect_dma semaphore(%arg18 : memref<!tpu.dma_semaphore, #tpu.memory_space<semaphore_mem>>) src(%dma_wait3A_130 : memref<10000x128xf32, #tpu.memory_space<hbm>>) dst(%arg10 : memref<40x128xf32, #tpu.memory_space<vmem>>)
    %dma_start3A_131 = arith.constant 0 : i32
    %dma_start3A_132 = arith.constant 0 : i32
    %dma_start3A_133 = tpu.memref_slice %arg7[%dma_start3A_131, %dma_start3A_132] : memref<7x40xi32, #tpu.memory_space<vmem>> -> memref<1x40xi32, #tpu.memory_space<vmem>>
    %dma_start3A_134 = tpu.memref_squeeze %dma_start3A_133 : memref<1x40xi32, #tpu.memory_space<vmem>> -> memref<40xi32, #tpu.memory_space<vmem>>
    %dma_start3A_135 = arith.constant 0 : i32
    %dma_start3A_136 = arith.constant 0 : i32
    %dma_start3A_137 = tpu.memref_slice %arg17[%dma_start3A_135, %dma_start3A_136] : memref<10008x128xf32, #tpu.memory_space<vmem_shared>> -> memref<10008x128xf32, #tpu.memory_space<vmem_shared>>
    tpu.enqueue_indirect_dma source(%arg10 : memref<40x128xf32, #tpu.memory_space<vmem>>) target(%dma_start3A_137 : memref<10008x128xf32, #tpu.memory_space<vmem_shared>>) offsets(%dma_start3A_134 : memref<40xi32, #tpu.memory_space<vmem>>) semaphore(%arg25 : memref<!tpu.dma_semaphore, #tpu.memory_space<semaphore_mem>>) {add = true}
    %dma_wait3A_138 = arith.constant 1 : i32
    %dma_wait3A_139 = arith.constant 0 : i32
    %dma_wait3A_140 = tpu.memref_slice %arg6[%dma_wait3A_138, %dma_wait3A_139] : memref<7x40xi32, #tpu.memory_space<vmem>> -> memref<1x40xi32, #tpu.memory_space<vmem>>
    %dma_wait3A_141 = tpu.memref_squeeze %dma_wait3A_140 : memref<1x40xi32, #tpu.memory_space<vmem>> -> memref<40xi32, #tpu.memory_space<vmem>>
    %dma_wait3A_142 = arith.constant 0 : i32
    %dma_wait3A_143 = arith.constant 0 : i32
    %dma_wait3A_144 = tpu.memref_slice %arg2[%dma_wait3A_142, %dma_wait3A_143] : memref<10000x128xf32, #tpu.memory_space<hbm>> -> memref<10000x128xf32, #tpu.memory_space<hbm>>
    tpu.wait_indirect_dma semaphore(%arg19 : memref<!tpu.dma_semaphore, #tpu.memory_space<semaphore_mem>>) src(%dma_wait3A_144 : memref<10000x128xf32, #tpu.memory_space<hbm>>) dst(%arg11 : memref<40x128xf32, #tpu.memory_space<vmem>>)
    %dma_start3A_145 = arith.constant 1 : i32
    %dma_start3A_146 = arith.constant 0 : i32
    %dma_start3A_147 = tpu.memref_slice %arg7[%dma_start3A_145, %dma_start3A_146] : memref<7x40xi32, #tpu.memory_space<vmem>> -> memref<1x40xi32, #tpu.memory_space<vmem>>
    %dma_start3A_148 = tpu.memref_squeeze %dma_start3A_147 : memref<1x40xi32, #tpu.memory_space<vmem>> -> memref<40xi32, #tpu.memory_space<vmem>>
    %dma_start3A_149 = arith.constant 0 : i32
    %dma_start3A_150 = arith.constant 0 : i32
    %dma_start3A_151 = tpu.memref_slice %arg17[%dma_start3A_149, %dma_start3A_150] : memref<10008x128xf32, #tpu.memory_space<vmem_shared>> -> memref<10008x128xf32, #tpu.memory_space<vmem_shared>>
    tpu.enqueue_indirect_dma source(%arg11 : memref<40x128xf32, #tpu.memory_space<vmem>>) target(%dma_start3A_151 : memref<10008x128xf32, #tpu.memory_space<vmem_shared>>) offsets(%dma_start3A_148 : memref<40xi32, #tpu.memory_space<vmem>>) semaphore(%arg26 : memref<!tpu.dma_semaphore, #tpu.memory_space<semaphore_mem>>) {add = true}
    %dma_wait3A_152 = arith.constant 2 : i32
    %dma_wait3A_153 = arith.constant 0 : i32
    %dma_wait3A_154 = tpu.memref_slice %arg6[%dma_wait3A_152, %dma_wait3A_153] : memref<7x40xi32, #tpu.memory_space<vmem>> -> memref<1x40xi32, #tpu.memory_space<vmem>>
    %dma_wait3A_155 = tpu.memref_squeeze %dma_wait3A_154 : memref<1x40xi32, #tpu.memory_space<vmem>> -> memref<40xi32, #tpu.memory_space<vmem>>
    %dma_wait3A_156 = arith.constant 0 : i32
    %dma_wait3A_157 = arith.constant 0 : i32
    %dma_wait3A_158 = tpu.memref_slice %arg2[%dma_wait3A_156, %dma_wait3A_157] : memref<10000x128xf32, #tpu.memory_space<hbm>> -> memref<10000x128xf32, #tpu.memory_space<hbm>>
    tpu.wait_indirect_dma semaphore(%arg20 : memref<!tpu.dma_semaphore, #tpu.memory_space<semaphore_mem>>) src(%dma_wait3A_158 : memref<10000x128xf32, #tpu.memory_space<hbm>>) dst(%arg12 : memref<40x128xf32, #tpu.memory_space<vmem>>)
    %dma_start3A_159 = arith.constant 2 : i32
    %dma_start3A_160 = arith.constant 0 : i32
    %dma_start3A_161 = tpu.memref_slice %arg7[%dma_start3A_159, %dma_start3A_160] : memref<7x40xi32, #tpu.memory_space<vmem>> -> memref<1x40xi32, #tpu.memory_space<vmem>>
    %dma_start3A_162 = tpu.memref_squeeze %dma_start3A_161 : memref<1x40xi32, #tpu.memory_space<vmem>> -> memref<40xi32, #tpu.memory_space<vmem>>
    %dma_start3A_163 = arith.constant 0 : i32
    %dma_start3A_164 = arith.constant 0 : i32
    %dma_start3A_165 = tpu.memref_slice %arg17[%dma_start3A_163, %dma_start3A_164] : memref<10008x128xf32, #tpu.memory_space<vmem_shared>> -> memref<10008x128xf32, #tpu.memory_space<vmem_shared>>
    tpu.enqueue_indirect_dma source(%arg12 : memref<40x128xf32, #tpu.memory_space<vmem>>) target(%dma_start3A_165 : memref<10008x128xf32, #tpu.memory_space<vmem_shared>>) offsets(%dma_start3A_162 : memref<40xi32, #tpu.memory_space<vmem>>) semaphore(%arg27 : memref<!tpu.dma_semaphore, #tpu.memory_space<semaphore_mem>>) {add = true}
    %dma_wait3A_166 = arith.constant 3 : i32
    %dma_wait3A_167 = arith.constant 0 : i32
    %dma_wait3A_168 = tpu.memref_slice %arg6[%dma_wait3A_166, %dma_wait3A_167] : memref<7x40xi32, #tpu.memory_space<vmem>> -> memref<1x40xi32, #tpu.memory_space<vmem>>
    %dma_wait3A_169 = tpu.memref_squeeze %dma_wait3A_168 : memref<1x40xi32, #tpu.memory_space<vmem>> -> memref<40xi32, #tpu.memory_space<vmem>>
    %dma_wait3A_170 = arith.constant 0 : i32
    %dma_wait3A_171 = arith.constant 0 : i32
    %dma_wait3A_172 = tpu.memref_slice %arg2[%dma_wait3A_170, %dma_wait3A_171] : memref<10000x128xf32, #tpu.memory_space<hbm>> -> memref<10000x128xf32, #tpu.memory_space<hbm>>
    tpu.wait_indirect_dma semaphore(%arg21 : memref<!tpu.dma_semaphore, #tpu.memory_space<semaphore_mem>>) src(%dma_wait3A_172 : memref<10000x128xf32, #tpu.memory_space<hbm>>) dst(%arg13 : memref<40x128xf32, #tpu.memory_space<vmem>>)
    %dma_start3A_173 = arith.constant 3 : i32
    %dma_start3A_174 = arith.constant 0 : i32
    %dma_start3A_175 = tpu.memref_slice %arg7[%dma_start3A_173, %dma_start3A_174] : memref<7x40xi32, #tpu.memory_space<vmem>> -> memref<1x40xi32, #tpu.memory_space<vmem>>
    %dma_start3A_176 = tpu.memref_squeeze %dma_start3A_175 : memref<1x40xi32, #tpu.memory_space<vmem>> -> memref<40xi32, #tpu.memory_space<vmem>>
    %dma_start3A_177 = arith.constant 0 : i32
    %dma_start3A_178 = arith.constant 0 : i32
    %dma_start3A_179 = tpu.memref_slice %arg17[%dma_start3A_177, %dma_start3A_178] : memref<10008x128xf32, #tpu.memory_space<vmem_shared>> -> memref<10008x128xf32, #tpu.memory_space<vmem_shared>>
    tpu.enqueue_indirect_dma source(%arg13 : memref<40x128xf32, #tpu.memory_space<vmem>>) target(%dma_start3A_179 : memref<10008x128xf32, #tpu.memory_space<vmem_shared>>) offsets(%dma_start3A_176 : memref<40xi32, #tpu.memory_space<vmem>>) semaphore(%arg28 : memref<!tpu.dma_semaphore, #tpu.memory_space<semaphore_mem>>) {add = true}
    %dma_wait3A_180 = arith.constant 4 : i32
    %dma_wait3A_181 = arith.constant 0 : i32
    %dma_wait3A_182 = tpu.memref_slice %arg6[%dma_wait3A_180, %dma_wait3A_181] : memref<7x40xi32, #tpu.memory_space<vmem>> -> memref<1x40xi32, #tpu.memory_space<vmem>>
    %dma_wait3A_183 = tpu.memref_squeeze %dma_wait3A_182 : memref<1x40xi32, #tpu.memory_space<vmem>> -> memref<40xi32, #tpu.memory_space<vmem>>
    %dma_wait3A_184 = arith.constant 0 : i32
    %dma_wait3A_185 = arith.constant 0 : i32
    %dma_wait3A_186 = tpu.memref_slice %arg2[%dma_wait3A_184, %dma_wait3A_185] : memref<10000x128xf32, #tpu.memory_space<hbm>> -> memref<10000x128xf32, #tpu.memory_space<hbm>>
    tpu.wait_indirect_dma semaphore(%arg22 : memref<!tpu.dma_semaphore, #tpu.memory_space<semaphore_mem>>) src(%dma_wait3A_186 : memref<10000x128xf32, #tpu.memory_space<hbm>>) dst(%arg14 : memref<40x128xf32, #tpu.memory_space<vmem>>)
    %dma_start3A_187 = arith.constant 4 : i32
    %dma_start3A_188 = arith.constant 0 : i32
    %dma_start3A_189 = tpu.memref_slice %arg7[%dma_start3A_187, %dma_start3A_188] : memref<7x40xi32, #tpu.memory_space<vmem>> -> memref<1x40xi32, #tpu.memory_space<vmem>>
    %dma_start3A_190 = tpu.memref_squeeze %dma_start3A_189 : memref<1x40xi32, #tpu.memory_space<vmem>> -> memref<40xi32, #tpu.memory_space<vmem>>
    %dma_start3A_191 = arith.constant 0 : i32
    %dma_start3A_192 = arith.constant 0 : i32
    %dma_start3A_193 = tpu.memref_slice %arg17[%dma_start3A_191, %dma_start3A_192] : memref<10008x128xf32, #tpu.memory_space<vmem_shared>> -> memref<10008x128xf32, #tpu.memory_space<vmem_shared>>
    tpu.enqueue_indirect_dma source(%arg14 : memref<40x128xf32, #tpu.memory_space<vmem>>) target(%dma_start3A_193 : memref<10008x128xf32, #tpu.memory_space<vmem_shared>>) offsets(%dma_start3A_190 : memref<40xi32, #tpu.memory_space<vmem>>) semaphore(%arg29 : memref<!tpu.dma_semaphore, #tpu.memory_space<semaphore_mem>>) {add = true}
    %dma_wait3A_194 = arith.constant 5 : i32
    %dma_wait3A_195 = arith.constant 0 : i32
    %dma_wait3A_196 = tpu.memref_slice %arg6[%dma_wait3A_194, %dma_wait3A_195] : memref<7x40xi32, #tpu.memory_space<vmem>> -> memref<1x40xi32, #tpu.memory_space<vmem>>
    %dma_wait3A_197 = tpu.memref_squeeze %dma_wait3A_196 : memref<1x40xi32, #tpu.memory_space<vmem>> -> memref<40xi32, #tpu.memory_space<vmem>>
    %dma_wait3A_198 = arith.constant 0 : i32
    %dma_wait3A_199 = arith.constant 0 : i32
    %dma_wait3A_200 = tpu.memref_slice %arg2[%dma_wait3A_198, %dma_wait3A_199] : memref<10000x128xf32, #tpu.memory_space<hbm>> -> memref<10000x128xf32, #tpu.memory_space<hbm>>
    tpu.wait_indirect_dma semaphore(%arg23 : memref<!tpu.dma_semaphore, #tpu.memory_space<semaphore_mem>>) src(%dma_wait3A_200 : memref<10000x128xf32, #tpu.memory_space<hbm>>) dst(%arg15 : memref<40x128xf32, #tpu.memory_space<vmem>>)
    %dma_start3A_201 = arith.constant 5 : i32
    %dma_start3A_202 = arith.constant 0 : i32
    %dma_start3A_203 = tpu.memref_slice %arg7[%dma_start3A_201, %dma_start3A_202] : memref<7x40xi32, #tpu.memory_space<vmem>> -> memref<1x40xi32, #tpu.memory_space<vmem>>
    %dma_start3A_204 = tpu.memref_squeeze %dma_start3A_203 : memref<1x40xi32, #tpu.memory_space<vmem>> -> memref<40xi32, #tpu.memory_space<vmem>>
    %dma_start3A_205 = arith.constant 0 : i32
    %dma_start3A_206 = arith.constant 0 : i32
    %dma_start3A_207 = tpu.memref_slice %arg17[%dma_start3A_205, %dma_start3A_206] : memref<10008x128xf32, #tpu.memory_space<vmem_shared>> -> memref<10008x128xf32, #tpu.memory_space<vmem_shared>>
    tpu.enqueue_indirect_dma source(%arg15 : memref<40x128xf32, #tpu.memory_space<vmem>>) target(%dma_start3A_207 : memref<10008x128xf32, #tpu.memory_space<vmem_shared>>) offsets(%dma_start3A_204 : memref<40xi32, #tpu.memory_space<vmem>>) semaphore(%arg30 : memref<!tpu.dma_semaphore, #tpu.memory_space<semaphore_mem>>) {add = true}
    %dma_wait3A_208 = arith.constant 6 : i32
    %dma_wait3A_209 = arith.constant 0 : i32
    %dma_wait3A_210 = tpu.memref_slice %arg6[%dma_wait3A_208, %dma_wait3A_209] : memref<7x40xi32, #tpu.memory_space<vmem>> -> memref<1x40xi32, #tpu.memory_space<vmem>>
    %dma_wait3A_211 = tpu.memref_squeeze %dma_wait3A_210 : memref<1x40xi32, #tpu.memory_space<vmem>> -> memref<40xi32, #tpu.memory_space<vmem>>
    %dma_wait3A_212 = arith.constant 0 : i32
    %dma_wait3A_213 = arith.constant 0 : i32
    %dma_wait3A_214 = tpu.memref_slice %arg2[%dma_wait3A_212, %dma_wait3A_213] : memref<10000x128xf32, #tpu.memory_space<hbm>> -> memref<10000x128xf32, #tpu.memory_space<hbm>>
    tpu.wait_indirect_dma semaphore(%arg24 : memref<!tpu.dma_semaphore, #tpu.memory_space<semaphore_mem>>) src(%dma_wait3A_214 : memref<10000x128xf32, #tpu.memory_space<hbm>>) dst(%arg16 : memref<40x128xf32, #tpu.memory_space<vmem>>)
    %dma_start3A_215 = arith.constant 6 : i32
    %dma_start3A_216 = arith.constant 0 : i32
    %dma_start3A_217 = tpu.memref_slice %arg7[%dma_start3A_215, %dma_start3A_216] : memref<7x40xi32, #tpu.memory_space<vmem>> -> memref<1x40xi32, #tpu.memory_space<vmem>>
    %dma_start3A_218 = tpu.memref_squeeze %dma_start3A_217 : memref<1x40xi32, #tpu.memory_space<vmem>> -> memref<40xi32, #tpu.memory_space<vmem>>
    %dma_start3A_219 = arith.constant 0 : i32
    %dma_start3A_220 = arith.constant 0 : i32
    %dma_start3A_221 = tpu.memref_slice %arg17[%dma_start3A_219, %dma_start3A_220] : memref<10008x128xf32, #tpu.memory_space<vmem_shared>> -> memref<10008x128xf32, #tpu.memory_space<vmem_shared>>
    tpu.enqueue_indirect_dma source(%arg16 : memref<40x128xf32, #tpu.memory_space<vmem>>) target(%dma_start3A_221 : memref<10008x128xf32, #tpu.memory_space<vmem_shared>>) offsets(%dma_start3A_218 : memref<40xi32, #tpu.memory_space<vmem>>) semaphore(%arg31 : memref<!tpu.dma_semaphore, #tpu.memory_space<semaphore_mem>>) {add = true}
    %dma_wait3A_222 = arith.constant 0 : i32
    %dma_wait3A_223 = arith.constant 0 : i32
    %dma_wait3A_224 = tpu.memref_slice %arg3[%add3A, %min3A_107, %dma_wait3A_222, %dma_wait3A_223] : memref<32x36x7x40xi32, #tpu.memory_space<hbm>> -> memref<1x1x7x40xi32, #tpu.memory_space<hbm>>
    %dma_wait3A_225 = tpu.memref_squeeze %dma_wait3A_224 : memref<1x1x7x40xi32, #tpu.memory_space<hbm>> -> memref<7x40xi32, #tpu.memory_space<hbm>>
    %dma_wait3A_226 = arith.constant 0 : i32
    %dma_wait3A_227 = arith.constant 0 : i32
    %dma_wait3A_228 = tpu.memref_slice %arg3[%add3A, %min3A_107, %dma_wait3A_226, %dma_wait3A_227] : memref<32x36x7x40xi32, #tpu.memory_space<hbm>> -> memref<1x1x7x40xi32, #tpu.memory_space<hbm>>
    %dma_wait3A_229 = tpu.memref_squeeze %dma_wait3A_228 : memref<1x1x7x40xi32, #tpu.memory_space<hbm>> -> memref<7x40xi32, #tpu.memory_space<hbm>>
    tpu.wait_dma2 semaphore(%arg32 : memref<!tpu.dma_semaphore, #tpu.memory_space<semaphore_mem>>) src(%dma_wait3A_229 : memref<7x40xi32, #tpu.memory_space<hbm>>) dst(%arg8 : memref<7x40xi32, #tpu.memory_space<vmem>>)
    %dma_wait3A_230 = arith.constant 0 : i32
    %dma_wait3A_231 = arith.constant 0 : i32
    %dma_wait3A_232 = tpu.memref_slice %arg4[%add3A, %min3A_107, %dma_wait3A_230, %dma_wait3A_231] : memref<32x36x7x40xi32, #tpu.memory_space<hbm>> -> memref<1x1x7x40xi32, #tpu.memory_space<hbm>>
    %dma_wait3A_233 = tpu.memref_squeeze %dma_wait3A_232 : memref<1x1x7x40xi32, #tpu.memory_space<hbm>> -> memref<7x40xi32, #tpu.memory_space<hbm>>
    %dma_wait3A_234 = arith.constant 0 : i32
    %dma_wait3A_235 = arith.constant 0 : i32
    %dma_wait3A_236 = tpu.memref_slice %arg4[%add3A, %min3A_107, %dma_wait3A_234, %dma_wait3A_235] : memref<32x36x7x40xi32, #tpu.memory_space<hbm>> -> memref<1x1x7x40xi32, #tpu.memory_space<hbm>>
    %dma_wait3A_237 = tpu.memref_squeeze %dma_wait3A_236 : memref<1x1x7x40xi32, #tpu.memory_space<hbm>> -> memref<7x40xi32, #tpu.memory_space<hbm>>
    tpu.wait_dma2 semaphore(%arg33 : memref<!tpu.dma_semaphore, #tpu.memory_space<semaphore_mem>>) src(%dma_wait3A_237 : memref<7x40xi32, #tpu.memory_space<hbm>>) dst(%arg9 : memref<7x40xi32, #tpu.memory_space<vmem>>)
    %dma_wait3A_238 = arith.constant 0 : i32
    %dma_wait3A_239 = arith.constant 0 : i32
    %dma_wait3A_240 = tpu.memref_slice %arg7[%dma_wait3A_238, %dma_wait3A_239] : memref<7x40xi32, #tpu.memory_space<vmem>> -> memref<1x40xi32, #tpu.memory_space<vmem>>
    %dma_wait3A_241 = tpu.memref_squeeze %dma_wait3A_240 : memref<1x40xi32, #tpu.memory_space<vmem>> -> memref<40xi32, #tpu.memory_space<vmem>>
    %dma_wait3A_242 = arith.constant 0 : i32
    %dma_wait3A_243 = arith.constant 0 : i32
    %dma_wait3A_244 = tpu.memref_slice %arg17[%dma_wait3A_242, %dma_wait3A_243] : memref<10008x128xf32, #tpu.memory_space<vmem_shared>> -> memref<10008x128xf32, #tpu.memory_space<vmem_shared>>
    tpu.wait_indirect_dma semaphore(%arg25 : memref<!tpu.dma_semaphore, #tpu.memory_space<semaphore_mem>>) src(%arg10 : memref<40x128xf32, #tpu.memory_space<vmem>>) dst(%dma_wait3A_244 : memref<10008x128xf32, #tpu.memory_space<vmem_shared>>)
    %dma_wait3A_245 = arith.constant 1 : i32
    %dma_wait3A_246 = arith.constant 0 : i32
    %dma_wait3A_247 = tpu.memref_slice %arg7[%dma_wait3A_245, %dma_wait3A_246] : memref<7x40xi32, #tpu.memory_space<vmem>> -> memref<1x40xi32, #tpu.memory_space<vmem>>
    %dma_wait3A_248 = tpu.memref_squeeze %dma_wait3A_247 : memref<1x40xi32, #tpu.memory_space<vmem>> -> memref<40xi32, #tpu.memory_space<vmem>>
    %dma_wait3A_249 = arith.constant 0 : i32
    %dma_wait3A_250 = arith.constant 0 : i32
    %dma_wait3A_251 = tpu.memref_slice %arg17[%dma_wait3A_249, %dma_wait3A_250] : memref<10008x128xf32, #tpu.memory_space<vmem_shared>> -> memref<10008x128xf32, #tpu.memory_space<vmem_shared>>
    tpu.wait_indirect_dma semaphore(%arg26 : memref<!tpu.dma_semaphore, #tpu.memory_space<semaphore_mem>>) src(%arg11 : memref<40x128xf32, #tpu.memory_space<vmem>>) dst(%dma_wait3A_251 : memref<10008x128xf32, #tpu.memory_space<vmem_shared>>)
    %dma_wait3A_252 = arith.constant 2 : i32
    %dma_wait3A_253 = arith.constant 0 : i32
    %dma_wait3A_254 = tpu.memref_slice %arg7[%dma_wait3A_252, %dma_wait3A_253] : memref<7x40xi32, #tpu.memory_space<vmem>> -> memref<1x40xi32, #tpu.memory_space<vmem>>
    %dma_wait3A_255 = tpu.memref_squeeze %dma_wait3A_254 : memref<1x40xi32, #tpu.memory_space<vmem>> -> memref<40xi32, #tpu.memory_space<vmem>>
    %dma_wait3A_256 = arith.constant 0 : i32
    %dma_wait3A_257 = arith.constant 0 : i32
    %dma_wait3A_258 = tpu.memref_slice %arg17[%dma_wait3A_256, %dma_wait3A_257] : memref<10008x128xf32, #tpu.memory_space<vmem_shared>> -> memref<10008x128xf32, #tpu.memory_space<vmem_shared>>
    tpu.wait_indirect_dma semaphore(%arg27 : memref<!tpu.dma_semaphore, #tpu.memory_space<semaphore_mem>>) src(%arg12 : memref<40x128xf32, #tpu.memory_space<vmem>>) dst(%dma_wait3A_258 : memref<10008x128xf32, #tpu.memory_space<vmem_shared>>)
    %dma_wait3A_259 = arith.constant 3 : i32
    %dma_wait3A_260 = arith.constant 0 : i32
    %dma_wait3A_261 = tpu.memref_slice %arg7[%dma_wait3A_259, %dma_wait3A_260] : memref<7x40xi32, #tpu.memory_space<vmem>> -> memref<1x40xi32, #tpu.memory_space<vmem>>
    %dma_wait3A_262 = tpu.memref_squeeze %dma_wait3A_261 : memref<1x40xi32, #tpu.memory_space<vmem>> -> memref<40xi32, #tpu.memory_space<vmem>>
    %dma_wait3A_263 = arith.constant 0 : i32
    %dma_wait3A_264 = arith.constant 0 : i32
    %dma_wait3A_265 = tpu.memref_slice %arg17[%dma_wait3A_263, %dma_wait3A_264] : memref<10008x128xf32, #tpu.memory_space<vmem_shared>> -> memref<10008x128xf32, #tpu.memory_space<vmem_shared>>
    tpu.wait_indirect_dma semaphore(%arg28 : memref<!tpu.dma_semaphore, #tpu.memory_space<semaphore_mem>>) src(%arg13 : memref<40x128xf32, #tpu.memory_space<vmem>>) dst(%dma_wait3A_265 : memref<10008x128xf32, #tpu.memory_space<vmem_shared>>)
    %dma_wait3A_266 = arith.constant 4 : i32
    %dma_wait3A_267 = arith.constant 0 : i32
    %dma_wait3A_268 = tpu.memref_slice %arg7[%dma_wait3A_266, %dma_wait3A_267] : memref<7x40xi32, #tpu.memory_space<vmem>> -> memref<1x40xi32, #tpu.memory_space<vmem>>
    %dma_wait3A_269 = tpu.memref_squeeze %dma_wait3A_268 : memref<1x40xi32, #tpu.memory_space<vmem>> -> memref<40xi32, #tpu.memory_space<vmem>>
    %dma_wait3A_270 = arith.constant 0 : i32
    %dma_wait3A_271 = arith.constant 0 : i32
    %dma_wait3A_272 = tpu.memref_slice %arg17[%dma_wait3A_270, %dma_wait3A_271] : memref<10008x128xf32, #tpu.memory_space<vmem_shared>> -> memref<10008x128xf32, #tpu.memory_space<vmem_shared>>
    tpu.wait_indirect_dma semaphore(%arg29 : memref<!tpu.dma_semaphore, #tpu.memory_space<semaphore_mem>>) src(%arg14 : memref<40x128xf32, #tpu.memory_space<vmem>>) dst(%dma_wait3A_272 : memref<10008x128xf32, #tpu.memory_space<vmem_shared>>)
    %dma_wait3A_273 = arith.constant 5 : i32
    %dma_wait3A_274 = arith.constant 0 : i32
    %dma_wait3A_275 = tpu.memref_slice %arg7[%dma_wait3A_273, %dma_wait3A_274] : memref<7x40xi32, #tpu.memory_space<vmem>> -> memref<1x40xi32, #tpu.memory_space<vmem>>
    %dma_wait3A_276 = tpu.memref_squeeze %dma_wait3A_275 : memref<1x40xi32, #tpu.memory_space<vmem>> -> memref<40xi32, #tpu.memory_space<vmem>>
    %dma_wait3A_277 = arith.constant 0 : i32
    %dma_wait3A_278 = arith.constant 0 : i32
    %dma_wait3A_279 = tpu.memref_slice %arg17[%dma_wait3A_277, %dma_wait3A_278] : memref<10008x128xf32, #tpu.memory_space<vmem_shared>> -> memref<10008x128xf32, #tpu.memory_space<vmem_shared>>
    tpu.wait_indirect_dma semaphore(%arg30 : memref<!tpu.dma_semaphore, #tpu.memory_space<semaphore_mem>>) src(%arg15 : memref<40x128xf32, #tpu.memory_space<vmem>>) dst(%dma_wait3A_279 : memref<10008x128xf32, #tpu.memory_space<vmem_shared>>)
    %dma_wait3A_280 = arith.constant 6 : i32
    %dma_wait3A_281 = arith.constant 0 : i32
    %dma_wait3A_282 = tpu.memref_slice %arg7[%dma_wait3A_280, %dma_wait3A_281] : memref<7x40xi32, #tpu.memory_space<vmem>> -> memref<1x40xi32, #tpu.memory_space<vmem>>
    %dma_wait3A_283 = tpu.memref_squeeze %dma_wait3A_282 : memref<1x40xi32, #tpu.memory_space<vmem>> -> memref<40xi32, #tpu.memory_space<vmem>>
    %dma_wait3A_284 = arith.constant 0 : i32
    %dma_wait3A_285 = arith.constant 0 : i32
    %dma_wait3A_286 = tpu.memref_slice %arg17[%dma_wait3A_284, %dma_wait3A_285] : memref<10008x128xf32, #tpu.memory_space<vmem_shared>> -> memref<10008x128xf32, #tpu.memory_space<vmem_shared>>
    tpu.wait_indirect_dma semaphore(%arg31 : memref<!tpu.dma_semaphore, #tpu.memory_space<semaphore_mem>>) src(%arg16 : memref<40x128xf32, #tpu.memory_space<vmem>>) dst(%dma_wait3A_286 : memref<10008x128xf32, #tpu.memory_space<vmem_shared>>)
    %min3A_287 = arith.constant 2 : i32
    %min3A_288 = arith.constant 35 : i32
    %min3A_289 = arith.minsi %min3A_287, %min3A_288 : i32
    %dma_start3A_290 = arith.constant 0 : i32
    %dma_start3A_291 = arith.constant 0 : i32
    %dma_start3A_292 = tpu.memref_slice %arg3[%add3A, %min3A_289, %dma_start3A_290, %dma_start3A_291] : memref<32x36x7x40xi32, #tpu.memory_space<hbm>> -> memref<1x1x7x40xi32, #tpu.memory_space<hbm>>
    %dma_start3A_293 = tpu.memref_squeeze %dma_start3A_292 : memref<1x1x7x40xi32, #tpu.memory_space<hbm>> -> memref<7x40xi32, #tpu.memory_space<hbm>>
    %dma_start3A_294 = arith.constant 0 : i32
    %dma_start3A_295 = arith.constant 0 : i32
    %dma_start3A_296 = tpu.memref_slice %arg3[%add3A, %min3A_289, %dma_start3A_294, %dma_start3A_295] : memref<32x36x7x40xi32, #tpu.memory_space<hbm>> -> memref<1x1x7x40xi32, #tpu.memory_space<hbm>>
    %dma_start3A_297 = tpu.memref_squeeze %dma_start3A_296 : memref<1x1x7x40xi32, #tpu.memory_space<hbm>> -> memref<7x40xi32, #tpu.memory_space<hbm>>
    tpu.enqueue_dma source(%dma_start3A_297 : memref<7x40xi32, #tpu.memory_space<hbm>>) target(%arg6 : memref<7x40xi32, #tpu.memory_space<vmem>>) target_semaphore(%arg32 : memref<!tpu.dma_semaphore, #tpu.memory_space<semaphore_mem>>)
    %dma_start3A_298 = arith.constant 0 : i32
    %dma_start3A_299 = arith.constant 0 : i32
    %dma_start3A_300 = tpu.memref_slice %arg4[%add3A, %min3A_289, %dma_start3A_298, %dma_start3A_299] : memref<32x36x7x40xi32, #tpu.memory_space<hbm>> -> memref<1x1x7x40xi32, #tpu.memory_space<hbm>>
    %dma_start3A_301 = tpu.memref_squeeze %dma_start3A_300 : memref<1x1x7x40xi32, #tpu.memory_space<hbm>> -> memref<7x40xi32, #tpu.memory_space<hbm>>
    %dma_start3A_302 = arith.constant 0 : i32
    %dma_start3A_303 = arith.constant 0 : i32
    %dma_start3A_304 = tpu.memref_slice %arg4[%add3A, %min3A_289, %dma_start3A_302, %dma_start3A_303] : memref<32x36x7x40xi32, #tpu.memory_space<hbm>> -> memref<1x1x7x40xi32, #tpu.memory_space<hbm>>
    %dma_start3A_305 = tpu.memref_squeeze %dma_start3A_304 : memref<1x1x7x40xi32, #tpu.memory_space<hbm>> -> memref<7x40xi32, #tpu.memory_space<hbm>>
    tpu.enqueue_dma source(%dma_start3A_305 : memref<7x40xi32, #tpu.memory_space<hbm>>) target(%arg7 : memref<7x40xi32, #tpu.memory_space<vmem>>) target_semaphore(%arg33 : memref<!tpu.dma_semaphore, #tpu.memory_space<semaphore_mem>>)
    %dma_start3A_306 = arith.constant 0 : i32
    %dma_start3A_307 = arith.constant 0 : i32
    %dma_start3A_308 = tpu.memref_slice %arg8[%dma_start3A_306, %dma_start3A_307] : memref<7x40xi32, #tpu.memory_space<vmem>> -> memref<1x40xi32, #tpu.memory_space<vmem>>
    %dma_start3A_309 = tpu.memref_squeeze %dma_start3A_308 : memref<1x40xi32, #tpu.memory_space<vmem>> -> memref<40xi32, #tpu.memory_space<vmem>>
    %dma_start3A_310 = arith.constant 0 : i32
    %dma_start3A_311 = arith.constant 0 : i32
    %dma_start3A_312 = tpu.memref_slice %arg2[%dma_start3A_310, %dma_start3A_311] : memref<10000x128xf32, #tpu.memory_space<hbm>> -> memref<10000x128xf32, #tpu.memory_space<hbm>>
    tpu.enqueue_indirect_dma source(%dma_start3A_312 : memref<10000x128xf32, #tpu.memory_space<hbm>>) target(%arg10 : memref<40x128xf32, #tpu.memory_space<vmem>>) offsets(%dma_start3A_309 : memref<40xi32, #tpu.memory_space<vmem>>) semaphore(%arg18 : memref<!tpu.dma_semaphore, #tpu.memory_space<semaphore_mem>>)
    %dma_start3A_313 = arith.constant 1 : i32
    %dma_start3A_314 = arith.constant 0 : i32
    %dma_start3A_315 = tpu.memref_slice %arg8[%dma_start3A_313, %dma_start3A_314] : memref<7x40xi32, #tpu.memory_space<vmem>> -> memref<1x40xi32, #tpu.memory_space<vmem>>
    %dma_start3A_316 = tpu.memref_squeeze %dma_start3A_315 : memref<1x40xi32, #tpu.memory_space<vmem>> -> memref<40xi32, #tpu.memory_space<vmem>>
    %dma_start3A_317 = arith.constant 0 : i32
    %dma_start3A_318 = arith.constant 0 : i32
    %dma_start3A_319 = tpu.memref_slice %arg2[%dma_start3A_317, %dma_start3A_318] : memref<10000x128xf32, #tpu.memory_space<hbm>> -> memref<10000x128xf32, #tpu.memory_space<hbm>>
    tpu.enqueue_indirect_dma source(%dma_start3A_319 : memref<10000x128xf32, #tpu.memory_space<hbm>>) target(%arg11 : memref<40x128xf32, #tpu.memory_space<vmem>>) offsets(%dma_start3A_316 : memref<40xi32, #tpu.memory_space<vmem>>) semaphore(%arg19 : memref<!tpu.dma_semaphore, #tpu.memory_space<semaphore_mem>>)
    %dma_start3A_320 = arith.constant 2 : i32
    %dma_start3A_321 = arith.constant 0 : i32
    %dma_start3A_322 = tpu.memref_slice %arg8[%dma_start3A_320, %dma_start3A_321] : memref<7x40xi32, #tpu.memory_space<vmem>> -> memref<1x40xi32, #tpu.memory_space<vmem>>
    %dma_start3A_323 = tpu.memref_squeeze %dma_start3A_322 : memref<1x40xi32, #tpu.memory_space<vmem>> -> memref<40xi32, #tpu.memory_space<vmem>>
    %dma_start3A_324 = arith.constant 0 : i32
    %dma_start3A_325 = arith.constant 0 : i32
    %dma_start3A_326 = tpu.memref_slice %arg2[%dma_start3A_324, %dma_start3A_325] : memref<10000x128xf32, #tpu.memory_space<hbm>> -> memref<10000x128xf32, #tpu.memory_space<hbm>>
    tpu.enqueue_indirect_dma source(%dma_start3A_326 : memref<10000x128xf32, #tpu.memory_space<hbm>>) target(%arg12 : memref<40x128xf32, #tpu.memory_space<vmem>>) offsets(%dma_start3A_323 : memref<40xi32, #tpu.memory_space<vmem>>) semaphore(%arg20 : memref<!tpu.dma_semaphore, #tpu.memory_space<semaphore_mem>>)
    %dma_start3A_327 = arith.constant 3 : i32
    %dma_start3A_328 = arith.constant 0 : i32
    %dma_start3A_329 = tpu.memref_slice %arg8[%dma_start3A_327, %dma_start3A_328] : memref<7x40xi32, #tpu.memory_space<vmem>> -> memref<1x40xi32, #tpu.memory_space<vmem>>
    %dma_start3A_330 = tpu.memref_squeeze %dma_start3A_329 : memref<1x40xi32, #tpu.memory_space<vmem>> -> memref<40xi32, #tpu.memory_space<vmem>>
    %dma_start3A_331 = arith.constant 0 : i32
    %dma_start3A_332 = arith.constant 0 : i32
    %dma_start3A_333 = tpu.memref_slice %arg2[%dma_start3A_331, %dma_start3A_332] : memref<10000x128xf32, #tpu.memory_space<hbm>> -> memref<10000x128xf32, #tpu.memory_space<hbm>>
    tpu.enqueue_indirect_dma source(%dma_start3A_333 : memref<10000x128xf32, #tpu.memory_space<hbm>>) target(%arg13 : memref<40x128xf32, #tpu.memory_space<vmem>>) offsets(%dma_start3A_330 : memref<40xi32, #tpu.memory_space<vmem>>) semaphore(%arg21 : memref<!tpu.dma_semaphore, #tpu.memory_space<semaphore_mem>>)
    %dma_start3A_334 = arith.constant 4 : i32
    %dma_start3A_335 = arith.constant 0 : i32
    %dma_start3A_336 = tpu.memref_slice %arg8[%dma_start3A_334, %dma_start3A_335] : memref<7x40xi32, #tpu.memory_space<vmem>> -> memref<1x40xi32, #tpu.memory_space<vmem>>
    %dma_start3A_337 = tpu.memref_squeeze %dma_start3A_336 : memref<1x40xi32, #tpu.memory_space<vmem>> -> memref<40xi32, #tpu.memory_space<vmem>>
    %dma_start3A_338 = arith.constant 0 : i32
    %dma_start3A_339 = arith.constant 0 : i32
    %dma_start3A_340 = tpu.memref_slice %arg2[%dma_start3A_338, %dma_start3A_339] : memref<10000x128xf32, #tpu.memory_space<hbm>> -> memref<10000x128xf32, #tpu.memory_space<hbm>>
    tpu.enqueue_indirect_dma source(%dma_start3A_340 : memref<10000x128xf32, #tpu.memory_space<hbm>>) target(%arg14 : memref<40x128xf32, #tpu.memory_space<vmem>>) offsets(%dma_start3A_337 : memref<40xi32, #tpu.memory_space<vmem>>) semaphore(%arg22 : memref<!tpu.dma_semaphore, #tpu.memory_space<semaphore_mem>>)
    %dma_start3A_341 = arith.constant 5 : i32
    %dma_start3A_342 = arith.constant 0 : i32
    %dma_start3A_343 = tpu.memref_slice %arg8[%dma_start3A_341, %dma_start3A_342] : memref<7x40xi32, #tpu.memory_space<vmem>> -> memref<1x40xi32, #tpu.memory_space<vmem>>
    %dma_start3A_344 = tpu.memref_squeeze %dma_start3A_343 : memref<1x40xi32, #tpu.memory_space<vmem>> -> memref<40xi32, #tpu.memory_space<vmem>>
    %dma_start3A_345 = arith.constant 0 : i32
    %dma_start3A_346 = arith.constant 0 : i32
    %dma_start3A_347 = tpu.memref_slice %arg2[%dma_start3A_345, %dma_start3A_346] : memref<10000x128xf32, #tpu.memory_space<hbm>> -> memref<10000x128xf32, #tpu.memory_space<hbm>>
    tpu.enqueue_indirect_dma source(%dma_start3A_347 : memref<10000x128xf32, #tpu.memory_space<hbm>>) target(%arg15 : memref<40x128xf32, #tpu.memory_space<vmem>>) offsets(%dma_start3A_344 : memref<40xi32, #tpu.memory_space<vmem>>) semaphore(%arg23 : memref<!tpu.dma_semaphore, #tpu.memory_space<semaphore_mem>>)
    %dma_start3A_348 = arith.constant 6 : i32
    %dma_start3A_349 = arith.constant 0 : i32
    %dma_start3A_350 = tpu.memref_slice %arg8[%dma_start3A_348, %dma_start3A_349] : memref<7x40xi32, #tpu.memory_space<vmem>> -> memref<1x40xi32, #tpu.memory_space<vmem>>
    %dma_start3A_351 = tpu.memref_squeeze %dma_start3A_350 : memref<1x40xi32, #tpu.memory_space<vmem>> -> memref<40xi32, #tpu.memory_space<vmem>>
    %dma_start3A_352 = arith.constant 0 : i32
    %dma_start3A_353 = arith.constant 0 : i32
    %dma_start3A_354 = tpu.memref_slice %arg2[%dma_start3A_352, %dma_start3A_353] : memref<10000x128xf32, #tpu.memory_space<hbm>> -> memref<10000x128xf32, #tpu.memory_space<hbm>>
    tpu.enqueue_indirect_dma source(%dma_start3A_354 : memref<10000x128xf32, #tpu.memory_space<hbm>>) target(%arg16 : memref<40x128xf32, #tpu.memory_space<vmem>>) offsets(%dma_start3A_351 : memref<40xi32, #tpu.memory_space<vmem>>) semaphore(%arg24 : memref<!tpu.dma_semaphore, #tpu.memory_space<semaphore_mem>>)
    %dma_wait3A_355 = arith.constant 0 : i32
    %dma_wait3A_356 = arith.constant 0 : i32
    %dma_wait3A_357 = tpu.memref_slice %arg8[%dma_wait3A_355, %dma_wait3A_356] : memref<7x40xi32, #tpu.memory_space<vmem>> -> memref<1x40xi32, #tpu.memory_space<vmem>>
    %dma_wait3A_358 = tpu.memref_squeeze %dma_wait3A_357 : memref<1x40xi32, #tpu.memory_space<vmem>> -> memref<40xi32, #tpu.memory_space<vmem>>
    %dma_wait3A_359 = arith.constant 0 : i32
    %dma_wait3A_360 = arith.constant 0 : i32
    %dma_wait3A_361 = tpu.memref_slice %arg2[%dma_wait3A_359, %dma_wait3A_360] : memref<10000x128xf32, #tpu.memory_space<hbm>> -> memref<10000x128xf32, #tpu.memory_space<hbm>>
    tpu.wait_indirect_dma semaphore(%arg18 : memref<!tpu.dma_semaphore, #tpu.memory_space<semaphore_mem>>) src(%dma_wait3A_361 : memref<10000x128xf32, #tpu.memory_space<hbm>>) dst(%arg10 : memref<40x128xf32, #tpu.memory_space<vmem>>)
    %dma_start3A_362 = arith.constant 0 : i32
    %dma_start3A_363 = arith.constant 0 : i32
    %dma_start3A_364 = tpu.memref_slice %arg9[%dma_start3A_362, %dma_start3A_363] : memref<7x40xi32, #tpu.memory_space<vmem>> -> memref<1x40xi32, #tpu.memory_space<vmem>>
    %dma_start3A_365 = tpu.memref_squeeze %dma_start3A_364 : memref<1x40xi32, #tpu.memory_space<vmem>> -> memref<40xi32, #tpu.memory_space<vmem>>
    %dma_start3A_366 = arith.constant 0 : i32
    %dma_start3A_367 = arith.constant 0 : i32
    %dma_start3A_368 = tpu.memref_slice %arg17[%dma_start3A_366, %dma_start3A_367] : memref<10008x128xf32, #tpu.memory_space<vmem_shared>> -> memref<10008x128xf32, #tpu.memory_space<vmem_shared>>
    tpu.enqueue_indirect_dma source(%arg10 : memref<40x128xf32, #tpu.memory_space<vmem>>) target(%dma_start3A_368 : memref<10008x128xf32, #tpu.memory_space<vmem_shared>>) offsets(%dma_start3A_365 : memref<40xi32, #tpu.memory_space<vmem>>) semaphore(%arg25 : memref<!tpu.dma_semaphore, #tpu.memory_space<semaphore_mem>>) {add = true}
    %dma_wait3A_369 = arith.constant 1 : i32
    %dma_wait3A_370 = arith.constant 0 : i32
    %dma_wait3A_371 = tpu.memref_slice %arg8[%dma_wait3A_369, %dma_wait3A_370] : memref<7x40xi32, #tpu.memory_space<vmem>> -> memref<1x40xi32, #tpu.memory_space<vmem>>
    %dma_wait3A_372 = tpu.memref_squeeze %dma_wait3A_371 : memref<1x40xi32, #tpu.memory_space<vmem>> -> memref<40xi32, #tpu.memory_space<vmem>>
    %dma_wait3A_373 = arith.constant 0 : i32
    %dma_wait3A_374 = arith.constant 0 : i32
    %dma_wait3A_375 = tpu.memref_slice %arg2[%dma_wait3A_373, %dma_wait3A_374] : memref<10000x128xf32, #tpu.memory_space<hbm>> -> memref<10000x128xf32, #tpu.memory_space<hbm>>
    tpu.wait_indirect_dma semaphore(%arg19 : memref<!tpu.dma_semaphore, #tpu.memory_space<semaphore_mem>>) src(%dma_wait3A_375 : memref<10000x128xf32, #tpu.memory_space<hbm>>) dst(%arg11 : memref<40x128xf32, #tpu.memory_space<vmem>>)
    %dma_start3A_376 = arith.constant 1 : i32
    %dma_start3A_377 = arith.constant 0 : i32
    %dma_start3A_378 = tpu.memref_slice %arg9[%dma_start3A_376, %dma_start3A_377] : memref<7x40xi32, #tpu.memory_space<vmem>> -> memref<1x40xi32, #tpu.memory_space<vmem>>
    %dma_start3A_379 = tpu.memref_squeeze %dma_start3A_378 : memref<1x40xi32, #tpu.memory_space<vmem>> -> memref<40xi32, #tpu.memory_space<vmem>>
    %dma_start3A_380 = arith.constant 0 : i32
    %dma_start3A_381 = arith.constant 0 : i32
    %dma_start3A_382 = tpu.memref_slice %arg17[%dma_start3A_380, %dma_start3A_381] : memref<10008x128xf32, #tpu.memory_space<vmem_shared>> -> memref<10008x128xf32, #tpu.memory_space<vmem_shared>>
    tpu.enqueue_indirect_dma source(%arg11 : memref<40x128xf32, #tpu.memory_space<vmem>>) target(%dma_start3A_382 : memref<10008x128xf32, #tpu.memory_space<vmem_shared>>) offsets(%dma_start3A_379 : memref<40xi32, #tpu.memory_space<vmem>>) semaphore(%arg26 : memref<!tpu.dma_semaphore, #tpu.memory_space<semaphore_mem>>) {add = true}
    %dma_wait3A_383 = arith.constant 2 : i32
    %dma_wait3A_384 = arith.constant 0 : i32
    %dma_wait3A_385 = tpu.memref_slice %arg8[%dma_wait3A_383, %dma_wait3A_384] : memref<7x40xi32, #tpu.memory_space<vmem>> -> memref<1x40xi32, #tpu.memory_space<vmem>>
    %dma_wait3A_386 = tpu.memref_squeeze %dma_wait3A_385 : memref<1x40xi32, #tpu.memory_space<vmem>> -> memref<40xi32, #tpu.memory_space<vmem>>
    %dma_wait3A_387 = arith.constant 0 : i32
    %dma_wait3A_388 = arith.constant 0 : i32
    %dma_wait3A_389 = tpu.memref_slice %arg2[%dma_wait3A_387, %dma_wait3A_388] : memref<10000x128xf32, #tpu.memory_space<hbm>> -> memref<10000x128xf32, #tpu.memory_space<hbm>>
    tpu.wait_indirect_dma semaphore(%arg20 : memref<!tpu.dma_semaphore, #tpu.memory_space<semaphore_mem>>) src(%dma_wait3A_389 : memref<10000x128xf32, #tpu.memory_space<hbm>>) dst(%arg12 : memref<40x128xf32, #tpu.memory_space<vmem>>)
    %dma_start3A_390 = arith.constant 2 : i32
    %dma_start3A_391 = arith.constant 0 : i32
    %dma_start3A_392 = tpu.memref_slice %arg9[%dma_start3A_390, %dma_start3A_391] : memref<7x40xi32, #tpu.memory_space<vmem>> -> memref<1x40xi32, #tpu.memory_space<vmem>>
    %dma_start3A_393 = tpu.memref_squeeze %dma_start3A_392 : memref<1x40xi32, #tpu.memory_space<vmem>> -> memref<40xi32, #tpu.memory_space<vmem>>
    %dma_start3A_394 = arith.constant 0 : i32
    %dma_start3A_395 = arith.constant 0 : i32
    %dma_start3A_396 = tpu.memref_slice %arg17[%dma_start3A_394, %dma_start3A_395] : memref<10008x128xf32, #tpu.memory_space<vmem_shared>> -> memref<10008x128xf32, #tpu.memory_space<vmem_shared>>
    tpu.enqueue_indirect_dma source(%arg12 : memref<40x128xf32, #tpu.memory_space<vmem>>) target(%dma_start3A_396 : memref<10008x128xf32, #tpu.memory_space<vmem_shared>>) offsets(%dma_start3A_393 : memref<40xi32, #tpu.memory_space<vmem>>) semaphore(%arg27 : memref<!tpu.dma_semaphore, #tpu.memory_space<semaphore_mem>>) {add = true}
    %dma_wait3A_397 = arith.constant 3 : i32
    %dma_wait3A_398 = arith.constant 0 : i32
    %dma_wait3A_399 = tpu.memref_slice %arg8[%dma_wait3A_397, %dma_wait3A_398] : memref<7x40xi32, #tpu.memory_space<vmem>> -> memref<1x40xi32, #tpu.memory_space<vmem>>
    %dma_wait3A_400 = tpu.memref_squeeze %dma_wait3A_399 : memref<1x40xi32, #tpu.memory_space<vmem>> -> memref<40xi32, #tpu.memory_space<vmem>>
    %dma_wait3A_401 = arith.constant 0 : i32
    %dma_wait3A_402 = arith.constant 0 : i32
    %dma_wait3A_403 = tpu.memref_slice %arg2[%dma_wait3A_401, %dma_wait3A_402] : memref<10000x128xf32, #tpu.memory_space<hbm>> -> memref<10000x128xf32, #tpu.memory_space<hbm>>
    tpu.wait_indirect_dma semaphore(%arg21 : memref<!tpu.dma_semaphore, #tpu.memory_space<semaphore_mem>>) src(%dma_wait3A_403 : memref<10000x128xf32, #tpu.memory_space<hbm>>) dst(%arg13 : memref<40x128xf32, #tpu.memory_space<vmem>>)
    %dma_start3A_404 = arith.constant 3 : i32
    %dma_start3A_405 = arith.constant 0 : i32
    %dma_start3A_406 = tpu.memref_slice %arg9[%dma_start3A_404, %dma_start3A_405] : memref<7x40xi32, #tpu.memory_space<vmem>> -> memref<1x40xi32, #tpu.memory_space<vmem>>
    %dma_start3A_407 = tpu.memref_squeeze %dma_start3A_406 : memref<1x40xi32, #tpu.memory_space<vmem>> -> memref<40xi32, #tpu.memory_space<vmem>>
    %dma_start3A_408 = arith.constant 0 : i32
    %dma_start3A_409 = arith.constant 0 : i32
    %dma_start3A_410 = tpu.memref_slice %arg17[%dma_start3A_408, %dma_start3A_409] : memref<10008x128xf32, #tpu.memory_space<vmem_shared>> -> memref<10008x128xf32, #tpu.memory_space<vmem_shared>>
    tpu.enqueue_indirect_dma source(%arg13 : memref<40x128xf32, #tpu.memory_space<vmem>>) target(%dma_start3A_410 : memref<10008x128xf32, #tpu.memory_space<vmem_shared>>) offsets(%dma_start3A_407 : memref<40xi32, #tpu.memory_space<vmem>>) semaphore(%arg28 : memref<!tpu.dma_semaphore, #tpu.memory_space<semaphore_mem>>) {add = true}
    %dma_wait3A_411 = arith.constant 4 : i32
    %dma_wait3A_412 = arith.constant 0 : i32
    %dma_wait3A_413 = tpu.memref_slice %arg8[%dma_wait3A_411, %dma_wait3A_412] : memref<7x40xi32, #tpu.memory_space<vmem>> -> memref<1x40xi32, #tpu.memory_space<vmem>>
    %dma_wait3A_414 = tpu.memref_squeeze %dma_wait3A_413 : memref<1x40xi32, #tpu.memory_space<vmem>> -> memref<40xi32, #tpu.memory_space<vmem>>
    %dma_wait3A_415 = arith.constant 0 : i32
    %dma_wait3A_416 = arith.constant 0 : i32
    %dma_wait3A_417 = tpu.memref_slice %arg2[%dma_wait3A_415, %dma_wait3A_416] : memref<10000x128xf32, #tpu.memory_space<hbm>> -> memref<10000x128xf32, #tpu.memory_space<hbm>>
    tpu.wait_indirect_dma semaphore(%arg22 : memref<!tpu.dma_semaphore, #tpu.memory_space<semaphore_mem>>) src(%dma_wait3A_417 : memref<10000x128xf32, #tpu.memory_space<hbm>>) dst(%arg14 : memref<40x128xf32, #tpu.memory_space<vmem>>)
    %dma_start3A_418 = arith.constant 4 : i32
    %dma_start3A_419 = arith.constant 0 : i32
    %dma_start3A_420 = tpu.memref_slice %arg9[%dma_start3A_418, %dma_start3A_419] : memref<7x40xi32, #tpu.memory_space<vmem>> -> memref<1x40xi32, #tpu.memory_space<vmem>>
    %dma_start3A_421 = tpu.memref_squeeze %dma_start3A_420 : memref<1x40xi32, #tpu.memory_space<vmem>> -> memref<40xi32, #tpu.memory_space<vmem>>
    %dma_start3A_422 = arith.constant 0 : i32
    %dma_start3A_423 = arith.constant 0 : i32
    %dma_start3A_424 = tpu.memref_slice %arg17[%dma_start3A_422, %dma_start3A_423] : memref<10008x128xf32, #tpu.memory_space<vmem_shared>> -> memref<10008x128xf32, #tpu.memory_space<vmem_shared>>
    tpu.enqueue_indirect_dma source(%arg14 : memref<40x128xf32, #tpu.memory_space<vmem>>) target(%dma_start3A_424 : memref<10008x128xf32, #tpu.memory_space<vmem_shared>>) offsets(%dma_start3A_421 : memref<40xi32, #tpu.memory_space<vmem>>) semaphore(%arg29 : memref<!tpu.dma_semaphore, #tpu.memory_space<semaphore_mem>>) {add = true}
    %dma_wait3A_425 = arith.constant 5 : i32
    %dma_wait3A_426 = arith.constant 0 : i32
    %dma_wait3A_427 = tpu.memref_slice %arg8[%dma_wait3A_425, %dma_wait3A_426] : memref<7x40xi32, #tpu.memory_space<vmem>> -> memref<1x40xi32, #tpu.memory_space<vmem>>
    %dma_wait3A_428 = tpu.memref_squeeze %dma_wait3A_427 : memref<1x40xi32, #tpu.memory_space<vmem>> -> memref<40xi32, #tpu.memory_space<vmem>>
    %dma_wait3A_429 = arith.constant 0 : i32
    %dma_wait3A_430 = arith.constant 0 : i32
    %dma_wait3A_431 = tpu.memref_slice %arg2[%dma_wait3A_429, %dma_wait3A_430] : memref<10000x128xf32, #tpu.memory_space<hbm>> -> memref<10000x128xf32, #tpu.memory_space<hbm>>
    tpu.wait_indirect_dma semaphore(%arg23 : memref<!tpu.dma_semaphore, #tpu.memory_space<semaphore_mem>>) src(%dma_wait3A_431 : memref<10000x128xf32, #tpu.memory_space<hbm>>) dst(%arg15 : memref<40x128xf32, #tpu.memory_space<vmem>>)
    %dma_start3A_432 = arith.constant 5 : i32
    %dma_start3A_433 = arith.constant 0 : i32
    %dma_start3A_434 = tpu.memref_slice %arg9[%dma_start3A_432, %dma_start3A_433] : memref<7x40xi32, #tpu.memory_space<vmem>> -> memref<1x40xi32, #tpu.memory_space<vmem>>
    %dma_start3A_435 = tpu.memref_squeeze %dma_start3A_434 : memref<1x40xi32, #tpu.memory_space<vmem>> -> memref<40xi32, #tpu.memory_space<vmem>>
    %dma_start3A_436 = arith.constant 0 : i32
    %dma_start3A_437 = arith.constant 0 : i32
    %dma_start3A_438 = tpu.memref_slice %arg17[%dma_start3A_436, %dma_start3A_437] : memref<10008x128xf32, #tpu.memory_space<vmem_shared>> -> memref<10008x128xf32, #tpu.memory_space<vmem_shared>>
    tpu.enqueue_indirect_dma source(%arg15 : memref<40x128xf32, #tpu.memory_space<vmem>>) target(%dma_start3A_438 : memref<10008x128xf32, #tpu.memory_space<vmem_shared>>) offsets(%dma_start3A_435 : memref<40xi32, #tpu.memory_space<vmem>>) semaphore(%arg30 : memref<!tpu.dma_semaphore, #tpu.memory_space<semaphore_mem>>) {add = true}
    %dma_wait3A_439 = arith.constant 6 : i32
    %dma_wait3A_440 = arith.constant 0 : i32
    %dma_wait3A_441 = tpu.memref_slice %arg8[%dma_wait3A_439, %dma_wait3A_440] : memref<7x40xi32, #tpu.memory_space<vmem>> -> memref<1x40xi32, #tpu.memory_space<vmem>>
    %dma_wait3A_442 = tpu.memref_squeeze %dma_wait3A_441 : memref<1x40xi32, #tpu.memory_space<vmem>> -> memref<40xi32, #tpu.memory_space<vmem>>
    %dma_wait3A_443 = arith.constant 0 : i32
    %dma_wait3A_444 = arith.constant 0 : i32
    %dma_wait3A_445 = tpu.memref_slice %arg2[%dma_wait3A_443, %dma_wait3A_444] : memref<10000x128xf32, #tpu.memory_space<hbm>> -> memref<10000x128xf32, #tpu.memory_space<hbm>>
    tpu.wait_indirect_dma semaphore(%arg24 : memref<!tpu.dma_semaphore, #tpu.memory_space<semaphore_mem>>) src(%dma_wait3A_445 : memref<10000x128xf32, #tpu.memory_space<hbm>>) dst(%arg16 : memref<40x128xf32, #tpu.memory_space<vmem>>)
    %dma_start3A_446 = arith.constant 6 : i32
    %dma_start3A_447 = arith.constant 0 : i32
    %dma_start3A_448 = tpu.memref_slice %arg9[%dma_start3A_446, %dma_start3A_447] : memref<7x40xi32, #tpu.memory_space<vmem>> -> memref<1x40xi32, #tpu.memory_space<vmem>>
    %dma_start3A_449 = tpu.memref_squeeze %dma_start3A_448 : memref<1x40xi32, #tpu.memory_space<vmem>> -> memref<40xi32, #tpu.memory_space<vmem>>
    %dma_start3A_450 = arith.constant 0 : i32
    %dma_start3A_451 = arith.constant 0 : i32
    %dma_start3A_452 = tpu.memref_slice %arg17[%dma_start3A_450, %dma_start3A_451] : memref<10008x128xf32, #tpu.memory_space<vmem_shared>> -> memref<10008x128xf32, #tpu.memory_space<vmem_shared>>
    tpu.enqueue_indirect_dma source(%arg16 : memref<40x128xf32, #tpu.memory_space<vmem>>) target(%dma_start3A_452 : memref<10008x128xf32, #tpu.memory_space<vmem_shared>>) offsets(%dma_start3A_449 : memref<40xi32, #tpu.memory_space<vmem>>) semaphore(%arg31 : memref<!tpu.dma_semaphore, #tpu.memory_space<semaphore_mem>>) {add = true}
    %dma_wait3A_453 = arith.constant 0 : i32
    %dma_wait3A_454 = arith.constant 0 : i32
    %dma_wait3A_455 = tpu.memref_slice %arg3[%add3A, %min3A_289, %dma_wait3A_453, %dma_wait3A_454] : memref<32x36x7x40xi32, #tpu.memory_space<hbm>> -> memref<1x1x7x40xi32, #tpu.memory_space<hbm>>
    %dma_wait3A_456 = tpu.memref_squeeze %dma_wait3A_455 : memref<1x1x7x40xi32, #tpu.memory_space<hbm>> -> memref<7x40xi32, #tpu.memory_space<hbm>>
    %dma_wait3A_457 = arith.constant 0 : i32
    %dma_wait3A_458 = arith.constant 0 : i32
    %dma_wait3A_459 = tpu.memref_slice %arg3[%add3A, %min3A_289, %dma_wait3A_457, %dma_wait3A_458] : memref<32x36x7x40xi32, #tpu.memory_space<hbm>> -> memref<1x1x7x40xi32, #tpu.memory_space<hbm>>
    %dma_wait3A_460 = tpu.memref_squeeze %dma_wait3A_459 : memref<1x1x7x40xi32, #tpu.memory_space<hbm>> -> memref<7x40xi32, #tpu.memory_space<hbm>>
    tpu.wait_dma2 semaphore(%arg32 : memref<!tpu.dma_semaphore, #tpu.memory_space<semaphore_mem>>) src(%dma_wait3A_460 : memref<7x40xi32, #tpu.memory_space<hbm>>) dst(%arg6 : memref<7x40xi32, #tpu.memory_space<vmem>>)
    %dma_wait3A_461 = arith.constant 0 : i32
    %dma_wait3A_462 = arith.constant 0 : i32
    %dma_wait3A_463 = tpu.memref_slice %arg4[%add3A, %min3A_289, %dma_wait3A_461, %dma_wait3A_462] : memref<32x36x7x40xi32, #tpu.memory_space<hbm>> -> memref<1x1x7x40xi32, #tpu.memory_space<hbm>>
    %dma_wait3A_464 = tpu.memref_squeeze %dma_wait3A_463 : memref<1x1x7x40xi32, #tpu.memory_space<hbm>> -> memref<7x40xi32, #tpu.memory_space<hbm>>
    %dma_wait3A_465 = arith.constant 0 : i32
    %dma_wait3A_466 = arith.constant 0 : i32
    %dma_wait3A_467 = tpu.memref_slice %arg4[%add3A, %min3A_289, %dma_wait3A_465, %dma_wait3A_466] : memref<32x36x7x40xi32, #tpu.memory_space<hbm>> -> memref<1x1x7x40xi32, #tpu.memory_space<hbm>>
    %dma_wait3A_468 = tpu.memref_squeeze %dma_wait3A_467 : memref<1x1x7x40xi32, #tpu.memory_space<hbm>> -> memref<7x40xi32, #tpu.memory_space<hbm>>
    tpu.wait_dma2 semaphore(%arg33 : memref<!tpu.dma_semaphore, #tpu.memory_space<semaphore_mem>>) src(%dma_wait3A_468 : memref<7x40xi32, #tpu.memory_space<hbm>>) dst(%arg7 : memref<7x40xi32, #tpu.memory_space<vmem>>)
    %dma_wait3A_469 = arith.constant 0 : i32
    %dma_wait3A_470 = arith.constant 0 : i32
    %dma_wait3A_471 = tpu.memref_slice %arg9[%dma_wait3A_469, %dma_wait3A_470] : memref<7x40xi32, #tpu.memory_space<vmem>> -> memref<1x40xi32, #tpu.memory_space<vmem>>
    %dma_wait3A_472 = tpu.memref_squeeze %dma_wait3A_471 : memref<1x40xi32, #tpu.memory_space<vmem>> -> memref<40xi32, #tpu.memory_space<vmem>>
    %dma_wait3A_473 = arith.constant 0 : i32
    %dma_wait3A_474 = arith.constant 0 : i32
    %dma_wait3A_475 = tpu.memref_slice %arg17[%dma_wait3A_473, %dma_wait3A_474] : memref<10008x128xf32, #tpu.memory_space<vmem_shared>> -> memref<10008x128xf32, #tpu.memory_space<vmem_shared>>
    tpu.wait_indirect_dma semaphore(%arg25 : memref<!tpu.dma_semaphore, #tpu.memory_space<semaphore_mem>>) src(%arg10 : memref<40x128xf32, #tpu.memory_space<vmem>>) dst(%dma_wait3A_475 : memref<10008x128xf32, #tpu.memory_space<vmem_shared>>)
    %dma_wait3A_476 = arith.constant 1 : i32
    %dma_wait3A_477 = arith.constant 0 : i32
    %dma_wait3A_478 = tpu.memref_slice %arg9[%dma_wait3A_476, %dma_wait3A_477] : memref<7x40xi32, #tpu.memory_space<vmem>> -> memref<1x40xi32, #tpu.memory_space<vmem>>
    %dma_wait3A_479 = tpu.memref_squeeze %dma_wait3A_478 : memref<1x40xi32, #tpu.memory_space<vmem>> -> memref<40xi32, #tpu.memory_space<vmem>>
    %dma_wait3A_480 = arith.constant 0 : i32
    %dma_wait3A_481 = arith.constant 0 : i32
    %dma_wait3A_482 = tpu.memref_slice %arg17[%dma_wait3A_480, %dma_wait3A_481] : memref<10008x128xf32, #tpu.memory_space<vmem_shared>> -> memref<10008x128xf32, #tpu.memory_space<vmem_shared>>
    tpu.wait_indirect_dma semaphore(%arg26 : memref<!tpu.dma_semaphore, #tpu.memory_space<semaphore_mem>>) src(%arg11 : memref<40x128xf32, #tpu.memory_space<vmem>>) dst(%dma_wait3A_482 : memref<10008x128xf32, #tpu.memory_space<vmem_shared>>)
    %dma_wait3A_483 = arith.constant 2 : i32
    %dma_wait3A_484 = arith.constant 0 : i32
    %dma_wait3A_485 = tpu.memref_slice %arg9[%dma_wait3A_483, %dma_wait3A_484] : memref<7x40xi32, #tpu.memory_space<vmem>> -> memref<1x40xi32, #tpu.memory_space<vmem>>
    %dma_wait3A_486 = tpu.memref_squeeze %dma_wait3A_485 : memref<1x40xi32, #tpu.memory_space<vmem>> -> memref<40xi32, #tpu.memory_space<vmem>>
    %dma_wait3A_487 = arith.constant 0 : i32
    %dma_wait3A_488 = arith.constant 0 : i32
    %dma_wait3A_489 = tpu.memref_slice %arg17[%dma_wait3A_487, %dma_wait3A_488] : memref<10008x128xf32, #tpu.memory_space<vmem_shared>> -> memref<10008x128xf32, #tpu.memory_space<vmem_shared>>
    tpu.wait_indirect_dma semaphore(%arg27 : memref<!tpu.dma_semaphore, #tpu.memory_space<semaphore_mem>>) src(%arg12 : memref<40x128xf32, #tpu.memory_space<vmem>>) dst(%dma_wait3A_489 : memref<10008x128xf32, #tpu.memory_space<vmem_shared>>)
    %dma_wait3A_490 = arith.constant 3 : i32
    %dma_wait3A_491 = arith.constant 0 : i32
    %dma_wait3A_492 = tpu.memref_slice %arg9[%dma_wait3A_490, %dma_wait3A_491] : memref<7x40xi32, #tpu.memory_space<vmem>> -> memref<1x40xi32, #tpu.memory_space<vmem>>
    %dma_wait3A_493 = tpu.memref_squeeze %dma_wait3A_492 : memref<1x40xi32, #tpu.memory_space<vmem>> -> memref<40xi32, #tpu.memory_space<vmem>>
    %dma_wait3A_494 = arith.constant 0 : i32
    %dma_wait3A_495 = arith.constant 0 : i32
    %dma_wait3A_496 = tpu.memref_slice %arg17[%dma_wait3A_494, %dma_wait3A_495] : memref<10008x128xf32, #tpu.memory_space<vmem_shared>> -> memref<10008x128xf32, #tpu.memory_space<vmem_shared>>
    tpu.wait_indirect_dma semaphore(%arg28 : memref<!tpu.dma_semaphore, #tpu.memory_space<semaphore_mem>>) src(%arg13 : memref<40x128xf32, #tpu.memory_space<vmem>>) dst(%dma_wait3A_496 : memref<10008x128xf32, #tpu.memory_space<vmem_shared>>)
    %dma_wait3A_497 = arith.constant 4 : i32
    %dma_wait3A_498 = arith.constant 0 : i32
    %dma_wait3A_499 = tpu.memref_slice %arg9[%dma_wait3A_497, %dma_wait3A_498] : memref<7x40xi32, #tpu.memory_space<vmem>> -> memref<1x40xi32, #tpu.memory_space<vmem>>
    %dma_wait3A_500 = tpu.memref_squeeze %dma_wait3A_499 : memref<1x40xi32, #tpu.memory_space<vmem>> -> memref<40xi32, #tpu.memory_space<vmem>>
    %dma_wait3A_501 = arith.constant 0 : i32
    %dma_wait3A_502 = arith.constant 0 : i32
    %dma_wait3A_503 = tpu.memref_slice %arg17[%dma_wait3A_501, %dma_wait3A_502] : memref<10008x128xf32, #tpu.memory_space<vmem_shared>> -> memref<10008x128xf32, #tpu.memory_space<vmem_shared>>
    tpu.wait_indirect_dma semaphore(%arg29 : memref<!tpu.dma_semaphore, #tpu.memory_space<semaphore_mem>>) src(%arg14 : memref<40x128xf32, #tpu.memory_space<vmem>>) dst(%dma_wait3A_503 : memref<10008x128xf32, #tpu.memory_space<vmem_shared>>)
    %dma_wait3A_504 = arith.constant 5 : i32
    %dma_wait3A_505 = arith.constant 0 : i32
    %dma_wait3A_506 = tpu.memref_slice %arg9[%dma_wait3A_504, %dma_wait3A_505] : memref<7x40xi32, #tpu.memory_space<vmem>> -> memref<1x40xi32, #tpu.memory_space<vmem>>
    %dma_wait3A_507 = tpu.memref_squeeze %dma_wait3A_506 : memref<1x40xi32, #tpu.memory_space<vmem>> -> memref<40xi32, #tpu.memory_space<vmem>>
    %dma_wait3A_508 = arith.constant 0 : i32
    %dma_wait3A_509 = arith.constant 0 : i32
    %dma_wait3A_510 = tpu.memref_slice %arg17[%dma_wait3A_508, %dma_wait3A_509] : memref<10008x128xf32, #tpu.memory_space<vmem_shared>> -> memref<10008x128xf32, #tpu.memory_space<vmem_shared>>
    tpu.wait_indirect_dma semaphore(%arg30 : memref<!tpu.dma_semaphore, #tpu.memory_space<semaphore_mem>>) src(%arg15 : memref<40x128xf32, #tpu.memory_space<vmem>>) dst(%dma_wait3A_510 : memref<10008x128xf32, #tpu.memory_space<vmem_shared>>)
    %dma_wait3A_511 = arith.constant 6 : i32
    %dma_wait3A_512 = arith.constant 0 : i32
    %dma_wait3A_513 = tpu.memref_slice %arg9[%dma_wait3A_511, %dma_wait3A_512] : memref<7x40xi32, #tpu.memory_space<vmem>> -> memref<1x40xi32, #tpu.memory_space<vmem>>
    %dma_wait3A_514 = tpu.memref_squeeze %dma_wait3A_513 : memref<1x40xi32, #tpu.memory_space<vmem>> -> memref<40xi32, #tpu.memory_space<vmem>>
    %dma_wait3A_515 = arith.constant 0 : i32
    %dma_wait3A_516 = arith.constant 0 : i32
    %dma_wait3A_517 = tpu.memref_slice %arg17[%dma_wait3A_515, %dma_wait3A_516] : memref<10008x128xf32, #tpu.memory_space<vmem_shared>> -> memref<10008x128xf32, #tpu.memory_space<vmem_shared>>
    tpu.wait_indirect_dma semaphore(%arg31 : memref<!tpu.dma_semaphore, #tpu.memory_space<semaphore_mem>>) src(%arg16 : memref<40x128xf32, #tpu.memory_space<vmem>>) dst(%dma_wait3A_517 : memref<10008x128xf32, #tpu.memory_space<vmem_shared>>)
    %scan3A = arith.constant 0 : i32
    %scan3A_518 = arith.constant 17 : i32
    %scan3A_519 = arith.addi %scan3A, %scan3A_518 : i32
    %scan3A_520 = arith.constant 1 : i32
    scf.for %scan3A_529 = %scan3A to %scan3A_519 step %scan3A_520  : i32 {
      %mul3A_530 = arith.constant 2 : i32
      %mul3A_531 = arith.muli %scan3A_529, %mul3A_530 : i32
      %add3A_532 = arith.constant 2 : i32
      %add3A_533 = arith.addi %add3A_532, %mul3A_531 : i32
      %add3A_534 = arith.constant 1 : i32
      %add3A_535 = arith.addi %add3A_533, %add3A_534 : i32
      %min3A_536 = arith.constant 35 : i32
      %min3A_537 = arith.minsi %add3A_535, %min3A_536 : i32
      %dma_start3A_538 = arith.constant 0 : i32
      %dma_start3A_539 = arith.constant 0 : i32
      %dma_start3A_540 = tpu.memref_slice %arg3[%add3A, %min3A_537, %dma_start3A_538, %dma_start3A_539] : memref<32x36x7x40xi32, #tpu.memory_space<hbm>> -> memref<1x1x7x40xi32, #tpu.memory_space<hbm>>
      %dma_start3A_541 = tpu.memref_squeeze %dma_start3A_540 : memref<1x1x7x40xi32, #tpu.memory_space<hbm>> -> memref<7x40xi32, #tpu.memory_space<hbm>>
      %dma_start3A_542 = arith.constant 0 : i32
      %dma_start3A_543 = arith.constant 0 : i32
      %dma_start3A_544 = tpu.memref_slice %arg3[%add3A, %min3A_537, %dma_start3A_542, %dma_start3A_543] : memref<32x36x7x40xi32, #tpu.memory_space<hbm>> -> memref<1x1x7x40xi32, #tpu.memory_space<hbm>>
      %dma_start3A_545 = tpu.memref_squeeze %dma_start3A_544 : memref<1x1x7x40xi32, #tpu.memory_space<hbm>> -> memref<7x40xi32, #tpu.memory_space<hbm>>
      tpu.enqueue_dma source(%dma_start3A_545 : memref<7x40xi32, #tpu.memory_space<hbm>>) target(%arg8 : memref<7x40xi32, #tpu.memory_space<vmem>>) target_semaphore(%arg32 : memref<!tpu.dma_semaphore, #tpu.memory_space<semaphore_mem>>)
      %dma_start3A_546 = arith.constant 0 : i32
      %dma_start3A_547 = arith.constant 0 : i32
      %dma_start3A_548 = tpu.memref_slice %arg4[%add3A, %min3A_537, %dma_start3A_546, %dma_start3A_547] : memref<32x36x7x40xi32, #tpu.memory_space<hbm>> -> memref<1x1x7x40xi32, #tpu.memory_space<hbm>>
      %dma_start3A_549 = tpu.memref_squeeze %dma_start3A_548 : memref<1x1x7x40xi32, #tpu.memory_space<hbm>> -> memref<7x40xi32, #tpu.memory_space<hbm>>
      %dma_start3A_550 = arith.constant 0 : i32
      %dma_start3A_551 = arith.constant 0 : i32
      %dma_start3A_552 = tpu.memref_slice %arg4[%add3A, %min3A_537, %dma_start3A_550, %dma_start3A_551] : memref<32x36x7x40xi32, #tpu.memory_space<hbm>> -> memref<1x1x7x40xi32, #tpu.memory_space<hbm>>
      %dma_start3A_553 = tpu.memref_squeeze %dma_start3A_552 : memref<1x1x7x40xi32, #tpu.memory_space<hbm>> -> memref<7x40xi32, #tpu.memory_space<hbm>>
      tpu.enqueue_dma source(%dma_start3A_553 : memref<7x40xi32, #tpu.memory_space<hbm>>) target(%arg9 : memref<7x40xi32, #tpu.memory_space<vmem>>) target_semaphore(%arg33 : memref<!tpu.dma_semaphore, #tpu.memory_space<semaphore_mem>>)
      %dma_start3A_554 = arith.constant 0 : i32
      %dma_start3A_555 = arith.constant 0 : i32
      %dma_start3A_556 = tpu.memref_slice %arg6[%dma_start3A_554, %dma_start3A_555] : memref<7x40xi32, #tpu.memory_space<vmem>> -> memref<1x40xi32, #tpu.memory_space<vmem>>
      %dma_start3A_557 = tpu.memref_squeeze %dma_start3A_556 : memref<1x40xi32, #tpu.memory_space<vmem>> -> memref<40xi32, #tpu.memory_space<vmem>>
      %dma_start3A_558 = arith.constant 0 : i32
      %dma_start3A_559 = arith.constant 0 : i32
      %dma_start3A_560 = tpu.memref_slice %arg2[%dma_start3A_558, %dma_start3A_559] : memref<10000x128xf32, #tpu.memory_space<hbm>> -> memref<10000x128xf32, #tpu.memory_space<hbm>>
      tpu.enqueue_indirect_dma source(%dma_start3A_560 : memref<10000x128xf32, #tpu.memory_space<hbm>>) target(%arg10 : memref<40x128xf32, #tpu.memory_space<vmem>>) offsets(%dma_start3A_557 : memref<40xi32, #tpu.memory_space<vmem>>) semaphore(%arg18 : memref<!tpu.dma_semaphore, #tpu.memory_space<semaphore_mem>>)
      %dma_start3A_561 = arith.constant 1 : i32
      %dma_start3A_562 = arith.constant 0 : i32
      %dma_start3A_563 = tpu.memref_slice %arg6[%dma_start3A_561, %dma_start3A_562] : memref<7x40xi32, #tpu.memory_space<vmem>> -> memref<1x40xi32, #tpu.memory_space<vmem>>
      %dma_start3A_564 = tpu.memref_squeeze %dma_start3A_563 : memref<1x40xi32, #tpu.memory_space<vmem>> -> memref<40xi32, #tpu.memory_space<vmem>>
      %dma_start3A_565 = arith.constant 0 : i32
      %dma_start3A_566 = arith.constant 0 : i32
      %dma_start3A_567 = tpu.memref_slice %arg2[%dma_start3A_565, %dma_start3A_566] : memref<10000x128xf32, #tpu.memory_space<hbm>> -> memref<10000x128xf32, #tpu.memory_space<hbm>>
      tpu.enqueue_indirect_dma source(%dma_start3A_567 : memref<10000x128xf32, #tpu.memory_space<hbm>>) target(%arg11 : memref<40x128xf32, #tpu.memory_space<vmem>>) offsets(%dma_start3A_564 : memref<40xi32, #tpu.memory_space<vmem>>) semaphore(%arg19 : memref<!tpu.dma_semaphore, #tpu.memory_space<semaphore_mem>>)
      %dma_start3A_568 = arith.constant 2 : i32
      %dma_start3A_569 = arith.constant 0 : i32
      %dma_start3A_570 = tpu.memref_slice %arg6[%dma_start3A_568, %dma_start3A_569] : memref<7x40xi32, #tpu.memory_space<vmem>> -> memref<1x40xi32, #tpu.memory_space<vmem>>
      %dma_start3A_571 = tpu.memref_squeeze %dma_start3A_570 : memref<1x40xi32, #tpu.memory_space<vmem>> -> memref<40xi32, #tpu.memory_space<vmem>>
      %dma_start3A_572 = arith.constant 0 : i32
      %dma_start3A_573 = arith.constant 0 : i32
      %dma_start3A_574 = tpu.memref_slice %arg2[%dma_start3A_572, %dma_start3A_573] : memref<10000x128xf32, #tpu.memory_space<hbm>> -> memref<10000x128xf32, #tpu.memory_space<hbm>>
      tpu.enqueue_indirect_dma source(%dma_start3A_574 : memref<10000x128xf32, #tpu.memory_space<hbm>>) target(%arg12 : memref<40x128xf32, #tpu.memory_space<vmem>>) offsets(%dma_start3A_571 : memref<40xi32, #tpu.memory_space<vmem>>) semaphore(%arg20 : memref<!tpu.dma_semaphore, #tpu.memory_space<semaphore_mem>>)
      %dma_start3A_575 = arith.constant 3 : i32
      %dma_start3A_576 = arith.constant 0 : i32
      %dma_start3A_577 = tpu.memref_slice %arg6[%dma_start3A_575, %dma_start3A_576] : memref<7x40xi32, #tpu.memory_space<vmem>> -> memref<1x40xi32, #tpu.memory_space<vmem>>
      %dma_start3A_578 = tpu.memref_squeeze %dma_start3A_577 : memref<1x40xi32, #tpu.memory_space<vmem>> -> memref<40xi32, #tpu.memory_space<vmem>>
      %dma_start3A_579 = arith.constant 0 : i32
      %dma_start3A_580 = arith.constant 0 : i32
      %dma_start3A_581 = tpu.memref_slice %arg2[%dma_start3A_579, %dma_start3A_580] : memref<10000x128xf32, #tpu.memory_space<hbm>> -> memref<10000x128xf32, #tpu.memory_space<hbm>>
      tpu.enqueue_indirect_dma source(%dma_start3A_581 : memref<10000x128xf32, #tpu.memory_space<hbm>>) target(%arg13 : memref<40x128xf32, #tpu.memory_space<vmem>>) offsets(%dma_start3A_578 : memref<40xi32, #tpu.memory_space<vmem>>) semaphore(%arg21 : memref<!tpu.dma_semaphore, #tpu.memory_space<semaphore_mem>>)
      %dma_start3A_582 = arith.constant 4 : i32
      %dma_start3A_583 = arith.constant 0 : i32
      %dma_start3A_584 = tpu.memref_slice %arg6[%dma_start3A_582, %dma_start3A_583] : memref<7x40xi32, #tpu.memory_space<vmem>> -> memref<1x40xi32, #tpu.memory_space<vmem>>
      %dma_start3A_585 = tpu.memref_squeeze %dma_start3A_584 : memref<1x40xi32, #tpu.memory_space<vmem>> -> memref<40xi32, #tpu.memory_space<vmem>>
      %dma_start3A_586 = arith.constant 0 : i32
      %dma_start3A_587 = arith.constant 0 : i32
      %dma_start3A_588 = tpu.memref_slice %arg2[%dma_start3A_586, %dma_start3A_587] : memref<10000x128xf32, #tpu.memory_space<hbm>> -> memref<10000x128xf32, #tpu.memory_space<hbm>>
      tpu.enqueue_indirect_dma source(%dma_start3A_588 : memref<10000x128xf32, #tpu.memory_space<hbm>>) target(%arg14 : memref<40x128xf32, #tpu.memory_space<vmem>>) offsets(%dma_start3A_585 : memref<40xi32, #tpu.memory_space<vmem>>) semaphore(%arg22 : memref<!tpu.dma_semaphore, #tpu.memory_space<semaphore_mem>>)
      %dma_start3A_589 = arith.constant 5 : i32
      %dma_start3A_590 = arith.constant 0 : i32
      %dma_start3A_591 = tpu.memref_slice %arg6[%dma_start3A_589, %dma_start3A_590] : memref<7x40xi32, #tpu.memory_space<vmem>> -> memref<1x40xi32, #tpu.memory_space<vmem>>
      %dma_start3A_592 = tpu.memref_squeeze %dma_start3A_591 : memref<1x40xi32, #tpu.memory_space<vmem>> -> memref<40xi32, #tpu.memory_space<vmem>>
      %dma_start3A_593 = arith.constant 0 : i32
      %dma_start3A_594 = arith.constant 0 : i32
      %dma_start3A_595 = tpu.memref_slice %arg2[%dma_start3A_593, %dma_start3A_594] : memref<10000x128xf32, #tpu.memory_space<hbm>> -> memref<10000x128xf32, #tpu.memory_space<hbm>>
      tpu.enqueue_indirect_dma source(%dma_start3A_595 : memref<10000x128xf32, #tpu.memory_space<hbm>>) target(%arg15 : memref<40x128xf32, #tpu.memory_space<vmem>>) offsets(%dma_start3A_592 : memref<40xi32, #tpu.memory_space<vmem>>) semaphore(%arg23 : memref<!tpu.dma_semaphore, #tpu.memory_space<semaphore_mem>>)
      %dma_start3A_596 = arith.constant 6 : i32
      %dma_start3A_597 = arith.constant 0 : i32
      %dma_start3A_598 = tpu.memref_slice %arg6[%dma_start3A_596, %dma_start3A_597] : memref<7x40xi32, #tpu.memory_space<vmem>> -> memref<1x40xi32, #tpu.memory_space<vmem>>
      %dma_start3A_599 = tpu.memref_squeeze %dma_start3A_598 : memref<1x40xi32, #tpu.memory_space<vmem>> -> memref<40xi32, #tpu.memory_space<vmem>>
      %dma_start3A_600 = arith.constant 0 : i32
      %dma_start3A_601 = arith.constant 0 : i32
      %dma_start3A_602 = tpu.memref_slice %arg2[%dma_start3A_600, %dma_start3A_601] : memref<10000x128xf32, #tpu.memory_space<hbm>> -> memref<10000x128xf32, #tpu.memory_space<hbm>>
      tpu.enqueue_indirect_dma source(%dma_start3A_602 : memref<10000x128xf32, #tpu.memory_space<hbm>>) target(%arg16 : memref<40x128xf32, #tpu.memory_space<vmem>>) offsets(%dma_start3A_599 : memref<40xi32, #tpu.memory_space<vmem>>) semaphore(%arg24 : memref<!tpu.dma_semaphore, #tpu.memory_space<semaphore_mem>>)
      %dma_wait3A_603 = arith.constant 0 : i32
      %dma_wait3A_604 = arith.constant 0 : i32
      %dma_wait3A_605 = tpu.memref_slice %arg6[%dma_wait3A_603, %dma_wait3A_604] : memref<7x40xi32, #tpu.memory_space<vmem>> -> memref<1x40xi32, #tpu.memory_space<vmem>>
      %dma_wait3A_606 = tpu.memref_squeeze %dma_wait3A_605 : memref<1x40xi32, #tpu.memory_space<vmem>> -> memref<40xi32, #tpu.memory_space<vmem>>
      %dma_wait3A_607 = arith.constant 0 : i32
      %dma_wait3A_608 = arith.constant 0 : i32
      %dma_wait3A_609 = tpu.memref_slice %arg2[%dma_wait3A_607, %dma_wait3A_608] : memref<10000x128xf32, #tpu.memory_space<hbm>> -> memref<10000x128xf32, #tpu.memory_space<hbm>>
      tpu.wait_indirect_dma semaphore(%arg18 : memref<!tpu.dma_semaphore, #tpu.memory_space<semaphore_mem>>) src(%dma_wait3A_609 : memref<10000x128xf32, #tpu.memory_space<hbm>>) dst(%arg10 : memref<40x128xf32, #tpu.memory_space<vmem>>)
      %dma_start3A_610 = arith.constant 0 : i32
      %dma_start3A_611 = arith.constant 0 : i32
      %dma_start3A_612 = tpu.memref_slice %arg7[%dma_start3A_610, %dma_start3A_611] : memref<7x40xi32, #tpu.memory_space<vmem>> -> memref<1x40xi32, #tpu.memory_space<vmem>>
      %dma_start3A_613 = tpu.memref_squeeze %dma_start3A_612 : memref<1x40xi32, #tpu.memory_space<vmem>> -> memref<40xi32, #tpu.memory_space<vmem>>
      %dma_start3A_614 = arith.constant 0 : i32
      %dma_start3A_615 = arith.constant 0 : i32
      %dma_start3A_616 = tpu.memref_slice %arg17[%dma_start3A_614, %dma_start3A_615] : memref<10008x128xf32, #tpu.memory_space<vmem_shared>> -> memref<10008x128xf32, #tpu.memory_space<vmem_shared>>
      tpu.enqueue_indirect_dma source(%arg10 : memref<40x128xf32, #tpu.memory_space<vmem>>) target(%dma_start3A_616 : memref<10008x128xf32, #tpu.memory_space<vmem_shared>>) offsets(%dma_start3A_613 : memref<40xi32, #tpu.memory_space<vmem>>) semaphore(%arg25 : memref<!tpu.dma_semaphore, #tpu.memory_space<semaphore_mem>>) {add = true}
      %dma_wait3A_617 = arith.constant 1 : i32
      %dma_wait3A_618 = arith.constant 0 : i32
      %dma_wait3A_619 = tpu.memref_slice %arg6[%dma_wait3A_617, %dma_wait3A_618] : memref<7x40xi32, #tpu.memory_space<vmem>> -> memref<1x40xi32, #tpu.memory_space<vmem>>
      %dma_wait3A_620 = tpu.memref_squeeze %dma_wait3A_619 : memref<1x40xi32, #tpu.memory_space<vmem>> -> memref<40xi32, #tpu.memory_space<vmem>>
      %dma_wait3A_621 = arith.constant 0 : i32
      %dma_wait3A_622 = arith.constant 0 : i32
      %dma_wait3A_623 = tpu.memref_slice %arg2[%dma_wait3A_621, %dma_wait3A_622] : memref<10000x128xf32, #tpu.memory_space<hbm>> -> memref<10000x128xf32, #tpu.memory_space<hbm>>
      tpu.wait_indirect_dma semaphore(%arg19 : memref<!tpu.dma_semaphore, #tpu.memory_space<semaphore_mem>>) src(%dma_wait3A_623 : memref<10000x128xf32, #tpu.memory_space<hbm>>) dst(%arg11 : memref<40x128xf32, #tpu.memory_space<vmem>>)
      %dma_start3A_624 = arith.constant 1 : i32
      %dma_start3A_625 = arith.constant 0 : i32
      %dma_start3A_626 = tpu.memref_slice %arg7[%dma_start3A_624, %dma_start3A_625] : memref<7x40xi32, #tpu.memory_space<vmem>> -> memref<1x40xi32, #tpu.memory_space<vmem>>
      %dma_start3A_627 = tpu.memref_squeeze %dma_start3A_626 : memref<1x40xi32, #tpu.memory_space<vmem>> -> memref<40xi32, #tpu.memory_space<vmem>>
      %dma_start3A_628 = arith.constant 0 : i32
      %dma_start3A_629 = arith.constant 0 : i32
      %dma_start3A_630 = tpu.memref_slice %arg17[%dma_start3A_628, %dma_start3A_629] : memref<10008x128xf32, #tpu.memory_space<vmem_shared>> -> memref<10008x128xf32, #tpu.memory_space<vmem_shared>>
      tpu.enqueue_indirect_dma source(%arg11 : memref<40x128xf32, #tpu.memory_space<vmem>>) target(%dma_start3A_630 : memref<10008x128xf32, #tpu.memory_space<vmem_shared>>) offsets(%dma_start3A_627 : memref<40xi32, #tpu.memory_space<vmem>>) semaphore(%arg26 : memref<!tpu.dma_semaphore, #tpu.memory_space<semaphore_mem>>) {add = true}
      %dma_wait3A_631 = arith.constant 2 : i32
      %dma_wait3A_632 = arith.constant 0 : i32
      %dma_wait3A_633 = tpu.memref_slice %arg6[%dma_wait3A_631, %dma_wait3A_632] : memref<7x40xi32, #tpu.memory_space<vmem>> -> memref<1x40xi32, #tpu.memory_space<vmem>>
      %dma_wait3A_634 = tpu.memref_squeeze %dma_wait3A_633 : memref<1x40xi32, #tpu.memory_space<vmem>> -> memref<40xi32, #tpu.memory_space<vmem>>
      %dma_wait3A_635 = arith.constant 0 : i32
      %dma_wait3A_636 = arith.constant 0 : i32
      %dma_wait3A_637 = tpu.memref_slice %arg2[%dma_wait3A_635, %dma_wait3A_636] : memref<10000x128xf32, #tpu.memory_space<hbm>> -> memref<10000x128xf32, #tpu.memory_space<hbm>>
      tpu.wait_indirect_dma semaphore(%arg20 : memref<!tpu.dma_semaphore, #tpu.memory_space<semaphore_mem>>) src(%dma_wait3A_637 : memref<10000x128xf32, #tpu.memory_space<hbm>>) dst(%arg12 : memref<40x128xf32, #tpu.memory_space<vmem>>)
      %dma_start3A_638 = arith.constant 2 : i32
      %dma_start3A_639 = arith.constant 0 : i32
      %dma_start3A_640 = tpu.memref_slice %arg7[%dma_start3A_638, %dma_start3A_639] : memref<7x40xi32, #tpu.memory_space<vmem>> -> memref<1x40xi32, #tpu.memory_space<vmem>>
      %dma_start3A_641 = tpu.memref_squeeze %dma_start3A_640 : memref<1x40xi32, #tpu.memory_space<vmem>> -> memref<40xi32, #tpu.memory_space<vmem>>
      %dma_start3A_642 = arith.constant 0 : i32
      %dma_start3A_643 = arith.constant 0 : i32
      %dma_start3A_644 = tpu.memref_slice %arg17[%dma_start3A_642, %dma_start3A_643] : memref<10008x128xf32, #tpu.memory_space<vmem_shared>> -> memref<10008x128xf32, #tpu.memory_space<vmem_shared>>
      tpu.enqueue_indirect_dma source(%arg12 : memref<40x128xf32, #tpu.memory_space<vmem>>) target(%dma_start3A_644 : memref<10008x128xf32, #tpu.memory_space<vmem_shared>>) offsets(%dma_start3A_641 : memref<40xi32, #tpu.memory_space<vmem>>) semaphore(%arg27 : memref<!tpu.dma_semaphore, #tpu.memory_space<semaphore_mem>>) {add = true}
      %dma_wait3A_645 = arith.constant 3 : i32
      %dma_wait3A_646 = arith.constant 0 : i32
      %dma_wait3A_647 = tpu.memref_slice %arg6[%dma_wait3A_645, %dma_wait3A_646] : memref<7x40xi32, #tpu.memory_space<vmem>> -> memref<1x40xi32, #tpu.memory_space<vmem>>
      %dma_wait3A_648 = tpu.memref_squeeze %dma_wait3A_647 : memref<1x40xi32, #tpu.memory_space<vmem>> -> memref<40xi32, #tpu.memory_space<vmem>>
      %dma_wait3A_649 = arith.constant 0 : i32
      %dma_wait3A_650 = arith.constant 0 : i32
      %dma_wait3A_651 = tpu.memref_slice %arg2[%dma_wait3A_649, %dma_wait3A_650] : memref<10000x128xf32, #tpu.memory_space<hbm>> -> memref<10000x128xf32, #tpu.memory_space<hbm>>
      tpu.wait_indirect_dma semaphore(%arg21 : memref<!tpu.dma_semaphore, #tpu.memory_space<semaphore_mem>>) src(%dma_wait3A_651 : memref<10000x128xf32, #tpu.memory_space<hbm>>) dst(%arg13 : memref<40x128xf32, #tpu.memory_space<vmem>>)
      %dma_start3A_652 = arith.constant 3 : i32
      %dma_start3A_653 = arith.constant 0 : i32
      %dma_start3A_654 = tpu.memref_slice %arg7[%dma_start3A_652, %dma_start3A_653] : memref<7x40xi32, #tpu.memory_space<vmem>> -> memref<1x40xi32, #tpu.memory_space<vmem>>
      %dma_start3A_655 = tpu.memref_squeeze %dma_start3A_654 : memref<1x40xi32, #tpu.memory_space<vmem>> -> memref<40xi32, #tpu.memory_space<vmem>>
      %dma_start3A_656 = arith.constant 0 : i32
      %dma_start3A_657 = arith.constant 0 : i32
      %dma_start3A_658 = tpu.memref_slice %arg17[%dma_start3A_656, %dma_start3A_657] : memref<10008x128xf32, #tpu.memory_space<vmem_shared>> -> memref<10008x128xf32, #tpu.memory_space<vmem_shared>>
      tpu.enqueue_indirect_dma source(%arg13 : memref<40x128xf32, #tpu.memory_space<vmem>>) target(%dma_start3A_658 : memref<10008x128xf32, #tpu.memory_space<vmem_shared>>) offsets(%dma_start3A_655 : memref<40xi32, #tpu.memory_space<vmem>>) semaphore(%arg28 : memref<!tpu.dma_semaphore, #tpu.memory_space<semaphore_mem>>) {add = true}
      %dma_wait3A_659 = arith.constant 4 : i32
      %dma_wait3A_660 = arith.constant 0 : i32
      %dma_wait3A_661 = tpu.memref_slice %arg6[%dma_wait3A_659, %dma_wait3A_660] : memref<7x40xi32, #tpu.memory_space<vmem>> -> memref<1x40xi32, #tpu.memory_space<vmem>>
      %dma_wait3A_662 = tpu.memref_squeeze %dma_wait3A_661 : memref<1x40xi32, #tpu.memory_space<vmem>> -> memref<40xi32, #tpu.memory_space<vmem>>
      %dma_wait3A_663 = arith.constant 0 : i32
      %dma_wait3A_664 = arith.constant 0 : i32
      %dma_wait3A_665 = tpu.memref_slice %arg2[%dma_wait3A_663, %dma_wait3A_664] : memref<10000x128xf32, #tpu.memory_space<hbm>> -> memref<10000x128xf32, #tpu.memory_space<hbm>>
      tpu.wait_indirect_dma semaphore(%arg22 : memref<!tpu.dma_semaphore, #tpu.memory_space<semaphore_mem>>) src(%dma_wait3A_665 : memref<10000x128xf32, #tpu.memory_space<hbm>>) dst(%arg14 : memref<40x128xf32, #tpu.memory_space<vmem>>)
      %dma_start3A_666 = arith.constant 4 : i32
      %dma_start3A_667 = arith.constant 0 : i32
      %dma_start3A_668 = tpu.memref_slice %arg7[%dma_start3A_666, %dma_start3A_667] : memref<7x40xi32, #tpu.memory_space<vmem>> -> memref<1x40xi32, #tpu.memory_space<vmem>>
      %dma_start3A_669 = tpu.memref_squeeze %dma_start3A_668 : memref<1x40xi32, #tpu.memory_space<vmem>> -> memref<40xi32, #tpu.memory_space<vmem>>
      %dma_start3A_670 = arith.constant 0 : i32
      %dma_start3A_671 = arith.constant 0 : i32
      %dma_start3A_672 = tpu.memref_slice %arg17[%dma_start3A_670, %dma_start3A_671] : memref<10008x128xf32, #tpu.memory_space<vmem_shared>> -> memref<10008x128xf32, #tpu.memory_space<vmem_shared>>
      tpu.enqueue_indirect_dma source(%arg14 : memref<40x128xf32, #tpu.memory_space<vmem>>) target(%dma_start3A_672 : memref<10008x128xf32, #tpu.memory_space<vmem_shared>>) offsets(%dma_start3A_669 : memref<40xi32, #tpu.memory_space<vmem>>) semaphore(%arg29 : memref<!tpu.dma_semaphore, #tpu.memory_space<semaphore_mem>>) {add = true}
      %dma_wait3A_673 = arith.constant 5 : i32
      %dma_wait3A_674 = arith.constant 0 : i32
      %dma_wait3A_675 = tpu.memref_slice %arg6[%dma_wait3A_673, %dma_wait3A_674] : memref<7x40xi32, #tpu.memory_space<vmem>> -> memref<1x40xi32, #tpu.memory_space<vmem>>
      %dma_wait3A_676 = tpu.memref_squeeze %dma_wait3A_675 : memref<1x40xi32, #tpu.memory_space<vmem>> -> memref<40xi32, #tpu.memory_space<vmem>>
      %dma_wait3A_677 = arith.constant 0 : i32
      %dma_wait3A_678 = arith.constant 0 : i32
      %dma_wait3A_679 = tpu.memref_slice %arg2[%dma_wait3A_677, %dma_wait3A_678] : memref<10000x128xf32, #tpu.memory_space<hbm>> -> memref<10000x128xf32, #tpu.memory_space<hbm>>
      tpu.wait_indirect_dma semaphore(%arg23 : memref<!tpu.dma_semaphore, #tpu.memory_space<semaphore_mem>>) src(%dma_wait3A_679 : memref<10000x128xf32, #tpu.memory_space<hbm>>) dst(%arg15 : memref<40x128xf32, #tpu.memory_space<vmem>>)
      %dma_start3A_680 = arith.constant 5 : i32
      %dma_start3A_681 = arith.constant 0 : i32
      %dma_start3A_682 = tpu.memref_slice %arg7[%dma_start3A_680, %dma_start3A_681] : memref<7x40xi32, #tpu.memory_space<vmem>> -> memref<1x40xi32, #tpu.memory_space<vmem>>
      %dma_start3A_683 = tpu.memref_squeeze %dma_start3A_682 : memref<1x40xi32, #tpu.memory_space<vmem>> -> memref<40xi32, #tpu.memory_space<vmem>>
      %dma_start3A_684 = arith.constant 0 : i32
      %dma_start3A_685 = arith.constant 0 : i32
      %dma_start3A_686 = tpu.memref_slice %arg17[%dma_start3A_684, %dma_start3A_685] : memref<10008x128xf32, #tpu.memory_space<vmem_shared>> -> memref<10008x128xf32, #tpu.memory_space<vmem_shared>>
      tpu.enqueue_indirect_dma source(%arg15 : memref<40x128xf32, #tpu.memory_space<vmem>>) target(%dma_start3A_686 : memref<10008x128xf32, #tpu.memory_space<vmem_shared>>) offsets(%dma_start3A_683 : memref<40xi32, #tpu.memory_space<vmem>>) semaphore(%arg30 : memref<!tpu.dma_semaphore, #tpu.memory_space<semaphore_mem>>) {add = true}
      %dma_wait3A_687 = arith.constant 6 : i32
      %dma_wait3A_688 = arith.constant 0 : i32
      %dma_wait3A_689 = tpu.memref_slice %arg6[%dma_wait3A_687, %dma_wait3A_688] : memref<7x40xi32, #tpu.memory_space<vmem>> -> memref<1x40xi32, #tpu.memory_space<vmem>>
      %dma_wait3A_690 = tpu.memref_squeeze %dma_wait3A_689 : memref<1x40xi32, #tpu.memory_space<vmem>> -> memref<40xi32, #tpu.memory_space<vmem>>
      %dma_wait3A_691 = arith.constant 0 : i32
      %dma_wait3A_692 = arith.constant 0 : i32
      %dma_wait3A_693 = tpu.memref_slice %arg2[%dma_wait3A_691, %dma_wait3A_692] : memref<10000x128xf32, #tpu.memory_space<hbm>> -> memref<10000x128xf32, #tpu.memory_space<hbm>>
      tpu.wait_indirect_dma semaphore(%arg24 : memref<!tpu.dma_semaphore, #tpu.memory_space<semaphore_mem>>) src(%dma_wait3A_693 : memref<10000x128xf32, #tpu.memory_space<hbm>>) dst(%arg16 : memref<40x128xf32, #tpu.memory_space<vmem>>)
      %dma_start3A_694 = arith.constant 6 : i32
      %dma_start3A_695 = arith.constant 0 : i32
      %dma_start3A_696 = tpu.memref_slice %arg7[%dma_start3A_694, %dma_start3A_695] : memref<7x40xi32, #tpu.memory_space<vmem>> -> memref<1x40xi32, #tpu.memory_space<vmem>>
      %dma_start3A_697 = tpu.memref_squeeze %dma_start3A_696 : memref<1x40xi32, #tpu.memory_space<vmem>> -> memref<40xi32, #tpu.memory_space<vmem>>
      %dma_start3A_698 = arith.constant 0 : i32
      %dma_start3A_699 = arith.constant 0 : i32
      %dma_start3A_700 = tpu.memref_slice %arg17[%dma_start3A_698, %dma_start3A_699] : memref<10008x128xf32, #tpu.memory_space<vmem_shared>> -> memref<10008x128xf32, #tpu.memory_space<vmem_shared>>
      tpu.enqueue_indirect_dma source(%arg16 : memref<40x128xf32, #tpu.memory_space<vmem>>) target(%dma_start3A_700 : memref<10008x128xf32, #tpu.memory_space<vmem_shared>>) offsets(%dma_start3A_697 : memref<40xi32, #tpu.memory_space<vmem>>) semaphore(%arg31 : memref<!tpu.dma_semaphore, #tpu.memory_space<semaphore_mem>>) {add = true}
      %dma_wait3A_701 = arith.constant 0 : i32
      %dma_wait3A_702 = arith.constant 0 : i32
      %dma_wait3A_703 = tpu.memref_slice %arg3[%add3A, %min3A_537, %dma_wait3A_701, %dma_wait3A_702] : memref<32x36x7x40xi32, #tpu.memory_space<hbm>> -> memref<1x1x7x40xi32, #tpu.memory_space<hbm>>
      %dma_wait3A_704 = tpu.memref_squeeze %dma_wait3A_703 : memref<1x1x7x40xi32, #tpu.memory_space<hbm>> -> memref<7x40xi32, #tpu.memory_space<hbm>>
      %dma_wait3A_705 = arith.constant 0 : i32
      %dma_wait3A_706 = arith.constant 0 : i32
      %dma_wait3A_707 = tpu.memref_slice %arg3[%add3A, %min3A_537, %dma_wait3A_705, %dma_wait3A_706] : memref<32x36x7x40xi32, #tpu.memory_space<hbm>> -> memref<1x1x7x40xi32, #tpu.memory_space<hbm>>
      %dma_wait3A_708 = tpu.memref_squeeze %dma_wait3A_707 : memref<1x1x7x40xi32, #tpu.memory_space<hbm>> -> memref<7x40xi32, #tpu.memory_space<hbm>>
      tpu.wait_dma2 semaphore(%arg32 : memref<!tpu.dma_semaphore, #tpu.memory_space<semaphore_mem>>) src(%dma_wait3A_708 : memref<7x40xi32, #tpu.memory_space<hbm>>) dst(%arg8 : memref<7x40xi32, #tpu.memory_space<vmem>>)
      %dma_wait3A_709 = arith.constant 0 : i32
      %dma_wait3A_710 = arith.constant 0 : i32
      %dma_wait3A_711 = tpu.memref_slice %arg4[%add3A, %min3A_537, %dma_wait3A_709, %dma_wait3A_710] : memref<32x36x7x40xi32, #tpu.memory_space<hbm>> -> memref<1x1x7x40xi32, #tpu.memory_space<hbm>>
      %dma_wait3A_712 = tpu.memref_squeeze %dma_wait3A_711 : memref<1x1x7x40xi32, #tpu.memory_space<hbm>> -> memref<7x40xi32, #tpu.memory_space<hbm>>
      %dma_wait3A_713 = arith.constant 0 : i32
      %dma_wait3A_714 = arith.constant 0 : i32
      %dma_wait3A_715 = tpu.memref_slice %arg4[%add3A, %min3A_537, %dma_wait3A_713, %dma_wait3A_714] : memref<32x36x7x40xi32, #tpu.memory_space<hbm>> -> memref<1x1x7x40xi32, #tpu.memory_space<hbm>>
      %dma_wait3A_716 = tpu.memref_squeeze %dma_wait3A_715 : memref<1x1x7x40xi32, #tpu.memory_space<hbm>> -> memref<7x40xi32, #tpu.memory_space<hbm>>
      tpu.wait_dma2 semaphore(%arg33 : memref<!tpu.dma_semaphore, #tpu.memory_space<semaphore_mem>>) src(%dma_wait3A_716 : memref<7x40xi32, #tpu.memory_space<hbm>>) dst(%arg9 : memref<7x40xi32, #tpu.memory_space<vmem>>)
      %dma_wait3A_717 = arith.constant 0 : i32
      %dma_wait3A_718 = arith.constant 0 : i32
      %dma_wait3A_719 = tpu.memref_slice %arg7[%dma_wait3A_717, %dma_wait3A_718] : memref<7x40xi32, #tpu.memory_space<vmem>> -> memref<1x40xi32, #tpu.memory_space<vmem>>
      %dma_wait3A_720 = tpu.memref_squeeze %dma_wait3A_719 : memref<1x40xi32, #tpu.memory_space<vmem>> -> memref<40xi32, #tpu.memory_space<vmem>>
      %dma_wait3A_721 = arith.constant 0 : i32
      %dma_wait3A_722 = arith.constant 0 : i32
      %dma_wait3A_723 = tpu.memref_slice %arg17[%dma_wait3A_721, %dma_wait3A_722] : memref<10008x128xf32, #tpu.memory_space<vmem_shared>> -> memref<10008x128xf32, #tpu.memory_space<vmem_shared>>
      tpu.wait_indirect_dma semaphore(%arg25 : memref<!tpu.dma_semaphore, #tpu.memory_space<semaphore_mem>>) src(%arg10 : memref<40x128xf32, #tpu.memory_space<vmem>>) dst(%dma_wait3A_723 : memref<10008x128xf32, #tpu.memory_space<vmem_shared>>)
      %dma_wait3A_724 = arith.constant 1 : i32
      %dma_wait3A_725 = arith.constant 0 : i32
      %dma_wait3A_726 = tpu.memref_slice %arg7[%dma_wait3A_724, %dma_wait3A_725] : memref<7x40xi32, #tpu.memory_space<vmem>> -> memref<1x40xi32, #tpu.memory_space<vmem>>
      %dma_wait3A_727 = tpu.memref_squeeze %dma_wait3A_726 : memref<1x40xi32, #tpu.memory_space<vmem>> -> memref<40xi32, #tpu.memory_space<vmem>>
      %dma_wait3A_728 = arith.constant 0 : i32
      %dma_wait3A_729 = arith.constant 0 : i32
      %dma_wait3A_730 = tpu.memref_slice %arg17[%dma_wait3A_728, %dma_wait3A_729] : memref<10008x128xf32, #tpu.memory_space<vmem_shared>> -> memref<10008x128xf32, #tpu.memory_space<vmem_shared>>
      tpu.wait_indirect_dma semaphore(%arg26 : memref<!tpu.dma_semaphore, #tpu.memory_space<semaphore_mem>>) src(%arg11 : memref<40x128xf32, #tpu.memory_space<vmem>>) dst(%dma_wait3A_730 : memref<10008x128xf32, #tpu.memory_space<vmem_shared>>)
      %dma_wait3A_731 = arith.constant 2 : i32
      %dma_wait3A_732 = arith.constant 0 : i32
      %dma_wait3A_733 = tpu.memref_slice %arg7[%dma_wait3A_731, %dma_wait3A_732] : memref<7x40xi32, #tpu.memory_space<vmem>> -> memref<1x40xi32, #tpu.memory_space<vmem>>
      %dma_wait3A_734 = tpu.memref_squeeze %dma_wait3A_733 : memref<1x40xi32, #tpu.memory_space<vmem>> -> memref<40xi32, #tpu.memory_space<vmem>>
      %dma_wait3A_735 = arith.constant 0 : i32
      %dma_wait3A_736 = arith.constant 0 : i32
      %dma_wait3A_737 = tpu.memref_slice %arg17[%dma_wait3A_735, %dma_wait3A_736] : memref<10008x128xf32, #tpu.memory_space<vmem_shared>> -> memref<10008x128xf32, #tpu.memory_space<vmem_shared>>
      tpu.wait_indirect_dma semaphore(%arg27 : memref<!tpu.dma_semaphore, #tpu.memory_space<semaphore_mem>>) src(%arg12 : memref<40x128xf32, #tpu.memory_space<vmem>>) dst(%dma_wait3A_737 : memref<10008x128xf32, #tpu.memory_space<vmem_shared>>)
      %dma_wait3A_738 = arith.constant 3 : i32
      %dma_wait3A_739 = arith.constant 0 : i32
      %dma_wait3A_740 = tpu.memref_slice %arg7[%dma_wait3A_738, %dma_wait3A_739] : memref<7x40xi32, #tpu.memory_space<vmem>> -> memref<1x40xi32, #tpu.memory_space<vmem>>
      %dma_wait3A_741 = tpu.memref_squeeze %dma_wait3A_740 : memref<1x40xi32, #tpu.memory_space<vmem>> -> memref<40xi32, #tpu.memory_space<vmem>>
      %dma_wait3A_742 = arith.constant 0 : i32
      %dma_wait3A_743 = arith.constant 0 : i32
      %dma_wait3A_744 = tpu.memref_slice %arg17[%dma_wait3A_742, %dma_wait3A_743] : memref<10008x128xf32, #tpu.memory_space<vmem_shared>> -> memref<10008x128xf32, #tpu.memory_space<vmem_shared>>
      tpu.wait_indirect_dma semaphore(%arg28 : memref<!tpu.dma_semaphore, #tpu.memory_space<semaphore_mem>>) src(%arg13 : memref<40x128xf32, #tpu.memory_space<vmem>>) dst(%dma_wait3A_744 : memref<10008x128xf32, #tpu.memory_space<vmem_shared>>)
      %dma_wait3A_745 = arith.constant 4 : i32
      %dma_wait3A_746 = arith.constant 0 : i32
      %dma_wait3A_747 = tpu.memref_slice %arg7[%dma_wait3A_745, %dma_wait3A_746] : memref<7x40xi32, #tpu.memory_space<vmem>> -> memref<1x40xi32, #tpu.memory_space<vmem>>
      %dma_wait3A_748 = tpu.memref_squeeze %dma_wait3A_747 : memref<1x40xi32, #tpu.memory_space<vmem>> -> memref<40xi32, #tpu.memory_space<vmem>>
      %dma_wait3A_749 = arith.constant 0 : i32
      %dma_wait3A_750 = arith.constant 0 : i32
      %dma_wait3A_751 = tpu.memref_slice %arg17[%dma_wait3A_749, %dma_wait3A_750] : memref<10008x128xf32, #tpu.memory_space<vmem_shared>> -> memref<10008x128xf32, #tpu.memory_space<vmem_shared>>
      tpu.wait_indirect_dma semaphore(%arg29 : memref<!tpu.dma_semaphore, #tpu.memory_space<semaphore_mem>>) src(%arg14 : memref<40x128xf32, #tpu.memory_space<vmem>>) dst(%dma_wait3A_751 : memref<10008x128xf32, #tpu.memory_space<vmem_shared>>)
      %dma_wait3A_752 = arith.constant 5 : i32
      %dma_wait3A_753 = arith.constant 0 : i32
      %dma_wait3A_754 = tpu.memref_slice %arg7[%dma_wait3A_752, %dma_wait3A_753] : memref<7x40xi32, #tpu.memory_space<vmem>> -> memref<1x40xi32, #tpu.memory_space<vmem>>
      %dma_wait3A_755 = tpu.memref_squeeze %dma_wait3A_754 : memref<1x40xi32, #tpu.memory_space<vmem>> -> memref<40xi32, #tpu.memory_space<vmem>>
      %dma_wait3A_756 = arith.constant 0 : i32
      %dma_wait3A_757 = arith.constant 0 : i32
      %dma_wait3A_758 = tpu.memref_slice %arg17[%dma_wait3A_756, %dma_wait3A_757] : memref<10008x128xf32, #tpu.memory_space<vmem_shared>> -> memref<10008x128xf32, #tpu.memory_space<vmem_shared>>
      tpu.wait_indirect_dma semaphore(%arg30 : memref<!tpu.dma_semaphore, #tpu.memory_space<semaphore_mem>>) src(%arg15 : memref<40x128xf32, #tpu.memory_space<vmem>>) dst(%dma_wait3A_758 : memref<10008x128xf32, #tpu.memory_space<vmem_shared>>)
      %dma_wait3A_759 = arith.constant 6 : i32
      %dma_wait3A_760 = arith.constant 0 : i32
      %dma_wait3A_761 = tpu.memref_slice %arg7[%dma_wait3A_759, %dma_wait3A_760] : memref<7x40xi32, #tpu.memory_space<vmem>> -> memref<1x40xi32, #tpu.memory_space<vmem>>
      %dma_wait3A_762 = tpu.memref_squeeze %dma_wait3A_761 : memref<1x40xi32, #tpu.memory_space<vmem>> -> memref<40xi32, #tpu.memory_space<vmem>>
      %dma_wait3A_763 = arith.constant 0 : i32
      %dma_wait3A_764 = arith.constant 0 : i32
      %dma_wait3A_765 = tpu.memref_slice %arg17[%dma_wait3A_763, %dma_wait3A_764] : memref<10008x128xf32, #tpu.memory_space<vmem_shared>> -> memref<10008x128xf32, #tpu.memory_space<vmem_shared>>
      tpu.wait_indirect_dma semaphore(%arg31 : memref<!tpu.dma_semaphore, #tpu.memory_space<semaphore_mem>>) src(%arg16 : memref<40x128xf32, #tpu.memory_space<vmem>>) dst(%dma_wait3A_765 : memref<10008x128xf32, #tpu.memory_space<vmem_shared>>)
      %add3A_766 = arith.constant 1 : i32
      %add3A_767 = arith.addi %add3A_533, %add3A_766 : i32
      %add3A_768 = arith.constant 1 : i32
      %add3A_769 = arith.addi %add3A_767, %add3A_768 : i32
      %min3A_770 = arith.constant 35 : i32
      %min3A_771 = arith.minsi %add3A_769, %min3A_770 : i32
      %dma_start3A_772 = arith.constant 0 : i32
      %dma_start3A_773 = arith.constant 0 : i32
      %dma_start3A_774 = tpu.memref_slice %arg3[%add3A, %min3A_771, %dma_start3A_772, %dma_start3A_773] : memref<32x36x7x40xi32, #tpu.memory_space<hbm>> -> memref<1x1x7x40xi32, #tpu.memory_space<hbm>>
      %dma_start3A_775 = tpu.memref_squeeze %dma_start3A_774 : memref<1x1x7x40xi32, #tpu.memory_space<hbm>> -> memref<7x40xi32, #tpu.memory_space<hbm>>
      %dma_start3A_776 = arith.constant 0 : i32
      %dma_start3A_777 = arith.constant 0 : i32
      %dma_start3A_778 = tpu.memref_slice %arg3[%add3A, %min3A_771, %dma_start3A_776, %dma_start3A_777] : memref<32x36x7x40xi32, #tpu.memory_space<hbm>> -> memref<1x1x7x40xi32, #tpu.memory_space<hbm>>
      %dma_start3A_779 = tpu.memref_squeeze %dma_start3A_778 : memref<1x1x7x40xi32, #tpu.memory_space<hbm>> -> memref<7x40xi32, #tpu.memory_space<hbm>>
      tpu.enqueue_dma source(%dma_start3A_779 : memref<7x40xi32, #tpu.memory_space<hbm>>) target(%arg6 : memref<7x40xi32, #tpu.memory_space<vmem>>) target_semaphore(%arg32 : memref<!tpu.dma_semaphore, #tpu.memory_space<semaphore_mem>>)
      %dma_start3A_780 = arith.constant 0 : i32
      %dma_start3A_781 = arith.constant 0 : i32
      %dma_start3A_782 = tpu.memref_slice %arg4[%add3A, %min3A_771, %dma_start3A_780, %dma_start3A_781] : memref<32x36x7x40xi32, #tpu.memory_space<hbm>> -> memref<1x1x7x40xi32, #tpu.memory_space<hbm>>
      %dma_start3A_783 = tpu.memref_squeeze %dma_start3A_782 : memref<1x1x7x40xi32, #tpu.memory_space<hbm>> -> memref<7x40xi32, #tpu.memory_space<hbm>>
      %dma_start3A_784 = arith.constant 0 : i32
      %dma_start3A_785 = arith.constant 0 : i32
      %dma_start3A_786 = tpu.memref_slice %arg4[%add3A, %min3A_771, %dma_start3A_784, %dma_start3A_785] : memref<32x36x7x40xi32, #tpu.memory_space<hbm>> -> memref<1x1x7x40xi32, #tpu.memory_space<hbm>>
      %dma_start3A_787 = tpu.memref_squeeze %dma_start3A_786 : memref<1x1x7x40xi32, #tpu.memory_space<hbm>> -> memref<7x40xi32, #tpu.memory_space<hbm>>
      tpu.enqueue_dma source(%dma_start3A_787 : memref<7x40xi32, #tpu.memory_space<hbm>>) target(%arg7 : memref<7x40xi32, #tpu.memory_space<vmem>>) target_semaphore(%arg33 : memref<!tpu.dma_semaphore, #tpu.memory_space<semaphore_mem>>)
      %dma_start3A_788 = arith.constant 0 : i32
      %dma_start3A_789 = arith.constant 0 : i32
      %dma_start3A_790 = tpu.memref_slice %arg8[%dma_start3A_788, %dma_start3A_789] : memref<7x40xi32, #tpu.memory_space<vmem>> -> memref<1x40xi32, #tpu.memory_space<vmem>>
      %dma_start3A_791 = tpu.memref_squeeze %dma_start3A_790 : memref<1x40xi32, #tpu.memory_space<vmem>> -> memref<40xi32, #tpu.memory_space<vmem>>
      %dma_start3A_792 = arith.constant 0 : i32
      %dma_start3A_793 = arith.constant 0 : i32
      %dma_start3A_794 = tpu.memref_slice %arg2[%dma_start3A_792, %dma_start3A_793] : memref<10000x128xf32, #tpu.memory_space<hbm>> -> memref<10000x128xf32, #tpu.memory_space<hbm>>
      tpu.enqueue_indirect_dma source(%dma_start3A_794 : memref<10000x128xf32, #tpu.memory_space<hbm>>) target(%arg10 : memref<40x128xf32, #tpu.memory_space<vmem>>) offsets(%dma_start3A_791 : memref<40xi32, #tpu.memory_space<vmem>>) semaphore(%arg18 : memref<!tpu.dma_semaphore, #tpu.memory_space<semaphore_mem>>)
      %dma_start3A_795 = arith.constant 1 : i32
      %dma_start3A_796 = arith.constant 0 : i32
      %dma_start3A_797 = tpu.memref_slice %arg8[%dma_start3A_795, %dma_start3A_796] : memref<7x40xi32, #tpu.memory_space<vmem>> -> memref<1x40xi32, #tpu.memory_space<vmem>>
      %dma_start3A_798 = tpu.memref_squeeze %dma_start3A_797 : memref<1x40xi32, #tpu.memory_space<vmem>> -> memref<40xi32, #tpu.memory_space<vmem>>
      %dma_start3A_799 = arith.constant 0 : i32
      %dma_start3A_800 = arith.constant 0 : i32
      %dma_start3A_801 = tpu.memref_slice %arg2[%dma_start3A_799, %dma_start3A_800] : memref<10000x128xf32, #tpu.memory_space<hbm>> -> memref<10000x128xf32, #tpu.memory_space<hbm>>
      tpu.enqueue_indirect_dma source(%dma_start3A_801 : memref<10000x128xf32, #tpu.memory_space<hbm>>) target(%arg11 : memref<40x128xf32, #tpu.memory_space<vmem>>) offsets(%dma_start3A_798 : memref<40xi32, #tpu.memory_space<vmem>>) semaphore(%arg19 : memref<!tpu.dma_semaphore, #tpu.memory_space<semaphore_mem>>)
      %dma_start3A_802 = arith.constant 2 : i32
      %dma_start3A_803 = arith.constant 0 : i32
      %dma_start3A_804 = tpu.memref_slice %arg8[%dma_start3A_802, %dma_start3A_803] : memref<7x40xi32, #tpu.memory_space<vmem>> -> memref<1x40xi32, #tpu.memory_space<vmem>>
      %dma_start3A_805 = tpu.memref_squeeze %dma_start3A_804 : memref<1x40xi32, #tpu.memory_space<vmem>> -> memref<40xi32, #tpu.memory_space<vmem>>
      %dma_start3A_806 = arith.constant 0 : i32
      %dma_start3A_807 = arith.constant 0 : i32
      %dma_start3A_808 = tpu.memref_slice %arg2[%dma_start3A_806, %dma_start3A_807] : memref<10000x128xf32, #tpu.memory_space<hbm>> -> memref<10000x128xf32, #tpu.memory_space<hbm>>
      tpu.enqueue_indirect_dma source(%dma_start3A_808 : memref<10000x128xf32, #tpu.memory_space<hbm>>) target(%arg12 : memref<40x128xf32, #tpu.memory_space<vmem>>) offsets(%dma_start3A_805 : memref<40xi32, #tpu.memory_space<vmem>>) semaphore(%arg20 : memref<!tpu.dma_semaphore, #tpu.memory_space<semaphore_mem>>)
      %dma_start3A_809 = arith.constant 3 : i32
      %dma_start3A_810 = arith.constant 0 : i32
      %dma_start3A_811 = tpu.memref_slice %arg8[%dma_start3A_809, %dma_start3A_810] : memref<7x40xi32, #tpu.memory_space<vmem>> -> memref<1x40xi32, #tpu.memory_space<vmem>>
      %dma_start3A_812 = tpu.memref_squeeze %dma_start3A_811 : memref<1x40xi32, #tpu.memory_space<vmem>> -> memref<40xi32, #tpu.memory_space<vmem>>
      %dma_start3A_813 = arith.constant 0 : i32
      %dma_start3A_814 = arith.constant 0 : i32
      %dma_start3A_815 = tpu.memref_slice %arg2[%dma_start3A_813, %dma_start3A_814] : memref<10000x128xf32, #tpu.memory_space<hbm>> -> memref<10000x128xf32, #tpu.memory_space<hbm>>
      tpu.enqueue_indirect_dma source(%dma_start3A_815 : memref<10000x128xf32, #tpu.memory_space<hbm>>) target(%arg13 : memref<40x128xf32, #tpu.memory_space<vmem>>) offsets(%dma_start3A_812 : memref<40xi32, #tpu.memory_space<vmem>>) semaphore(%arg21 : memref<!tpu.dma_semaphore, #tpu.memory_space<semaphore_mem>>)
      %dma_start3A_816 = arith.constant 4 : i32
      %dma_start3A_817 = arith.constant 0 : i32
      %dma_start3A_818 = tpu.memref_slice %arg8[%dma_start3A_816, %dma_start3A_817] : memref<7x40xi32, #tpu.memory_space<vmem>> -> memref<1x40xi32, #tpu.memory_space<vmem>>
      %dma_start3A_819 = tpu.memref_squeeze %dma_start3A_818 : memref<1x40xi32, #tpu.memory_space<vmem>> -> memref<40xi32, #tpu.memory_space<vmem>>
      %dma_start3A_820 = arith.constant 0 : i32
      %dma_start3A_821 = arith.constant 0 : i32
      %dma_start3A_822 = tpu.memref_slice %arg2[%dma_start3A_820, %dma_start3A_821] : memref<10000x128xf32, #tpu.memory_space<hbm>> -> memref<10000x128xf32, #tpu.memory_space<hbm>>
      tpu.enqueue_indirect_dma source(%dma_start3A_822 : memref<10000x128xf32, #tpu.memory_space<hbm>>) target(%arg14 : memref<40x128xf32, #tpu.memory_space<vmem>>) offsets(%dma_start3A_819 : memref<40xi32, #tpu.memory_space<vmem>>) semaphore(%arg22 : memref<!tpu.dma_semaphore, #tpu.memory_space<semaphore_mem>>)
      %dma_start3A_823 = arith.constant 5 : i32
      %dma_start3A_824 = arith.constant 0 : i32
      %dma_start3A_825 = tpu.memref_slice %arg8[%dma_start3A_823, %dma_start3A_824] : memref<7x40xi32, #tpu.memory_space<vmem>> -> memref<1x40xi32, #tpu.memory_space<vmem>>
      %dma_start3A_826 = tpu.memref_squeeze %dma_start3A_825 : memref<1x40xi32, #tpu.memory_space<vmem>> -> memref<40xi32, #tpu.memory_space<vmem>>
      %dma_start3A_827 = arith.constant 0 : i32
      %dma_start3A_828 = arith.constant 0 : i32
      %dma_start3A_829 = tpu.memref_slice %arg2[%dma_start3A_827, %dma_start3A_828] : memref<10000x128xf32, #tpu.memory_space<hbm>> -> memref<10000x128xf32, #tpu.memory_space<hbm>>
      tpu.enqueue_indirect_dma source(%dma_start3A_829 : memref<10000x128xf32, #tpu.memory_space<hbm>>) target(%arg15 : memref<40x128xf32, #tpu.memory_space<vmem>>) offsets(%dma_start3A_826 : memref<40xi32, #tpu.memory_space<vmem>>) semaphore(%arg23 : memref<!tpu.dma_semaphore, #tpu.memory_space<semaphore_mem>>)
      %dma_start3A_830 = arith.constant 6 : i32
      %dma_start3A_831 = arith.constant 0 : i32
      %dma_start3A_832 = tpu.memref_slice %arg8[%dma_start3A_830, %dma_start3A_831] : memref<7x40xi32, #tpu.memory_space<vmem>> -> memref<1x40xi32, #tpu.memory_space<vmem>>
      %dma_start3A_833 = tpu.memref_squeeze %dma_start3A_832 : memref<1x40xi32, #tpu.memory_space<vmem>> -> memref<40xi32, #tpu.memory_space<vmem>>
      %dma_start3A_834 = arith.constant 0 : i32
      %dma_start3A_835 = arith.constant 0 : i32
      %dma_start3A_836 = tpu.memref_slice %arg2[%dma_start3A_834, %dma_start3A_835] : memref<10000x128xf32, #tpu.memory_space<hbm>> -> memref<10000x128xf32, #tpu.memory_space<hbm>>
      tpu.enqueue_indirect_dma source(%dma_start3A_836 : memref<10000x128xf32, #tpu.memory_space<hbm>>) target(%arg16 : memref<40x128xf32, #tpu.memory_space<vmem>>) offsets(%dma_start3A_833 : memref<40xi32, #tpu.memory_space<vmem>>) semaphore(%arg24 : memref<!tpu.dma_semaphore, #tpu.memory_space<semaphore_mem>>)
      %dma_wait3A_837 = arith.constant 0 : i32
      %dma_wait3A_838 = arith.constant 0 : i32
      %dma_wait3A_839 = tpu.memref_slice %arg8[%dma_wait3A_837, %dma_wait3A_838] : memref<7x40xi32, #tpu.memory_space<vmem>> -> memref<1x40xi32, #tpu.memory_space<vmem>>
      %dma_wait3A_840 = tpu.memref_squeeze %dma_wait3A_839 : memref<1x40xi32, #tpu.memory_space<vmem>> -> memref<40xi32, #tpu.memory_space<vmem>>
      %dma_wait3A_841 = arith.constant 0 : i32
      %dma_wait3A_842 = arith.constant 0 : i32
      %dma_wait3A_843 = tpu.memref_slice %arg2[%dma_wait3A_841, %dma_wait3A_842] : memref<10000x128xf32, #tpu.memory_space<hbm>> -> memref<10000x128xf32, #tpu.memory_space<hbm>>
      tpu.wait_indirect_dma semaphore(%arg18 : memref<!tpu.dma_semaphore, #tpu.memory_space<semaphore_mem>>) src(%dma_wait3A_843 : memref<10000x128xf32, #tpu.memory_space<hbm>>) dst(%arg10 : memref<40x128xf32, #tpu.memory_space<vmem>>)
      %dma_start3A_844 = arith.constant 0 : i32
      %dma_start3A_845 = arith.constant 0 : i32
      %dma_start3A_846 = tpu.memref_slice %arg9[%dma_start3A_844, %dma_start3A_845] : memref<7x40xi32, #tpu.memory_space<vmem>> -> memref<1x40xi32, #tpu.memory_space<vmem>>
      %dma_start3A_847 = tpu.memref_squeeze %dma_start3A_846 : memref<1x40xi32, #tpu.memory_space<vmem>> -> memref<40xi32, #tpu.memory_space<vmem>>
      %dma_start3A_848 = arith.constant 0 : i32
      %dma_start3A_849 = arith.constant 0 : i32
      %dma_start3A_850 = tpu.memref_slice %arg17[%dma_start3A_848, %dma_start3A_849] : memref<10008x128xf32, #tpu.memory_space<vmem_shared>> -> memref<10008x128xf32, #tpu.memory_space<vmem_shared>>
      tpu.enqueue_indirect_dma source(%arg10 : memref<40x128xf32, #tpu.memory_space<vmem>>) target(%dma_start3A_850 : memref<10008x128xf32, #tpu.memory_space<vmem_shared>>) offsets(%dma_start3A_847 : memref<40xi32, #tpu.memory_space<vmem>>) semaphore(%arg25 : memref<!tpu.dma_semaphore, #tpu.memory_space<semaphore_mem>>) {add = true}
      %dma_wait3A_851 = arith.constant 1 : i32
      %dma_wait3A_852 = arith.constant 0 : i32
      %dma_wait3A_853 = tpu.memref_slice %arg8[%dma_wait3A_851, %dma_wait3A_852] : memref<7x40xi32, #tpu.memory_space<vmem>> -> memref<1x40xi32, #tpu.memory_space<vmem>>
      %dma_wait3A_854 = tpu.memref_squeeze %dma_wait3A_853 : memref<1x40xi32, #tpu.memory_space<vmem>> -> memref<40xi32, #tpu.memory_space<vmem>>
      %dma_wait3A_855 = arith.constant 0 : i32
      %dma_wait3A_856 = arith.constant 0 : i32
      %dma_wait3A_857 = tpu.memref_slice %arg2[%dma_wait3A_855, %dma_wait3A_856] : memref<10000x128xf32, #tpu.memory_space<hbm>> -> memref<10000x128xf32, #tpu.memory_space<hbm>>
      tpu.wait_indirect_dma semaphore(%arg19 : memref<!tpu.dma_semaphore, #tpu.memory_space<semaphore_mem>>) src(%dma_wait3A_857 : memref<10000x128xf32, #tpu.memory_space<hbm>>) dst(%arg11 : memref<40x128xf32, #tpu.memory_space<vmem>>)
      %dma_start3A_858 = arith.constant 1 : i32
      %dma_start3A_859 = arith.constant 0 : i32
      %dma_start3A_860 = tpu.memref_slice %arg9[%dma_start3A_858, %dma_start3A_859] : memref<7x40xi32, #tpu.memory_space<vmem>> -> memref<1x40xi32, #tpu.memory_space<vmem>>
      %dma_start3A_861 = tpu.memref_squeeze %dma_start3A_860 : memref<1x40xi32, #tpu.memory_space<vmem>> -> memref<40xi32, #tpu.memory_space<vmem>>
      %dma_start3A_862 = arith.constant 0 : i32
      %dma_start3A_863 = arith.constant 0 : i32
      %dma_start3A_864 = tpu.memref_slice %arg17[%dma_start3A_862, %dma_start3A_863] : memref<10008x128xf32, #tpu.memory_space<vmem_shared>> -> memref<10008x128xf32, #tpu.memory_space<vmem_shared>>
      tpu.enqueue_indirect_dma source(%arg11 : memref<40x128xf32, #tpu.memory_space<vmem>>) target(%dma_start3A_864 : memref<10008x128xf32, #tpu.memory_space<vmem_shared>>) offsets(%dma_start3A_861 : memref<40xi32, #tpu.memory_space<vmem>>) semaphore(%arg26 : memref<!tpu.dma_semaphore, #tpu.memory_space<semaphore_mem>>) {add = true}
      %dma_wait3A_865 = arith.constant 2 : i32
      %dma_wait3A_866 = arith.constant 0 : i32
      %dma_wait3A_867 = tpu.memref_slice %arg8[%dma_wait3A_865, %dma_wait3A_866] : memref<7x40xi32, #tpu.memory_space<vmem>> -> memref<1x40xi32, #tpu.memory_space<vmem>>
      %dma_wait3A_868 = tpu.memref_squeeze %dma_wait3A_867 : memref<1x40xi32, #tpu.memory_space<vmem>> -> memref<40xi32, #tpu.memory_space<vmem>>
      %dma_wait3A_869 = arith.constant 0 : i32
      %dma_wait3A_870 = arith.constant 0 : i32
      %dma_wait3A_871 = tpu.memref_slice %arg2[%dma_wait3A_869, %dma_wait3A_870] : memref<10000x128xf32, #tpu.memory_space<hbm>> -> memref<10000x128xf32, #tpu.memory_space<hbm>>
      tpu.wait_indirect_dma semaphore(%arg20 : memref<!tpu.dma_semaphore, #tpu.memory_space<semaphore_mem>>) src(%dma_wait3A_871 : memref<10000x128xf32, #tpu.memory_space<hbm>>) dst(%arg12 : memref<40x128xf32, #tpu.memory_space<vmem>>)
      %dma_start3A_872 = arith.constant 2 : i32
      %dma_start3A_873 = arith.constant 0 : i32
      %dma_start3A_874 = tpu.memref_slice %arg9[%dma_start3A_872, %dma_start3A_873] : memref<7x40xi32, #tpu.memory_space<vmem>> -> memref<1x40xi32, #tpu.memory_space<vmem>>
      %dma_start3A_875 = tpu.memref_squeeze %dma_start3A_874 : memref<1x40xi32, #tpu.memory_space<vmem>> -> memref<40xi32, #tpu.memory_space<vmem>>
      %dma_start3A_876 = arith.constant 0 : i32
      %dma_start3A_877 = arith.constant 0 : i32
      %dma_start3A_878 = tpu.memref_slice %arg17[%dma_start3A_876, %dma_start3A_877] : memref<10008x128xf32, #tpu.memory_space<vmem_shared>> -> memref<10008x128xf32, #tpu.memory_space<vmem_shared>>
      tpu.enqueue_indirect_dma source(%arg12 : memref<40x128xf32, #tpu.memory_space<vmem>>) target(%dma_start3A_878 : memref<10008x128xf32, #tpu.memory_space<vmem_shared>>) offsets(%dma_start3A_875 : memref<40xi32, #tpu.memory_space<vmem>>) semaphore(%arg27 : memref<!tpu.dma_semaphore, #tpu.memory_space<semaphore_mem>>) {add = true}
      %dma_wait3A_879 = arith.constant 3 : i32
      %dma_wait3A_880 = arith.constant 0 : i32
      %dma_wait3A_881 = tpu.memref_slice %arg8[%dma_wait3A_879, %dma_wait3A_880] : memref<7x40xi32, #tpu.memory_space<vmem>> -> memref<1x40xi32, #tpu.memory_space<vmem>>
      %dma_wait3A_882 = tpu.memref_squeeze %dma_wait3A_881 : memref<1x40xi32, #tpu.memory_space<vmem>> -> memref<40xi32, #tpu.memory_space<vmem>>
      %dma_wait3A_883 = arith.constant 0 : i32
      %dma_wait3A_884 = arith.constant 0 : i32
      %dma_wait3A_885 = tpu.memref_slice %arg2[%dma_wait3A_883, %dma_wait3A_884] : memref<10000x128xf32, #tpu.memory_space<hbm>> -> memref<10000x128xf32, #tpu.memory_space<hbm>>
      tpu.wait_indirect_dma semaphore(%arg21 : memref<!tpu.dma_semaphore, #tpu.memory_space<semaphore_mem>>) src(%dma_wait3A_885 : memref<10000x128xf32, #tpu.memory_space<hbm>>) dst(%arg13 : memref<40x128xf32, #tpu.memory_space<vmem>>)
      %dma_start3A_886 = arith.constant 3 : i32
      %dma_start3A_887 = arith.constant 0 : i32
      %dma_start3A_888 = tpu.memref_slice %arg9[%dma_start3A_886, %dma_start3A_887] : memref<7x40xi32, #tpu.memory_space<vmem>> -> memref<1x40xi32, #tpu.memory_space<vmem>>
      %dma_start3A_889 = tpu.memref_squeeze %dma_start3A_888 : memref<1x40xi32, #tpu.memory_space<vmem>> -> memref<40xi32, #tpu.memory_space<vmem>>
      %dma_start3A_890 = arith.constant 0 : i32
      %dma_start3A_891 = arith.constant 0 : i32
      %dma_start3A_892 = tpu.memref_slice %arg17[%dma_start3A_890, %dma_start3A_891] : memref<10008x128xf32, #tpu.memory_space<vmem_shared>> -> memref<10008x128xf32, #tpu.memory_space<vmem_shared>>
      tpu.enqueue_indirect_dma source(%arg13 : memref<40x128xf32, #tpu.memory_space<vmem>>) target(%dma_start3A_892 : memref<10008x128xf32, #tpu.memory_space<vmem_shared>>) offsets(%dma_start3A_889 : memref<40xi32, #tpu.memory_space<vmem>>) semaphore(%arg28 : memref<!tpu.dma_semaphore, #tpu.memory_space<semaphore_mem>>) {add = true}
      %dma_wait3A_893 = arith.constant 4 : i32
      %dma_wait3A_894 = arith.constant 0 : i32
      %dma_wait3A_895 = tpu.memref_slice %arg8[%dma_wait3A_893, %dma_wait3A_894] : memref<7x40xi32, #tpu.memory_space<vmem>> -> memref<1x40xi32, #tpu.memory_space<vmem>>
      %dma_wait3A_896 = tpu.memref_squeeze %dma_wait3A_895 : memref<1x40xi32, #tpu.memory_space<vmem>> -> memref<40xi32, #tpu.memory_space<vmem>>
      %dma_wait3A_897 = arith.constant 0 : i32
      %dma_wait3A_898 = arith.constant 0 : i32
      %dma_wait3A_899 = tpu.memref_slice %arg2[%dma_wait3A_897, %dma_wait3A_898] : memref<10000x128xf32, #tpu.memory_space<hbm>> -> memref<10000x128xf32, #tpu.memory_space<hbm>>
      tpu.wait_indirect_dma semaphore(%arg22 : memref<!tpu.dma_semaphore, #tpu.memory_space<semaphore_mem>>) src(%dma_wait3A_899 : memref<10000x128xf32, #tpu.memory_space<hbm>>) dst(%arg14 : memref<40x128xf32, #tpu.memory_space<vmem>>)
      %dma_start3A_900 = arith.constant 4 : i32
      %dma_start3A_901 = arith.constant 0 : i32
      %dma_start3A_902 = tpu.memref_slice %arg9[%dma_start3A_900, %dma_start3A_901] : memref<7x40xi32, #tpu.memory_space<vmem>> -> memref<1x40xi32, #tpu.memory_space<vmem>>
      %dma_start3A_903 = tpu.memref_squeeze %dma_start3A_902 : memref<1x40xi32, #tpu.memory_space<vmem>> -> memref<40xi32, #tpu.memory_space<vmem>>
      %dma_start3A_904 = arith.constant 0 : i32
      %dma_start3A_905 = arith.constant 0 : i32
      %dma_start3A_906 = tpu.memref_slice %arg17[%dma_start3A_904, %dma_start3A_905] : memref<10008x128xf32, #tpu.memory_space<vmem_shared>> -> memref<10008x128xf32, #tpu.memory_space<vmem_shared>>
      tpu.enqueue_indirect_dma source(%arg14 : memref<40x128xf32, #tpu.memory_space<vmem>>) target(%dma_start3A_906 : memref<10008x128xf32, #tpu.memory_space<vmem_shared>>) offsets(%dma_start3A_903 : memref<40xi32, #tpu.memory_space<vmem>>) semaphore(%arg29 : memref<!tpu.dma_semaphore, #tpu.memory_space<semaphore_mem>>) {add = true}
      %dma_wait3A_907 = arith.constant 5 : i32
      %dma_wait3A_908 = arith.constant 0 : i32
      %dma_wait3A_909 = tpu.memref_slice %arg8[%dma_wait3A_907, %dma_wait3A_908] : memref<7x40xi32, #tpu.memory_space<vmem>> -> memref<1x40xi32, #tpu.memory_space<vmem>>
      %dma_wait3A_910 = tpu.memref_squeeze %dma_wait3A_909 : memref<1x40xi32, #tpu.memory_space<vmem>> -> memref<40xi32, #tpu.memory_space<vmem>>
      %dma_wait3A_911 = arith.constant 0 : i32
      %dma_wait3A_912 = arith.constant 0 : i32
      %dma_wait3A_913 = tpu.memref_slice %arg2[%dma_wait3A_911, %dma_wait3A_912] : memref<10000x128xf32, #tpu.memory_space<hbm>> -> memref<10000x128xf32, #tpu.memory_space<hbm>>
      tpu.wait_indirect_dma semaphore(%arg23 : memref<!tpu.dma_semaphore, #tpu.memory_space<semaphore_mem>>) src(%dma_wait3A_913 : memref<10000x128xf32, #tpu.memory_space<hbm>>) dst(%arg15 : memref<40x128xf32, #tpu.memory_space<vmem>>)
      %dma_start3A_914 = arith.constant 5 : i32
      %dma_start3A_915 = arith.constant 0 : i32
      %dma_start3A_916 = tpu.memref_slice %arg9[%dma_start3A_914, %dma_start3A_915] : memref<7x40xi32, #tpu.memory_space<vmem>> -> memref<1x40xi32, #tpu.memory_space<vmem>>
      %dma_start3A_917 = tpu.memref_squeeze %dma_start3A_916 : memref<1x40xi32, #tpu.memory_space<vmem>> -> memref<40xi32, #tpu.memory_space<vmem>>
      %dma_start3A_918 = arith.constant 0 : i32
      %dma_start3A_919 = arith.constant 0 : i32
      %dma_start3A_920 = tpu.memref_slice %arg17[%dma_start3A_918, %dma_start3A_919] : memref<10008x128xf32, #tpu.memory_space<vmem_shared>> -> memref<10008x128xf32, #tpu.memory_space<vmem_shared>>
      tpu.enqueue_indirect_dma source(%arg15 : memref<40x128xf32, #tpu.memory_space<vmem>>) target(%dma_start3A_920 : memref<10008x128xf32, #tpu.memory_space<vmem_shared>>) offsets(%dma_start3A_917 : memref<40xi32, #tpu.memory_space<vmem>>) semaphore(%arg30 : memref<!tpu.dma_semaphore, #tpu.memory_space<semaphore_mem>>) {add = true}
      %dma_wait3A_921 = arith.constant 6 : i32
      %dma_wait3A_922 = arith.constant 0 : i32
      %dma_wait3A_923 = tpu.memref_slice %arg8[%dma_wait3A_921, %dma_wait3A_922] : memref<7x40xi32, #tpu.memory_space<vmem>> -> memref<1x40xi32, #tpu.memory_space<vmem>>
      %dma_wait3A_924 = tpu.memref_squeeze %dma_wait3A_923 : memref<1x40xi32, #tpu.memory_space<vmem>> -> memref<40xi32, #tpu.memory_space<vmem>>
      %dma_wait3A_925 = arith.constant 0 : i32
      %dma_wait3A_926 = arith.constant 0 : i32
      %dma_wait3A_927 = tpu.memref_slice %arg2[%dma_wait3A_925, %dma_wait3A_926] : memref<10000x128xf32, #tpu.memory_space<hbm>> -> memref<10000x128xf32, #tpu.memory_space<hbm>>
      tpu.wait_indirect_dma semaphore(%arg24 : memref<!tpu.dma_semaphore, #tpu.memory_space<semaphore_mem>>) src(%dma_wait3A_927 : memref<10000x128xf32, #tpu.memory_space<hbm>>) dst(%arg16 : memref<40x128xf32, #tpu.memory_space<vmem>>)
      %dma_start3A_928 = arith.constant 6 : i32
      %dma_start3A_929 = arith.constant 0 : i32
      %dma_start3A_930 = tpu.memref_slice %arg9[%dma_start3A_928, %dma_start3A_929] : memref<7x40xi32, #tpu.memory_space<vmem>> -> memref<1x40xi32, #tpu.memory_space<vmem>>
      %dma_start3A_931 = tpu.memref_squeeze %dma_start3A_930 : memref<1x40xi32, #tpu.memory_space<vmem>> -> memref<40xi32, #tpu.memory_space<vmem>>
      %dma_start3A_932 = arith.constant 0 : i32
      %dma_start3A_933 = arith.constant 0 : i32
      %dma_start3A_934 = tpu.memref_slice %arg17[%dma_start3A_932, %dma_start3A_933] : memref<10008x128xf32, #tpu.memory_space<vmem_shared>> -> memref<10008x128xf32, #tpu.memory_space<vmem_shared>>
      tpu.enqueue_indirect_dma source(%arg16 : memref<40x128xf32, #tpu.memory_space<vmem>>) target(%dma_start3A_934 : memref<10008x128xf32, #tpu.memory_space<vmem_shared>>) offsets(%dma_start3A_931 : memref<40xi32, #tpu.memory_space<vmem>>) semaphore(%arg31 : memref<!tpu.dma_semaphore, #tpu.memory_space<semaphore_mem>>) {add = true}
      %dma_wait3A_935 = arith.constant 0 : i32
      %dma_wait3A_936 = arith.constant 0 : i32
      %dma_wait3A_937 = tpu.memref_slice %arg3[%add3A, %min3A_771, %dma_wait3A_935, %dma_wait3A_936] : memref<32x36x7x40xi32, #tpu.memory_space<hbm>> -> memref<1x1x7x40xi32, #tpu.memory_space<hbm>>
      %dma_wait3A_938 = tpu.memref_squeeze %dma_wait3A_937 : memref<1x1x7x40xi32, #tpu.memory_space<hbm>> -> memref<7x40xi32, #tpu.memory_space<hbm>>
      %dma_wait3A_939 = arith.constant 0 : i32
      %dma_wait3A_940 = arith.constant 0 : i32
      %dma_wait3A_941 = tpu.memref_slice %arg3[%add3A, %min3A_771, %dma_wait3A_939, %dma_wait3A_940] : memref<32x36x7x40xi32, #tpu.memory_space<hbm>> -> memref<1x1x7x40xi32, #tpu.memory_space<hbm>>
      %dma_wait3A_942 = tpu.memref_squeeze %dma_wait3A_941 : memref<1x1x7x40xi32, #tpu.memory_space<hbm>> -> memref<7x40xi32, #tpu.memory_space<hbm>>
      tpu.wait_dma2 semaphore(%arg32 : memref<!tpu.dma_semaphore, #tpu.memory_space<semaphore_mem>>) src(%dma_wait3A_942 : memref<7x40xi32, #tpu.memory_space<hbm>>) dst(%arg6 : memref<7x40xi32, #tpu.memory_space<vmem>>)
      %dma_wait3A_943 = arith.constant 0 : i32
      %dma_wait3A_944 = arith.constant 0 : i32
      %dma_wait3A_945 = tpu.memref_slice %arg4[%add3A, %min3A_771, %dma_wait3A_943, %dma_wait3A_944] : memref<32x36x7x40xi32, #tpu.memory_space<hbm>> -> memref<1x1x7x40xi32, #tpu.memory_space<hbm>>
      %dma_wait3A_946 = tpu.memref_squeeze %dma_wait3A_945 : memref<1x1x7x40xi32, #tpu.memory_space<hbm>> -> memref<7x40xi32, #tpu.memory_space<hbm>>
      %dma_wait3A_947 = arith.constant 0 : i32
      %dma_wait3A_948 = arith.constant 0 : i32
      %dma_wait3A_949 = tpu.memref_slice %arg4[%add3A, %min3A_771, %dma_wait3A_947, %dma_wait3A_948] : memref<32x36x7x40xi32, #tpu.memory_space<hbm>> -> memref<1x1x7x40xi32, #tpu.memory_space<hbm>>
      %dma_wait3A_950 = tpu.memref_squeeze %dma_wait3A_949 : memref<1x1x7x40xi32, #tpu.memory_space<hbm>> -> memref<7x40xi32, #tpu.memory_space<hbm>>
      tpu.wait_dma2 semaphore(%arg33 : memref<!tpu.dma_semaphore, #tpu.memory_space<semaphore_mem>>) src(%dma_wait3A_950 : memref<7x40xi32, #tpu.memory_space<hbm>>) dst(%arg7 : memref<7x40xi32, #tpu.memory_space<vmem>>)
      %dma_wait3A_951 = arith.constant 0 : i32
      %dma_wait3A_952 = arith.constant 0 : i32
      %dma_wait3A_953 = tpu.memref_slice %arg9[%dma_wait3A_951, %dma_wait3A_952] : memref<7x40xi32, #tpu.memory_space<vmem>> -> memref<1x40xi32, #tpu.memory_space<vmem>>
      %dma_wait3A_954 = tpu.memref_squeeze %dma_wait3A_953 : memref<1x40xi32, #tpu.memory_space<vmem>> -> memref<40xi32, #tpu.memory_space<vmem>>
      %dma_wait3A_955 = arith.constant 0 : i32
      %dma_wait3A_956 = arith.constant 0 : i32
      %dma_wait3A_957 = tpu.memref_slice %arg17[%dma_wait3A_955, %dma_wait3A_956] : memref<10008x128xf32, #tpu.memory_space<vmem_shared>> -> memref<10008x128xf32, #tpu.memory_space<vmem_shared>>
      tpu.wait_indirect_dma semaphore(%arg25 : memref<!tpu.dma_semaphore, #tpu.memory_space<semaphore_mem>>) src(%arg10 : memref<40x128xf32, #tpu.memory_space<vmem>>) dst(%dma_wait3A_957 : memref<10008x128xf32, #tpu.memory_space<vmem_shared>>)
      %dma_wait3A_958 = arith.constant 1 : i32
      %dma_wait3A_959 = arith.constant 0 : i32
      %dma_wait3A_960 = tpu.memref_slice %arg9[%dma_wait3A_958, %dma_wait3A_959] : memref<7x40xi32, #tpu.memory_space<vmem>> -> memref<1x40xi32, #tpu.memory_space<vmem>>
      %dma_wait3A_961 = tpu.memref_squeeze %dma_wait3A_960 : memref<1x40xi32, #tpu.memory_space<vmem>> -> memref<40xi32, #tpu.memory_space<vmem>>
      %dma_wait3A_962 = arith.constant 0 : i32
      %dma_wait3A_963 = arith.constant 0 : i32
      %dma_wait3A_964 = tpu.memref_slice %arg17[%dma_wait3A_962, %dma_wait3A_963] : memref<10008x128xf32, #tpu.memory_space<vmem_shared>> -> memref<10008x128xf32, #tpu.memory_space<vmem_shared>>
      tpu.wait_indirect_dma semaphore(%arg26 : memref<!tpu.dma_semaphore, #tpu.memory_space<semaphore_mem>>) src(%arg11 : memref<40x128xf32, #tpu.memory_space<vmem>>) dst(%dma_wait3A_964 : memref<10008x128xf32, #tpu.memory_space<vmem_shared>>)
      %dma_wait3A_965 = arith.constant 2 : i32
      %dma_wait3A_966 = arith.constant 0 : i32
      %dma_wait3A_967 = tpu.memref_slice %arg9[%dma_wait3A_965, %dma_wait3A_966] : memref<7x40xi32, #tpu.memory_space<vmem>> -> memref<1x40xi32, #tpu.memory_space<vmem>>
      %dma_wait3A_968 = tpu.memref_squeeze %dma_wait3A_967 : memref<1x40xi32, #tpu.memory_space<vmem>> -> memref<40xi32, #tpu.memory_space<vmem>>
      %dma_wait3A_969 = arith.constant 0 : i32
      %dma_wait3A_970 = arith.constant 0 : i32
      %dma_wait3A_971 = tpu.memref_slice %arg17[%dma_wait3A_969, %dma_wait3A_970] : memref<10008x128xf32, #tpu.memory_space<vmem_shared>> -> memref<10008x128xf32, #tpu.memory_space<vmem_shared>>
      tpu.wait_indirect_dma semaphore(%arg27 : memref<!tpu.dma_semaphore, #tpu.memory_space<semaphore_mem>>) src(%arg12 : memref<40x128xf32, #tpu.memory_space<vmem>>) dst(%dma_wait3A_971 : memref<10008x128xf32, #tpu.memory_space<vmem_shared>>)
      %dma_wait3A_972 = arith.constant 3 : i32
      %dma_wait3A_973 = arith.constant 0 : i32
      %dma_wait3A_974 = tpu.memref_slice %arg9[%dma_wait3A_972, %dma_wait3A_973] : memref<7x40xi32, #tpu.memory_space<vmem>> -> memref<1x40xi32, #tpu.memory_space<vmem>>
      %dma_wait3A_975 = tpu.memref_squeeze %dma_wait3A_974 : memref<1x40xi32, #tpu.memory_space<vmem>> -> memref<40xi32, #tpu.memory_space<vmem>>
      %dma_wait3A_976 = arith.constant 0 : i32
      %dma_wait3A_977 = arith.constant 0 : i32
      %dma_wait3A_978 = tpu.memref_slice %arg17[%dma_wait3A_976, %dma_wait3A_977] : memref<10008x128xf32, #tpu.memory_space<vmem_shared>> -> memref<10008x128xf32, #tpu.memory_space<vmem_shared>>
      tpu.wait_indirect_dma semaphore(%arg28 : memref<!tpu.dma_semaphore, #tpu.memory_space<semaphore_mem>>) src(%arg13 : memref<40x128xf32, #tpu.memory_space<vmem>>) dst(%dma_wait3A_978 : memref<10008x128xf32, #tpu.memory_space<vmem_shared>>)
      %dma_wait3A_979 = arith.constant 4 : i32
      %dma_wait3A_980 = arith.constant 0 : i32
      %dma_wait3A_981 = tpu.memref_slice %arg9[%dma_wait3A_979, %dma_wait3A_980] : memref<7x40xi32, #tpu.memory_space<vmem>> -> memref<1x40xi32, #tpu.memory_space<vmem>>
      %dma_wait3A_982 = tpu.memref_squeeze %dma_wait3A_981 : memref<1x40xi32, #tpu.memory_space<vmem>> -> memref<40xi32, #tpu.memory_space<vmem>>
      %dma_wait3A_983 = arith.constant 0 : i32
      %dma_wait3A_984 = arith.constant 0 : i32
      %dma_wait3A_985 = tpu.memref_slice %arg17[%dma_wait3A_983, %dma_wait3A_984] : memref<10008x128xf32, #tpu.memory_space<vmem_shared>> -> memref<10008x128xf32, #tpu.memory_space<vmem_shared>>
      tpu.wait_indirect_dma semaphore(%arg29 : memref<!tpu.dma_semaphore, #tpu.memory_space<semaphore_mem>>) src(%arg14 : memref<40x128xf32, #tpu.memory_space<vmem>>) dst(%dma_wait3A_985 : memref<10008x128xf32, #tpu.memory_space<vmem_shared>>)
      %dma_wait3A_986 = arith.constant 5 : i32
      %dma_wait3A_987 = arith.constant 0 : i32
      %dma_wait3A_988 = tpu.memref_slice %arg9[%dma_wait3A_986, %dma_wait3A_987] : memref<7x40xi32, #tpu.memory_space<vmem>> -> memref<1x40xi32, #tpu.memory_space<vmem>>
      %dma_wait3A_989 = tpu.memref_squeeze %dma_wait3A_988 : memref<1x40xi32, #tpu.memory_space<vmem>> -> memref<40xi32, #tpu.memory_space<vmem>>
      %dma_wait3A_990 = arith.constant 0 : i32
      %dma_wait3A_991 = arith.constant 0 : i32
      %dma_wait3A_992 = tpu.memref_slice %arg17[%dma_wait3A_990, %dma_wait3A_991] : memref<10008x128xf32, #tpu.memory_space<vmem_shared>> -> memref<10008x128xf32, #tpu.memory_space<vmem_shared>>
      tpu.wait_indirect_dma semaphore(%arg30 : memref<!tpu.dma_semaphore, #tpu.memory_space<semaphore_mem>>) src(%arg15 : memref<40x128xf32, #tpu.memory_space<vmem>>) dst(%dma_wait3A_992 : memref<10008x128xf32, #tpu.memory_space<vmem_shared>>)
      %dma_wait3A_993 = arith.constant 6 : i32
      %dma_wait3A_994 = arith.constant 0 : i32
      %dma_wait3A_995 = tpu.memref_slice %arg9[%dma_wait3A_993, %dma_wait3A_994] : memref<7x40xi32, #tpu.memory_space<vmem>> -> memref<1x40xi32, #tpu.memory_space<vmem>>
      %dma_wait3A_996 = tpu.memref_squeeze %dma_wait3A_995 : memref<1x40xi32, #tpu.memory_space<vmem>> -> memref<40xi32, #tpu.memory_space<vmem>>
      %dma_wait3A_997 = arith.constant 0 : i32
      %dma_wait3A_998 = arith.constant 0 : i32
      %dma_wait3A_999 = tpu.memref_slice %arg17[%dma_wait3A_997, %dma_wait3A_998] : memref<10008x128xf32, #tpu.memory_space<vmem_shared>> -> memref<10008x128xf32, #tpu.memory_space<vmem_shared>>
      tpu.wait_indirect_dma semaphore(%arg31 : memref<!tpu.dma_semaphore, #tpu.memory_space<semaphore_mem>>) src(%arg16 : memref<40x128xf32, #tpu.memory_space<vmem>>) dst(%dma_wait3A_999 : memref<10008x128xf32, #tpu.memory_space<vmem_shared>>)
    }
    %scan3A_521 = arith.constant 17 : i32
    %barrier3A_522 = arith.constant 0 : index
    tpu.barrier barrier_id(%barrier3A_522)
    %lt3A = arith.constant 2 : i32
    %lt3A_523 = arith.cmpi slt, %arg1, %lt3A : i32
    %convert_element_type3A = arith.extui %lt3A_523 : i1 to i32
    %cond3A = arith.constant 0 : i32
    %cond3A_524 = arith.cmpi ne, %convert_element_type3A, %cond3A : i32
    scf.if %cond3A_524 {
      %mul3A_529 = arith.constant 632 : i32
      %mul3A_530 = arith.muli %arg1, %mul3A_529 : i32
      %multiple_of3A_531 = tpu.assume_multiple %mul3A_530, 8 : i32
      %dma_start3A_532 = arith.constant 0 : i32
      %dma_start3A_533 = tpu.memref_slice %arg5[%arg0, %multiple_of3A_531, %dma_start3A_532] : memref<2x10000x128xf32, #tpu.memory_space<hbm>> -> memref<1x632x128xf32, #tpu.memory_space<hbm>>
      %dma_start3A_534 = tpu.memref_squeeze %dma_start3A_533 : memref<1x632x128xf32, #tpu.memory_space<hbm>> -> memref<632x128xf32, #tpu.memory_space<hbm>>
      %dma_start3A_535 = arith.constant 0 : i32
      %dma_start3A_536 = tpu.memref_slice %arg17[%multiple_of3A_531, %dma_start3A_535] : memref<10008x128xf32, #tpu.memory_space<vmem_shared>> -> memref<632x128xf32, #tpu.memory_space<vmem_shared>>
      tpu.enqueue_dma source(%dma_start3A_536 : memref<632x128xf32, #tpu.memory_space<vmem_shared>>) target(%dma_start3A_534 : memref<632x128xf32, #tpu.memory_space<hbm>>) target_semaphore(%arg34 : memref<!tpu.dma_semaphore, #tpu.memory_space<semaphore_mem>>)
      %dma_wait3A_537 = arith.constant 0 : i32
      %dma_wait3A_538 = tpu.memref_slice %arg5[%arg0, %multiple_of3A_531, %dma_wait3A_537] : memref<2x10000x128xf32, #tpu.memory_space<hbm>> -> memref<1x632x128xf32, #tpu.memory_space<hbm>>
      %dma_wait3A_539 = tpu.memref_squeeze %dma_wait3A_538 : memref<1x632x128xf32, #tpu.memory_space<hbm>> -> memref<632x128xf32, #tpu.memory_space<hbm>>
      %dma_wait3A_540 = arith.constant 0 : i32
      %dma_wait3A_541 = tpu.memref_slice %arg17[%multiple_of3A_531, %dma_wait3A_540] : memref<10008x128xf32, #tpu.memory_space<vmem_shared>> -> memref<632x128xf32, #tpu.memory_space<vmem_shared>>
      tpu.wait_dma2 semaphore(%arg34 : memref<!tpu.dma_semaphore, #tpu.memory_space<semaphore_mem>>) src(%dma_wait3A_541 : memref<632x128xf32, #tpu.memory_space<vmem_shared>>) dst(%dma_wait3A_539 : memref<632x128xf32, #tpu.memory_space<hbm>>)
    } else {
    }
    %ge3A = arith.constant 2 : i32
    %ge3A_525 = arith.cmpi sge, %arg1, %ge3A : i32
    %convert_element_type3A_526 = arith.extui %ge3A_525 : i1 to i32
    %cond3A_527 = arith.constant 0 : i32
    %cond3A_528 = arith.cmpi ne, %convert_element_type3A_526, %cond3A_527 : i32
    scf.if %cond3A_528 {
      %sub3A = arith.constant 2 : i32
      %sub3A_529 = arith.subi %arg1, %sub3A : i32
      %mul3A_530 = arith.constant 624 : i32
      %mul3A_531 = arith.muli %sub3A_529, %mul3A_530 : i32
      %add3A_532 = arith.constant 1264 : i32
      %add3A_533 = arith.addi %add3A_532, %mul3A_531 : i32
      %multiple_of3A_534 = tpu.assume_multiple %add3A_533, 8 : i32
      %dma_start3A_535 = arith.constant 0 : i32
      %dma_start3A_536 = tpu.memref_slice %arg5[%arg0, %multiple_of3A_534, %dma_start3A_535] : memref<2x10000x128xf32, #tpu.memory_space<hbm>> -> memref<1x624x128xf32, #tpu.memory_space<hbm>>
      %dma_start3A_537 = tpu.memref_squeeze %dma_start3A_536 : memref<1x624x128xf32, #tpu.memory_space<hbm>> -> memref<624x128xf32, #tpu.memory_space<hbm>>
      %dma_start3A_538 = arith.constant 0 : i32
      %dma_start3A_539 = tpu.memref_slice %arg17[%multiple_of3A_534, %dma_start3A_538] : memref<10008x128xf32, #tpu.memory_space<vmem_shared>> -> memref<624x128xf32, #tpu.memory_space<vmem_shared>>
      tpu.enqueue_dma source(%dma_start3A_539 : memref<624x128xf32, #tpu.memory_space<vmem_shared>>) target(%dma_start3A_537 : memref<624x128xf32, #tpu.memory_space<hbm>>) target_semaphore(%arg34 : memref<!tpu.dma_semaphore, #tpu.memory_space<semaphore_mem>>)
      %dma_wait3A_540 = arith.constant 0 : i32
      %dma_wait3A_541 = tpu.memref_slice %arg5[%arg0, %multiple_of3A_534, %dma_wait3A_540] : memref<2x10000x128xf32, #tpu.memory_space<hbm>> -> memref<1x624x128xf32, #tpu.memory_space<hbm>>
      %dma_wait3A_542 = tpu.memref_squeeze %dma_wait3A_541 : memref<1x624x128xf32, #tpu.memory_space<hbm>> -> memref<624x128xf32, #tpu.memory_space<hbm>>
      %dma_wait3A_543 = arith.constant 0 : i32
      %dma_wait3A_544 = tpu.memref_slice %arg17[%multiple_of3A_534, %dma_wait3A_543] : memref<10008x128xf32, #tpu.memory_space<vmem_shared>> -> memref<624x128xf32, #tpu.memory_space<vmem_shared>>
      tpu.wait_dma2 semaphore(%arg34 : memref<!tpu.dma_semaphore, #tpu.memory_space<semaphore_mem>>) src(%dma_wait3A_544 : memref<624x128xf32, #tpu.memory_space<vmem_shared>>) dst(%dma_wait3A_542 : memref<624x128xf32, #tpu.memory_space<hbm>>)
    } else {
    }
    return
  }
}

module attributes {stable_mosaic.version = 14 : i64} {
  func.func @_mlp_body(%arg0: memref<10000x128xf32, #tpu.memory_space<vmem>>, %arg1: memref<2x10000x128xf32, #tpu.memory_space<vmem>>, %arg2: memref<128x128xf32, #tpu.memory_space<vmem>>, %arg3: memref<1x128xf32, #tpu.memory_space<vmem>>, %arg4: memref<1x128xf32, #tpu.memory_space<vmem>>, %arg5: memref<1x128xf32, #tpu.memory_space<vmem>>, %arg6: memref<128x128xf32, #tpu.memory_space<vmem>>, %arg7: memref<1x128xf32, #tpu.memory_space<vmem>>, %arg8: memref<128x10xf32, #tpu.memory_space<vmem>>, %arg9: memref<1x10xf32, #tpu.memory_space<vmem>>, %arg10: memref<10000x10xf32, #tpu.memory_space<vmem>>) attributes {dimension_semantics = [], scalar_prefetch = 0 : i64, scratch_operands = 0 : i64, tpu.core_type = #tpu.core_type<tc>} {
    %get3A = arith.constant 0 : index
    %get3A_0 = arith.constant 0 : index
    %get3A_1 = arith.constant 0 : index
    %get3A_2 = vector.load %arg1[%get3A, %get3A_0, %get3A_1] : memref<2x10000x128xf32, #tpu.memory_space<vmem>>, vector<1x10000x128xf32>
    %get3A_3 = vector.shape_cast %get3A_2 : vector<1x10000x128xf32> to vector<10000x128xf32>
    %get3A_4 = arith.constant 1 : index
    %get3A_5 = arith.constant 0 : index
    %get3A_6 = arith.constant 0 : index
    %get3A_7 = vector.load %arg1[%get3A_4, %get3A_5, %get3A_6] : memref<2x10000x128xf32, #tpu.memory_space<vmem>>, vector<1x10000x128xf32>
    %get3A_8 = vector.shape_cast %get3A_7 : vector<1x10000x128xf32> to vector<10000x128xf32>
    %add3A = arith.addf %get3A_3, %get3A_8 : vector<10000x128xf32>
    %get3A_9 = arith.constant 0 : index
    %get3A_10 = arith.constant 0 : index
    %get3A_11 = vector.load %arg0[%get3A_9, %get3A_10] : memref<10000x128xf32, #tpu.memory_space<vmem>>, vector<10000x128xf32>
    %sub3A = arith.subf %add3A, %get3A_11 : vector<10000x128xf32>
    %get3A_12 = arith.constant 0 : index
    %get3A_13 = arith.constant 0 : index
    %get3A_14 = vector.load %arg2[%get3A_12, %get3A_13] : memref<128x128xf32, #tpu.memory_space<vmem>>, vector<128x128xf32>
    %dot_general3A = arith.constant dense<0.000000e+00> : vector<10000x128xf32>
    %dot_general3A_15 = tpu.matmul %sub3A, %get3A_14, %dot_general3A {dimension_numbers = #tpu.dot_dimension_numbers<[1], [0], [0], [1], [0, 0, 1, 1], [], []>, transpose_lhs_hint = false} : vector<10000x128xf32>, vector<128x128xf32>, vector<10000x128xf32> -> vector<10000x128xf32>
    %get3A_16 = arith.constant 0 : index
    %get3A_17 = arith.constant 0 : index
    %get3A_18 = vector.load %arg3[%get3A_16, %get3A_17] : memref<1x128xf32, #tpu.memory_space<vmem>>, vector<1x128xf32>
    %add3A_19 = vector.broadcast %get3A_18 : vector<1x128xf32> to vector<10000x128xf32>
    %add3A_20 = arith.addf %dot_general3A_15, %add3A_19 : vector<10000x128xf32>
    %max3A = arith.constant 0.000000e+00 : f32
    %max3A_21 = vector.broadcast %max3A : f32 to vector<10000x128xf32>
    %max3A_22 = arith.maximumf %add3A_20, %max3A_21 : vector<10000x128xf32>
    %reduce_sum3A = arith.constant dense<0.000000e+00> : vector<128xf32>
    %reduce_sum3A_23 = vector.multi_reduction <add>, %max3A_22, %reduce_sum3A [0] : vector<10000x128xf32> to vector<128xf32>
    %broadcast_in_dim3A = vector.shape_cast %reduce_sum3A_23 : vector<128xf32> to vector<1x128xf32>
    %div3A = arith.constant 1.000000e+04 : f32
    %div3A_24 = vector.broadcast %div3A : f32 to vector<1x128xf32>
    %div3A_25 = arith.divf %broadcast_in_dim3A, %div3A_24 : vector<1x128xf32>
    %sub3A_26 = vector.broadcast %div3A_25 : vector<1x128xf32> to vector<10000x128xf32>
    %sub3A_27 = arith.subf %max3A_22, %sub3A_26 : vector<10000x128xf32>
    %mul3A = arith.mulf %sub3A_27, %sub3A_27 : vector<10000x128xf32>
    %reduce_sum3A_28 = arith.constant dense<0.000000e+00> : vector<128xf32>
    %reduce_sum3A_29 = vector.multi_reduction <add>, %mul3A, %reduce_sum3A_28 [0] : vector<10000x128xf32> to vector<128xf32>
    %broadcast_in_dim3A_30 = vector.shape_cast %reduce_sum3A_29 : vector<128xf32> to vector<1x128xf32>
    %div3A_31 = arith.constant 1.000000e+04 : f32
    %div3A_32 = vector.broadcast %div3A_31 : f32 to vector<1x128xf32>
    %div3A_33 = arith.divf %broadcast_in_dim3A_30, %div3A_32 : vector<1x128xf32>
    %add3A_34 = arith.constant 9.99999974E-6 : f32
    %add3A_35 = vector.broadcast %add3A_34 : f32 to vector<1x128xf32>
    %add3A_36 = arith.addf %div3A_33, %add3A_35 : vector<1x128xf32>
    %rsqrt3A = math.rsqrt %add3A_36 : vector<1x128xf32>
    %mul3A_37 = vector.broadcast %rsqrt3A : vector<1x128xf32> to vector<10000x128xf32>
    %mul3A_38 = arith.mulf %sub3A_27, %mul3A_37 : vector<10000x128xf32>
    %get3A_39 = arith.constant 0 : index
    %get3A_40 = arith.constant 0 : index
    %get3A_41 = vector.load %arg4[%get3A_39, %get3A_40] : memref<1x128xf32, #tpu.memory_space<vmem>>, vector<1x128xf32>
    %mul3A_42 = vector.broadcast %get3A_41 : vector<1x128xf32> to vector<10000x128xf32>
    %mul3A_43 = arith.mulf %mul3A_38, %mul3A_42 : vector<10000x128xf32>
    %get3A_44 = arith.constant 0 : index
    %get3A_45 = arith.constant 0 : index
    %get3A_46 = vector.load %arg5[%get3A_44, %get3A_45] : memref<1x128xf32, #tpu.memory_space<vmem>>, vector<1x128xf32>
    %add3A_47 = vector.broadcast %get3A_46 : vector<1x128xf32> to vector<10000x128xf32>
    %add3A_48 = arith.addf %mul3A_43, %add3A_47 : vector<10000x128xf32>
    %get3A_49 = arith.constant 0 : index
    %get3A_50 = arith.constant 0 : index
    %get3A_51 = vector.load %arg6[%get3A_49, %get3A_50] : memref<128x128xf32, #tpu.memory_space<vmem>>, vector<128x128xf32>
    %dot_general3A_52 = arith.constant dense<0.000000e+00> : vector<10000x128xf32>
    %dot_general3A_53 = tpu.matmul %add3A_48, %get3A_51, %dot_general3A_52 {dimension_numbers = #tpu.dot_dimension_numbers<[1], [0], [0], [1], [0, 0, 1, 1], [], []>, transpose_lhs_hint = false} : vector<10000x128xf32>, vector<128x128xf32>, vector<10000x128xf32> -> vector<10000x128xf32>
    %get3A_54 = arith.constant 0 : index
    %get3A_55 = arith.constant 0 : index
    %get3A_56 = vector.load %arg7[%get3A_54, %get3A_55] : memref<1x128xf32, #tpu.memory_space<vmem>>, vector<1x128xf32>
    %add3A_57 = vector.broadcast %get3A_56 : vector<1x128xf32> to vector<10000x128xf32>
    %add3A_58 = arith.addf %dot_general3A_53, %add3A_57 : vector<10000x128xf32>
    %get3A_59 = arith.constant 0 : index
    %get3A_60 = arith.constant 0 : index
    %get3A_61 = vector.load %arg8[%get3A_59, %get3A_60] : memref<128x10xf32, #tpu.memory_space<vmem>>, vector<128x10xf32>
    %dot_general3A_62 = arith.constant dense<0.000000e+00> : vector<10000x10xf32>
    %dot_general3A_63 = tpu.matmul %add3A_58, %get3A_61, %dot_general3A_62 {dimension_numbers = #tpu.dot_dimension_numbers<[1], [0], [0], [1], [0, 0, 1, 1], [], []>, transpose_lhs_hint = false} : vector<10000x128xf32>, vector<128x10xf32>, vector<10000x10xf32> -> vector<10000x10xf32>
    %get3A_64 = arith.constant 0 : index
    %get3A_65 = arith.constant 0 : index
    %get3A_66 = vector.load %arg9[%get3A_64, %get3A_65] : memref<1x10xf32, #tpu.memory_space<vmem>>, vector<1x10xf32>
    %add3A_67 = vector.broadcast %get3A_66 : vector<1x10xf32> to vector<10000x10xf32>
    %add3A_68 = arith.addf %dot_general3A_63, %add3A_67 : vector<10000x10xf32>
    %swap3A = arith.constant 0 : index
    %swap3A_69 = arith.constant 0 : index
    %swap3A_70 = vector.load %arg10[%swap3A, %swap3A_69] : memref<10000x10xf32, #tpu.memory_space<vmem>>, vector<10000x10xf32>
    tpu.vector_store %arg10[%swap3A, %swap3A_69], %add3A_68 {strides = array<i32>} : memref<10000x10xf32, #tpu.memory_space<vmem>>, vector<10000x10xf32>,
    return
  }
}

</mosaic_0001>

<sc_bundles>
// kernel: kernel.4.cloned.1.call-start
scs
__scs_entry_jumppad:
0x0: {  	(pc) =	sbr.rel $0x88, $3  }
0x1: {  	(tag) =	ssettag $0x0;
	lr =	simm.s32 $0x1  }
0x2: {  	[smem:$0x3F97] =	sst lr;
	_ =	strace $0xD0000000  }
0x3: {  	_ = 	snop  }
0x4: {  	_ = 	snop  }
0x5: {  	_ = 	snop  }
0x6: {  	_ = 	snop  }
0x7: {  	_ = 	snop  }
__scs_overlays_trampoline_lowered:
0x8: {  	[smem:$0x3FA6] =	sst s0  }
0x9: {  	[smem:$0x3FA7] =	sst s1  }
0xa: {  	[smem:$0x3FA8] =	sst s2  }
0xb: {  	[smem:$0x3FA9] =	sst s3  }
0xc: {  	[smem:$0x3FAA] =	sst s4  }
0xd: {  	[smem:$0x3FAB] =	sst s5  }
0xe: {  	[smem:$0x3FAC] =	sst s6  }
0xf: {  	[smem:$0x3FAD] =	sst s7  }
0x10: {  	[smem:$0x3FAE] =	sst s8  }
0x11: {  	[smem:$0x3FAF] =	sst s9;
	s0 =	simm.s32 @!p0 $0x0  }
0x12: {  	s1 =	sld [smem:$0x3F95];
	s0 =	simm.s32 @p0 $0x1  }
0x13: {  	[smem:$0x3FB0] =	sst s0;
	s0 =	simm.s32 @!p1 $0x0  }
0x14: {  	s2 =	sld [smem:$0x3F94];
	s0 =	simm.s32 @p1 $0x1  }
0x15: {  	[smem:$0x3FB1] =	sst s0;
	s0 =	simm.s32 @!p2 $0x0  }
0x16: {  	s3 =	sld [smem:$0x3FDB];
	s0 =	simm.s32 @p2 $0x1  }
0x17: {  	s4 =	simm.s32 $0x1BF5;
	[smem:$0x3FB3] =	sst s0  }
0x18: {  	s0 =	sld [smem:$0x3F96];
	_ =	swait.ge [sflag:s4], $0x0  }
0x19: {  	s7 =	sld [smem:$0x3F97]  }
0x1a: {  	s8 =	sadd.s32 $0xFFFFE003, lr  }
0x1b: {  	s9 =	sadd.s32 $0xFFFFFEF7, lr;
	s5 =	simm.s32 $0xFFFFFFFF;
	p2 =	slt.u32 s8, $0xFFFFF086  }
0x1c: {  	p1 =	slt.u32 s9, $0xF7A;
	s5 =	simm.s32 @!p2 $0x0  }
0x1d: {  	s5 =	simm.s32 @p1 $0x1;
	p0 =	seq.s32 s7, s2  }
0x1e: {  	s7 =	smul.u32 @!p0 $0xF7A, s2;
	p2 =	seq.s32 @!p0 s5, $0x0  }
0x1f: {  	s9 =	smul.u32 $0xF7A, s1;
	s8 =	simm.s32 @!p0 $0x1BF5;
	p2 =	por !p2, p0  }
0x20: {  	[sflag:s8] =	ssyncset.s32 @!p0 $0xFFFFF086;
	s6 =	sadd.s32 @!p0 s3, s7;
	s7 =	simm.s32 @!p0 $0x108  }
0x21: {  	s3 =	sadd.s32 s3, s9;
	s6 =	sadd.s32 @!p0 $0x88, s6;
	s7 =	simm.s32 @p2 $0x1082  }
0x22: {  	[simem:s7], [sflag:s8] =	dma.local @!p0 [hbm:s6], $0xF7A  }
0x23: {  	s9 =	sor.u32 $0xD0000000, s2;
	s6 =	simm.s32 $0x108;
	_ =	swait.ge @!p0 [sflag:s8], $0x0  }
0x24: {  	s3 =	sadd.s32 $0x88, s3;
	s6 =	simm.s32 @!p1 $0x1082;
	[sflag:s4] =	ssyncset.s32 $0xFFFFF086  }
0x25: {  	[simem:s6], [sflag:s4] =	dma.local [hbm:s3], $0xF7A  }
0x26: {  	[smem:$0x3F97] =	sst s1;
	(tag) =	ssettag s2;
	_ =	strace s9  }
0x27: {  	s1 =	sld [smem:$0x3FA7]  }
0x28: {  	s2 =	sld [smem:$0x3FA8]  }
0x29: {  	s4 =	sld [smem:$0x3FAA]  }
0x2a: {  	p0 =	seq.s32 s5, $0x0;
	s5 =	sld [smem:$0x3FAB]  }
0x2b: {  	s6 =	sld [smem:$0x3FAC]  }
0x2c: {  	s7 =	sld [smem:$0x3FAD]  }
0x2d: {  	s3 =	simm.s32 $0x108;
	s8 =	sld [smem:$0x3FAE]  }
0x2e: {  	s3 =	simm.s32 @!p0 $0x1082;
	s9 =	sld [smem:$0x3FAF]  }
0x2f: {  	lr =	sadd.s32 s0, s3;
	s0 =	sld [smem:$0x3FA6]  }
0x30: {  	s3 =	sld [smem:$0x3FA9]  }
0x31: {  	[smem:$0x3FB2] =	sst s10  }
0x32: {  	s10 =	sld [smem:$0x3FB0];
	_ =	sdelay $0x3  }
0x33: {  	p0 =	seq.s32 s10, $0x1;
	s10 =	sld [smem:$0x3FB2];
	_ =	sdelay $0x3  }
0x34: {  	[smem:$0x3FB2] =	sst s10  }
0x35: {  	s10 =	sld [smem:$0x3FB1];
	_ =	sdelay $0x3  }
0x36: {  	p1 =	seq.s32 s10, $0x1;
	s10 =	sld [smem:$0x3FB2];
	_ =	sdelay $0x3  }
0x37: {  	[smem:$0x3FB2] =	sst s10  }
0x38: {  	s10 =	sld [smem:$0x3FB3]  }
0x39: {  	_ = 	snop;
	(pc) =	sbr.ind lr, $3  }
0x3a: {  	_ = 	snop  }
0x3b: {  	_ = 	snop  }
0x3c: {  	p2 =	seq.s32 s10, $0x1;
	s10 =	sld [smem:$0x3FB2]  }
0x3d: {  	_ =	shalt  }
0x3e: {  	_ =	shalt  }
0x3f: {  	_ =	shalt  }
0x40: {  	_ =	shalt  }
0x41: {  	_ =	shalt  }
0x42: {  	_ =	shalt  }
0x43: {  	_ =	shalt  }
0x44: {  	_ =	shalt  }
0x45: {  	_ =	shalt  }
0x46: {  	_ =	shalt  }
0x47: {  	_ =	shalt  }
0x48: {  	_ =	shalt  }
0x49: {  	_ =	shalt  }
0x4a: {  	_ =	shalt  }
0x4b: {  	_ =	shalt  }
0x4c: {  	_ =	shalt  }
0x4d: {  	_ =	shalt  }
0x4e: {  	_ =	shalt  }
0x4f: {  	_ =	shalt  }
0x50: {  	_ =	shalt  }
0x51: {  	_ =	shalt  }
0x52: {  	_ =	shalt  }
0x53: {  	_ =	shalt  }
0x54: {  	_ =	shalt  }
0x55: {  	_ =	shalt  }
0x56: {  	_ =	shalt  }
0x57: {  	_ =	shalt  }
0x58: {  	_ =	shalt  }
0x59: {  	_ =	shalt  }
0x5a: {  	_ =	shalt  }
0x5b: {  	_ =	shalt  }
0x5c: {  	_ =	shalt  }
0x5d: {  	_ =	shalt  }
0x5e: {  	_ =	shalt  }
0x5f: {  	_ =	shalt  }
0x60: {  	_ =	shalt  }
0x61: {  	_ =	shalt  }
0x62: {  	_ =	shalt  }
0x63: {  	_ =	shalt  }
0x64: {  	_ =	shalt  }
0x65: {  	_ =	shalt  }
0x66: {  	_ =	shalt  }
0x67: {  	_ =	shalt  }
0x68: {  	_ =	shalt  }
0x69: {  	_ =	shalt  }
0x6a: {  	_ =	shalt  }
0x6b: {  	_ =	shalt  }
0x6c: {  	_ =	shalt  }
0x6d: {  	_ =	shalt  }
0x6e: {  	_ =	shalt  }
0x6f: {  	_ =	shalt  }
0x70: {  	_ =	shalt  }
0x71: {  	_ =	shalt  }
0x72: {  	_ =	shalt  }
0x73: {  	_ =	shalt  }
0x74: {  	_ =	shalt  }
0x75: {  	_ =	shalt  }
0x76: {  	_ =	shalt  }
0x77: {  	_ =	shalt  }
0x78: {  	_ =	shalt  }
0x79: {  	_ =	shalt  }
0x7a: {  	_ =	shalt  }
0x7b: {  	_ =	shalt  }
0x7c: {  	_ =	shalt  }
0x7d: {  	_ =	shalt  }
0x7e: {  	_ =	shalt  }
0x7f: {  	_ =	shalt  }
0x80: {  	_ =	shalt  }
0x81: {  	_ =	shalt  }
0x82: {  	_ =	shalt  }
0x83: {  	_ =	shalt  }
0x84: {  	_ =	shalt  }
0x85: {  	_ =	shalt  }
0x86: {  	_ =	shalt  }
0x87: {  	_ =	shalt  }
.Lfunc_end0:
.L_simem_size_0:
called_computation_lowered:
.L_overlay_start_0:
0x88: {  	s2 =	sld [smem:$0x3FD9]  }
0x89: {  	s3 =	sld [smem:$0x3FFE];
	_ =	sdelay $0x1  }
0x8a: {  	s1 =	srdreg.scid  }
0x8b: {  	s0 =	sand.u32 $0x1, s1  }
0x8c: {  	s17 =	sshll.u32 s0, $0xA;
	s2 =	sadd.s32 s3, s2  }
0x8d: {  	s2 =	sadd.s32 s2, s17  }
0x8e: {  	[smem:$0x3FBE] =	sst s2  }
0x8f: {  	_ = 	snop  }
0x90: {  	s2 =	sld [smem:$0x3FC9];
	(tm) =	ssettm $0x1  }
0x91: {  	s18 =	sld [smem:$0x3FFB];
	_ =	sdelay $0x3  }
0x92: {  	_ =	strace s18  }
0x93: {  	s3 =	sld [smem:$0x3FFC];
	_ =	sdelay $0x3  }
0x94: {  	_ =	strace s3  }
0x95: {  	s3 =	sld [smem:$0x3FFD];
	_ =	sdelay $0x3  }
0x96: {  	_ =	strace s3  }
0x97: {  	_ =	strace $0x8FFFFFFF  }
0x98: {  	s19 =	sld [smem:$0x3FDB];
	_ =	sdelay $0x1  }
0x99: {  	s4 =	simm.s32 $_scs_section_size  }
0x9a: {  	s5 =	simm.s32 $_size__tile_overlayer_lowered;
	s6 =	simm.s32 $_tile_overlayer_lowered  }
0x9b: {  	s22 =	simm.s32 $0x1BFF;
	s21 =	sshll.u32 s6, $0x1;
	s3 =	sadd.s32 s4, s19  }
0x9c: {  	s7 =	simm.s32 $0x0;
	s20 =	sshll.u32 s5, $0x1;
	s5 =	sadd.s32 s21, s3  }
0x9d: {  	[timem:s7], [sflag:s22] =	dma.local [hbm:s5], s20  }
0x9e: {  	_ =	swait.ge [sflag:s22], s20  }
0x9f: {  	s4 =	ssub.s32 $0x0, s20;
	[sflag:s22] =	ssyncset.done $0x0  }
0xa0: {  	[sflag:s22] =	ssyncadd.s32 s4;
	_ =	sdelay $0x1  }
0xa1: {  	s23 =	simm.s32 $0x1B8B  }
0xa2: {  	_ =	swait.ge [sflag:s23], $0x1  }
0xa3: {  	[sflag:s23] =	ssyncset.done $0x0  }
0xa4: {  	s25 =	simm.s32 $0x1B8E;
	s24 =	sld [smem:$0x3FFE];
	[sflag:s23] =	ssyncadd.s32 $0xFFFFFFFF  }
0xa5: {  	s26 =	simm.s32 $execute0_lowered;
	[smem:$0x3FD2] =	sst s25  }
0xa6: {  	s5 =	sshll.u32 s26, $0x1;
	_ =	strace $0x80000046;
	[dreg:$0x1] =	wrdreg $0xFFFFFFFF  }
0xa7: {  	s28 =	simm.s32 $_size_execute0_lowered;
	s3 =	sadd.s32 s3, s5;
	[dreg:$0x0] =	wrdreg $0x0  }
0xa8: {  	s5 =	sshll.u32 s28, $0x1;
	[dreg:$0x2] =	wrdreg s3  }
0xa9: {  	[dreg:$0x3] =	wrdreg s5  }
0xaa: {  	[dreg:$0x4] =	wrdreg $0xC0  }
0xab: {  	_ =	task [dreg:s7], $0x5FFFF  }
0xac: {  	[dreg:$0x1] =	wrdreg $0xFFFFFFFF  }
0xad: {  	[dreg:$0x0] =	wrdreg $0x60  }
0xae: {  	[dreg:$0x2] =	wrdreg s2  }
0xaf: {  	[dreg:$0x3] =	wrdreg s24  }
0xb0: {  	[dreg:$0x4] =	wrdreg $0x9C000  }
0xb1: {  	[dreg:$0x5] =	wrdreg $0x9  }
0xb2: {  	_ =	task.clear_ibuf [dreg:s7], $0x6FFFF;
	_ =	strace $0x90000046  }
0xb3: {  	s29 =	simm.s32 $0x9;
	_ =	strace $0x80000048  }
0xb4: {  	_ =	swait.ge [sflag:s29], $0x1  }
0xb5: {  	[sflag:s29] =	ssyncadd.s32 $0xFFFFFFFF  }
0xb6: {  	_ =	strace $0x90000048  }
0xb7: {  	_ =	sfence  }
0xb8: {  	s30 =	sld [smem:$0x0];
	_ =	sdelay $0x2  }
0xb9: {  	s31 =	sshll.u32 s1, $0xD;
	s1 =	sshrl.u32 s1, $0x2  }
0xba: {  	s3 =	sand.u32 $0x4000, s31;
	s1 =	sadd.s32 s1, s30  }
0xbb: {  	s0 =	sor.u32 s3, s0;
	s1 =	sshll.u32 s1, $0x11  }
0xbc: {  	s0 =	sor.u32 s1, s0  }
0xbd: {  	s0 =	sadd.s32 $0x8F2B, s0  }
0xbe: {  	[sflag:s0] =	ssyncadd.remote.s32 $0x1  }
0xbf: {  	_ =	sfence.sel $0xFFFF  }
0xc0: {  	[dreg:$0x0] =	wrdreg $0xFFFFFFFF;
	(pc) =	sbr.abs _section_cstart, $3  }
0xc1: {  	[dreg:$0x1] =	wrdreg $0xFFFFFFFF  }
0xc2: {  	_ =	task.clear_ibuf [dreg:s7], $0x2FFFF;
	_ =	strace $0x9FFFFFFF  }
0xc3: {  	(tm) =	ssettm $0x7FFFFFFF  }
tec
execute0_lowered:
.L_overlay_start_1:
0x0: {  	(tag) =	ssettag $0x1  }
0x1: {  	s3 =	rddreg [dreg:$0x0]  }
0x2: {  	s0 =	rddreg [dreg:$0x1]  }
0x3: {  	s1 =	rddreg [dreg:$0x2]  }
0x4: {  	s2 =	srdreg.scid;
	s14 =	stileid.u32  }
0x5: {  	s4 =	simm.s32 $0x0;
	s28 =	simm.s32 $0x10;
	s29 =	simm.s32 $0x28  }
0x6: {  	s2 =	sand.u32 $0x1, s2;
	s5 =	sshll.u32 s14, $0x1;
	[smem:$0x7FF] =	sst s4  }
0x7: {  	s15 =	sadd.s32 $0x1600, s0;
	s16 =	sadd.s32 $0x25600, s0;
	s9 =	smul.u32 $0x4E000, s14  }
0x8: {  	s0 =	sadd.s32 $0x49600, s0;
	s26 =	smul.u32 $0x2700, s14;
	s30 =	sshll.u32 s14, $0x6  }
0x9: {  	s31 =	sadd.s32 $0x138000, s1;
	s12 =	sadd.s32 $0x27000, s3;
	s17 =	smul.u32 $0x13800, s14  }
0xa: {  	s23 =	smul.u32 $0x4F000, s14;
	p0 =	sgt.u32 s14, $0x1;
	s5 =	sor.u32 s2, s5  }
0xb: {  	_ =	strace $0x80000047;
	[dreg:$0xb] =	wrdreg s12;
	s20 =	smul.u32 $0x138800, s2  }
0xc: {  	s6 =	ssub.s32 $0x2, s2;
	s12 =	smul.u32 $0x13C00, s14;
	[dreg:$0x6] =	wrdreg s16  }
0xd: {  	s2 =	smul.u32 $0x9000, s2;
	s31 =	sshrl.u32 s31, $0x3;
	[dreg:$0x5] =	wrdreg s15  }
0xe: {  	s18 =	sor.u32 $0x1C11, s30;
	s5 =	smul.u32 $0x9000, s5;
	[dreg:$0x16] =	wrdreg s31  }
0xf: {  	s7 =	sshrl.u32 s6, $0x1;
	s9 =	sshrl.u32 s9, $0x2;
	[dreg:$0xa] =	wrdreg s18  }
0x10: {  	s6 =	ssub.s32 s6, s7;
	s9 =	sadd.s32 s9, s1;
	s7 =	sadd.s32 s3, s26  }
0x11: {  	s8 =	sshrl.u32 s5, $0x3;
	[dreg:$0x9] =	wrdreg s7;
	s5 =	sadd.s32 $0x1000, s5  }
0x12: {  	s24 =	sshrl.u32 s23, $0x2;
	s30 =	sshrl.u32 s9, $0x3;
	[dreg:$0x4] =	wrdreg s5  }
0x13: {  	s22 =	sadd.s32 s12, s20;
	s25 =	sadd.s32 s15, s8;
	[dreg:$0x15] =	wrdreg s30  }
0x14: {  	s9 =	simm.s32 $0x0;
	s10 =	sadd.s32 s16, s8;
	[dreg:$0x7] =	wrdreg s25  }
0x15: {  	s13 =	sor.u32 $0x80, s8;
	s8 =	sor.u32 $0x100, s8;
	[dreg:$0x8] =	wrdreg s10  }
0x16: {  	s11 =	sadd.s32 s15, s13;
	s10 =	sadd.s32 s16, s13;
	s19 =	sadd.s32 s15, s8  }
0x17: {  	s13 =	smul.u32 $0x12000, s14;
	s8 =	sadd.s32 s16, s8;
	[dreg:$0xc] =	wrdreg s11  }
0x18: {  	s25 =	smax.u32 s6, $0x1;
	[dreg:$0xd] =	wrdreg s10;
	s11 =	sadd.s32 $0x800, s17  }
0x19: {  	[dreg:$0xe] =	wrdreg s19;
	s21 =	sadd.s32 s20, s11;
	s2 =	sadd.s32 s2, s13  }
0x1a: {  	[dreg:$0xf] =	wrdreg s8;
	s5 =	sshrl.u32 s21, $0x3;
	s2 =	sor.u32 $0xC00, s2  }
0x1b: {  	[dreg:$0x12] =	wrdreg s25;
	s5 =	sadd.s32 s0, s5;
	s2 =	sshrl.u32 s2, $0x3  }
0x1c: {  	s6 =	simm.s32 $0x400;
	[dreg:$0x10] =	wrdreg s5;
	s26 =	sadd.s32 s2, s16  }
0x1d: {  	s5 =	sshrl.u32 s22, $0x3;
	s2 =	sadd.s32 s2, s15;
	[dreg:$0x13] =	wrdreg s26  }
0x1e: {  	s10 =	sadd.s32 s11, s1;
	s0 =	sadd.s32 s0, s5;
	[dreg:$0x14] =	wrdreg s2  }
0x1f: {  	s2 =	sshrl.u32 @p0 s10, $0x3;
	[dreg:$0x11] =	wrdreg s0;
	s0 =	sadd.s32 s24, s1  }
0x20: {  	s14 =	simm.s32 $0xF;
	[dreg:$0x17] =	wrdreg s2;
	s0 =	sshrl.u32 @!p0 s0, $0x3  }
0x21: {  	s8 =	smov.u32 s1;
	s22 =	simm.s32 $0x80;
	[dreg:$0x18] =	wrdreg s0  }
.LBB2_1:
0x22: {  	[dreg:$0x19] =	wrdreg s9  }
0x23: {  	s0 =	rddreg [dreg:$0x7]  }
0x24: {  	s12 =	rddreg [dreg:$0x8]  }
0x25: {  	s13 =	rddreg [dreg:$0x9]  }
0x26: {  	[tilespmem:s4], [sflag:$0xF] =	stream.linear.gather [hbm4b:s0+s4], $0x380, $0x38;
	[tilespmem:$0x1D4C0] =	vst v63  }
0x27: {  	s7 =	rddreg [dreg:$0x15]  }
0x28: {  	[tilespmem:s6], [sflag:$0x10] =	stream.linear.gather [hbm4b:s12+s4], $0x380, $0x38;
	[tilespmem:$0x1D4C0] =	vst v63  }
0x29: {  	[spmem:s7], [sflag:s18] =	dma.local [hbm:s13], $0x2700  }
0x2a: {  	s0 =	rddreg [dreg:$0xb]  }
0x2b: {  	s7 =	rddreg [dreg:$0x16]  }
0x2c: {  	[spmem:s7], [sflag:s18] =	dma.local [hbm:s0], $0x100  }
0x2d: {  	_ =	swait.ge [sflag:s14], $0x380  }
0x2e: {  	[sflag:s14] =	ssyncset.done $0x0  }
0x2f: {  	[sflag:s14] =	ssyncadd.s32 $0xFFFFFC80  }
0x30: {  	_ =	swait.ge [sflag:s28], $0x380  }
0x31: {  	[sflag:s28] =	ssyncset.done $0x0  }
0x32: {  	s16 =	simm.s32 $0x0;
	s19 =	simm.s32 $0x1000;
	[sflag:s28] =	ssyncadd.s32 $0xFFFFFC80  }
0x33: {  	[tilespmem:s19], [sflag:$0x1] =	stream.indirect.gather [hbm4b:s3+s29], $0x80, s16, s29, $0xb8;
	[tilespmem:$0x1D4C0] =	vst v63  }
0x34: {  	s14 =	simm.s32 $0x2400  }
0x35: {  	[tilespmem:s14], [sflag:$0x2] =	stream.indirect.gather [hbm4b:s3+s29], $0x80, s22, s29, $0xb8;
	[tilespmem:$0x1D4C0] =	vst v63  }
0x36: {  	s15 =	simm.s32 $0x100;
	s20 =	simm.s32 $0x3800  }
0x37: {  	[tilespmem:s20], [sflag:$0x3] =	stream.indirect.gather [hbm4b:s3+s29], $0x80, s15, s29, $0xb8;
	[tilespmem:$0x1D4C0] =	vst v63  }
0x38: {  	s17 =	simm.s32 $0x180;
	s25 =	simm.s32 $0x4C00  }
0x39: {  	[tilespmem:s25], [sflag:$0x4] =	stream.indirect.gather [hbm4b:s3+s29], $0x80, s17, s29, $0xb8;
	[tilespmem:$0x1D4C0] =	vst v63  }
0x3a: {  	s21 =	simm.s32 $0x200;
	s26 =	simm.s32 $0x6000  }
0x3b: {  	[tilespmem:s26], [sflag:$0x5] =	stream.indirect.gather [hbm4b:s3+s29], $0x80, s21, s29, $0xb8;
	[tilespmem:$0x1D4C0] =	vst v63  }
0x3c: {  	s23 =	simm.s32 $0x280;
	s31 =	simm.s32 $0x7400  }
0x3d: {  	[tilespmem:s31], [sflag:$0x6] =	stream.indirect.gather [hbm4b:s3+s29], $0x80, s23, s29, $0xb8;
	[tilespmem:$0x1D4C0] =	vst v63  }
0x3e: {  	s1 =	simm.s32 $0x300;
	s24 =	simm.s32 $0x8800;
	s5 =	simm.s32 $0x11  }
0x3f: {  	[tilespmem:s24], [sflag:$0x7] =	stream.indirect.gather [hbm4b:s3+s29], $0x80, s1, s29, $0xb8;
	[tilespmem:$0x1D4C0] =	vst v63  }
0x40: {  	_ =	swait.ge [sflag:s5], $0x2700  }
0x41: {  	[sflag:s5] =	ssyncset.done $0x0  }
0x42: {  	[sflag:s5] =	ssyncadd.s32 $0xFFFFD900  }
0x43: {  	_ =	swait.ge [sflag:s5], $0x100  }
0x44: {  	[sflag:s5] =	ssyncset.done $0x0  }
0x45: {  	[sflag:s5] =	ssyncadd.s32 $0xFFFFFF00  }
0x46: {  	[bflag:$0x0] =	sbarrier.arrive $0xFFFF  }
0x47: {  	s2 =	simm.s32 $0x800;
	s7 =	rddreg [dreg:$0xc]  }
0x48: {  	[tilespmem:s2], [sflag:$0xF] =	stream.linear.gather [hbm4b:s7+s16], $0x380, $0x38;
	[tilespmem:$0x1D4C0] =	vst v63  }
0x49: {  	s10 =	simm.s32 $0xC00;
	s4 =	simm.s32 $0x1;
	s9 =	rddreg [dreg:$0xd]  }
0x4a: {  	[tilespmem:s10], [sflag:$0x10] =	stream.linear.gather [hbm4b:s9+s16], $0x380, $0x38;
	[tilespmem:$0x1D4C0] =	vst v63  }
0x4b: {  	_ =	swait.ge [sflag:s4], $0x1400  }
0x4c: {  	[sflag:s4] =	ssyncset.done $0x0  }
0x4d: {  	s7 =	simm.s32 $0x2;
	[sflag:s4] =	ssyncadd.s32 $0xFFFFEC00  }
0x4e: {  	[spmem:s8] =	stream.indirect.scatter.add.f32 [tilespmem:s19], [sflag:$0x8], $0x80, s6, s29, $0xb8;
	[tilespmem:$0x1D4C0] =	vst v63  }
0x4f: {  	_ =	swait.ge [sflag:s7], $0x1400  }
0x50: {  	s11 =	simm.s32 $0x480;
	[sflag:s7] =	ssyncset.done $0x0  }
0x51: {  	s18 =	simm.s32 $0x2400;
	s9 =	simm.s32 $0x3;
	[sflag:s7] =	ssyncadd.s32 $0xFFFFEC00  }
0x52: {  	[spmem:s8] =	stream.indirect.scatter.add.f32 [tilespmem:s18], [sflag:$0x9], $0x80, s11, s29, $0xb8;
	[tilespmem:$0x1D4C0] =	vst v63  }
0x53: {  	_ =	swait.ge [sflag:s9], $0x1400  }
0x54: {  	[sflag:s9] =	ssyncset.done $0x0  }
0x55: {  	s12 =	simm.s32 $0x500;
	[sflag:s9] =	ssyncadd.s32 $0xFFFFEC00  }
0x56: {  	[spmem:s8] =	stream.indirect.scatter.add.f32 [tilespmem:s20], [sflag:$0xA], $0x80, s12, s29, $0xb8;
	[tilespmem:$0x1D4C0] =	vst v63  }
0x57: {  	s23 =	smov.u32 s8;
	s8 =	simm.s32 $0x4  }
0x58: {  	_ =	swait.ge [sflag:s8], $0x1400  }
0x59: {  	[sflag:s8] =	ssyncset.done $0x0  }
0x5a: {  	s13 =	simm.s32 $0x580;
	s12 =	simm.s32 $0x5;
	[sflag:s8] =	ssyncadd.s32 $0xFFFFEC00  }
0x5b: {  	[spmem:s23] =	stream.indirect.scatter.add.f32 [tilespmem:s25], [sflag:$0xB], $0x80, s13, s29, $0xb8;
	[tilespmem:$0x1D4C0] =	vst v63  }
0x5c: {  	_ =	swait.ge [sflag:s12], $0x1400  }
0x5d: {  	[sflag:s12] =	ssyncset.done $0x0  }
0x5e: {  	s14 =	simm.s32 $0x600;
	s13 =	simm.s32 $0x6;
	[sflag:s12] =	ssyncadd.s32 $0xFFFFEC00  }
0x5f: {  	[spmem:s23] =	stream.indirect.scatter.add.f32 [tilespmem:s26], [sflag:$0xC], $0x80, s14, s29, $0xb8;
	[tilespmem:$0x1D4C0] =	vst v63  }
0x60: {  	_ =	swait.ge [sflag:s13], $0x1400  }
0x61: {  	[sflag:s13] =	ssyncset.done $0x0  }
0x62: {  	s15 =	simm.s32 $0x680;
	s14 =	simm.s32 $0x7;
	[sflag:s13] =	ssyncadd.s32 $0xFFFFEC00  }
0x63: {  	[spmem:s23] =	stream.indirect.scatter.add.f32 [tilespmem:s31], [sflag:$0xD], $0x80, s15, s29, $0xb8;
	[tilespmem:$0x1D4C0] =	vst v63  }
0x64: {  	_ =	swait.ge [sflag:s14], $0x1400  }
0x65: {  	s30 =	simm.s32 $0x8800;
	[sflag:s14] =	ssyncset.done $0x0  }
0x66: {  	s22 =	simm.s32 $0xF;
	s24 =	simm.s32 $0x700;
	[sflag:s14] =	ssyncadd.s32 $0xFFFFEC00  }
0x67: {  	[spmem:s23] =	stream.indirect.scatter.add.f32 [tilespmem:s30], [sflag:$0xE], $0x80, s24, s29, $0xb8;
	[tilespmem:$0x1D4C0] =	vst v63  }
0x68: {  	_ =	swait.ge [sflag:s22], $0x380  }
0x69: {  	[sflag:s22] =	ssyncset.done $0x0  }
0x6a: {  	[sflag:s22] =	ssyncadd.s32 $0xFFFFFC80  }
0x6b: {  	_ =	swait.ge [sflag:s28], $0x380  }
0x6c: {  	[sflag:s28] =	ssyncset.done $0x0  }
0x6d: {  	s10 =	simm.s32 $0x8;
	[sflag:s28] =	ssyncadd.s32 $0xFFFFFC80  }
0x6e: {  	_ =	swait.ge [sflag:s10], $0x1400  }
0x6f: {  	[sflag:s10] =	ssyncset.done $0x0  }
0x70: {  	s2 =	simm.s32 $0x9;
	[sflag:s10] =	ssyncadd.s32 $0xFFFFEC00  }
0x71: {  	_ =	swait.ge [sflag:s2], $0x1400  }
0x72: {  	[sflag:s2] =	ssyncset.done $0x0  }
0x73: {  	s11 =	simm.s32 $0xA;
	[sflag:s2] =	ssyncadd.s32 $0xFFFFEC00  }
0x74: {  	_ =	swait.ge [sflag:s11], $0x1400  }
0x75: {  	[sflag:s11] =	ssyncset.done $0x0  }
0x76: {  	s15 =	simm.s32 $0xB;
	[sflag:s11] =	ssyncadd.s32 $0xFFFFEC00  }
0x77: {  	_ =	swait.ge [sflag:s15], $0x1400  }
0x78: {  	[sflag:s15] =	ssyncset.done $0x0  }
0x79: {  	s5 =	simm.s32 $0xC;
	[sflag:s15] =	ssyncadd.s32 $0xFFFFEC00  }
0x7a: {  	_ =	swait.ge [sflag:s5], $0x1400  }
0x7b: {  	[sflag:s5] =	ssyncset.done $0x0  }
0x7c: {  	s1 =	simm.s32 $0xD;
	[sflag:s5] =	ssyncadd.s32 $0xFFFFEC00  }
0x7d: {  	_ =	swait.ge [sflag:s1], $0x1400  }
0x7e: {  	[sflag:s1] =	ssyncset.done $0x0  }
0x7f: {  	s24 =	simm.s32 $0xE;
	[sflag:s1] =	ssyncadd.s32 $0xFFFFEC00  }
0x80: {  	_ =	swait.ge [sflag:s24], $0x1400  }
0x81: {  	[sflag:s24] =	ssyncset.done $0x0  }
0x82: {  	s30 =	rddreg [dreg:$0xe];
	[sflag:s24] =	ssyncadd.s32 $0xFFFFEC00  }
0x83: {  	[tilespmem:s16], [sflag:$0xF] =	stream.linear.gather [hbm4b:s30+s16], $0x380, $0x38;
	[tilespmem:$0x1D4C0] =	vst v63  }
0x84: {  	s30 =	rddreg [dreg:$0xf]  }
0x85: {  	[tilespmem:s6], [sflag:$0x10] =	stream.linear.gather [hbm4b:s30+s16], $0x380, $0x38;
	[tilespmem:$0x1D4C0] =	vst v63  }
0x86: {  	s21 =	simm.s32 $0x800  }
0x87: {  	[tilespmem:s19], [sflag:$0x1] =	stream.indirect.gather [hbm4b:s3+s29], $0x80, s21, s29, $0xb8;
	[tilespmem:$0x1D4C0] =	vst v63  }
0x88: {  	s21 =	simm.s32 $0x880  }
0x89: {  	[tilespmem:s18], [sflag:$0x2] =	stream.indirect.gather [hbm4b:s3+s29], $0x80, s21, s29, $0xb8;
	[tilespmem:$0x1D4C0] =	vst v63  }
0x8a: {  	s30 =	simm.s32 $0x900  }
0x8b: {  	[tilespmem:s20], [sflag:$0x3] =	stream.indirect.gather [hbm4b:s3+s29], $0x80, s30, s29, $0xb8;
	[tilespmem:$0x1D4C0] =	vst v63  }
0x8c: {  	s21 =	simm.s32 $0x980  }
0x8d: {  	[tilespmem:s25], [sflag:$0x4] =	stream.indirect.gather [hbm4b:s3+s29], $0x80, s21, s29, $0xb8;
	[tilespmem:$0x1D4C0] =	vst v63  }
0x8e: {  	s30 =	simm.s32 $0xA00  }
0x8f: {  	[tilespmem:s26], [sflag:$0x5] =	stream.indirect.gather [hbm4b:s3+s29], $0x80, s30, s29, $0xb8;
	[tilespmem:$0x1D4C0] =	vst v63  }
0x90: {  	s21 =	simm.s32 $0xA80  }
0x91: {  	[tilespmem:s31], [sflag:$0x6] =	stream.indirect.gather [hbm4b:s3+s29], $0x80, s21, s29, $0xb8;
	[tilespmem:$0x1D4C0] =	vst v63  }
0x92: {  	s0 =	simm.s32 $0x8800;
	s30 =	simm.s32 $0xB00  }
0x93: {  	[tilespmem:s0], [sflag:$0x7] =	stream.indirect.gather [hbm4b:s3+s29], $0x80, s30, s29, $0xb8;
	[tilespmem:$0x1D4C0] =	vst v63  }
0x94: {  	_ =	swait.ge [sflag:s4], $0x1400  }
0x95: {  	[sflag:s4] =	ssyncset.done $0x0  }
0x96: {  	s17 =	simm.s32 $0xC00;
	[sflag:s4] =	ssyncadd.s32 $0xFFFFEC00  }
0x97: {  	[spmem:s23] =	stream.indirect.scatter.add.f32 [tilespmem:s19], [sflag:$0x8], $0x80, s17, s29, $0xb8;
	[tilespmem:$0x1D4C0] =	vst v63  }
0x98: {  	_ =	swait.ge [sflag:s7], $0x1400  }
0x99: {  	[sflag:s7] =	ssyncset.done $0x0  }
0x9a: {  	s21 =	simm.s32 $0xC80;
	[sflag:s7] =	ssyncadd.s32 $0xFFFFEC00  }
0x9b: {  	[spmem:s23] =	stream.indirect.scatter.add.f32 [tilespmem:s18], [sflag:$0x9], $0x80, s21, s29, $0xb8;
	[tilespmem:$0x1D4C0] =	vst v63  }
0x9c: {  	_ =	swait.ge [sflag:s9], $0x1400  }
0x9d: {  	[sflag:s9] =	ssyncset.done $0x0  }
0x9e: {  	s21 =	simm.s32 $0xD00;
	[sflag:s9] =	ssyncadd.s32 $0xFFFFEC00  }
0x9f: {  	[spmem:s23] =	stream.indirect.scatter.add.f32 [tilespmem:s20], [sflag:$0xA], $0x80, s21, s29, $0xb8;
	[tilespmem:$0x1D4C0] =	vst v63  }
0xa0: {  	_ =	swait.ge [sflag:s8], $0x1400  }
0xa1: {  	[sflag:s8] =	ssyncset.done $0x0  }
0xa2: {  	s21 =	simm.s32 $0xD80;
	[sflag:s8] =	ssyncadd.s32 $0xFFFFEC00  }
0xa3: {  	[spmem:s23] =	stream.indirect.scatter.add.f32 [tilespmem:s25], [sflag:$0xB], $0x80, s21, s29, $0xb8;
	[tilespmem:$0x1D4C0] =	vst v63  }
0xa4: {  	_ =	swait.ge [sflag:s12], $0x1400  }
0xa5: {  	[sflag:s12] =	ssyncset.done $0x0  }
0xa6: {  	s21 =	simm.s32 $0xE00;
	[sflag:s12] =	ssyncadd.s32 $0xFFFFEC00  }
0xa7: {  	[spmem:s23] =	stream.indirect.scatter.add.f32 [tilespmem:s26], [sflag:$0xC], $0x80, s21, s29, $0xb8;
	[tilespmem:$0x1D4C0] =	vst v63  }
0xa8: {  	_ =	swait.ge [sflag:s13], $0x1400  }
0xa9: {  	[sflag:s13] =	ssyncset.done $0x0  }
0xaa: {  	s21 =	simm.s32 $0xE80;
	[sflag:s13] =	ssyncadd.s32 $0xFFFFEC00  }
0xab: {  	[spmem:s23] =	stream.indirect.scatter.add.f32 [tilespmem:s31], [sflag:$0xD], $0x80, s21, s29, $0xb8;
	[tilespmem:$0x1D4C0] =	vst v63  }
0xac: {  	_ =	swait.ge [sflag:s14], $0x1400  }
0xad: {  	[sflag:s14] =	ssyncset.done $0x0  }
0xae: {  	s21 =	simm.s32 $0xF00;
	[sflag:s14] =	ssyncadd.s32 $0xFFFFEC00  }
0xaf: {  	[spmem:s23] =	stream.indirect.scatter.add.f32 [tilespmem:s0], [sflag:$0xE], $0x80, s21, s29, $0xb8;
	[tilespmem:$0x1D4C0] =	vst v63  }
0xb0: {  	_ =	swait.ge [sflag:s22], $0x380  }
0xb1: {  	[sflag:s22] =	ssyncset.done $0x0  }
0xb2: {  	[sflag:s22] =	ssyncadd.s32 $0xFFFFFC80  }
0xb3: {  	_ =	swait.ge [sflag:s28], $0x380  }
0xb4: {  	[sflag:s28] =	ssyncset.done $0x0  }
0xb5: {  	[sflag:s28] =	ssyncadd.s32 $0xFFFFFC80  }
0xb6: {  	_ =	swait.ge [sflag:s10], $0x1400  }
0xb7: {  	[sflag:s10] =	ssyncset.done $0x0  }
0xb8: {  	[sflag:s10] =	ssyncadd.s32 $0xFFFFEC00  }
0xb9: {  	_ =	swait.ge [sflag:s2], $0x1400  }
0xba: {  	[sflag:s2] =	ssyncset.done $0x0  }
0xbb: {  	[sflag:s2] =	ssyncadd.s32 $0xFFFFEC00  }
0xbc: {  	_ =	swait.ge [sflag:s11], $0x1400  }
0xbd: {  	[sflag:s11] =	ssyncset.done $0x0  }
0xbe: {  	[sflag:s11] =	ssyncadd.s32 $0xFFFFEC00  }
0xbf: {  	_ =	swait.ge [sflag:s15], $0x1400  }
0xc0: {  	[sflag:s15] =	ssyncset.done $0x0  }
0xc1: {  	[sflag:s15] =	ssyncadd.s32 $0xFFFFEC00  }
0xc2: {  	_ =	swait.ge [sflag:s5], $0x1400  }
0xc3: {  	[sflag:s5] =	ssyncset.done $0x0  }
0xc4: {  	[sflag:s5] =	ssyncadd.s32 $0xFFFFEC00  }
0xc5: {  	_ =	swait.ge [sflag:s1], $0x1400  }
0xc6: {  	[sflag:s1] =	ssyncset.done $0x0  }
0xc7: {  	[sflag:s1] =	ssyncadd.s32 $0xFFFFEC00  }
0xc8: {  	_ =	swait.ge [sflag:s24], $0x1400  }
0xc9: {  	[sflag:s24] =	ssyncset.done $0x0  }
0xca: {  	s21 =	simm.s32 $0x800;
	s17 =	rddreg [dreg:$0x14];
	[sflag:s24] =	ssyncadd.s32 $0xFFFFEC00  }
0xcb: {  	[tilespmem:s21], [sflag:$0xF] =	stream.linear.gather [hbm4b:s17+s16], $0x380, $0x38;
	[tilespmem:$0x1D4C0] =	vst v63  }
0xcc: {  	s30 =	simm.s32 $0xC00;
	s21 =	rddreg [dreg:$0x13]  }
0xcd: {  	[tilespmem:s30], [sflag:$0x10] =	stream.linear.gather [hbm4b:s21+s16], $0x380, $0x38;
	[tilespmem:$0x1D4C0] =	vst v63  }
0xce: {  	_ = 	snop  }
0xcf: {  	[tilespmem:s19], [sflag:$0x1] =	stream.indirect.gather [hbm4b:s3+s29], $0x80, s16, s29, $0xb8;
	[tilespmem:$0x1D4C0] =	vst v63  }
0xd0: {  	s0 =	simm.s32 $0x80  }
0xd1: {  	[tilespmem:s18], [sflag:$0x2] =	stream.indirect.gather [hbm4b:s3+s29], $0x80, s0, s29, $0xb8;
	[tilespmem:$0x1D4C0] =	vst v63  }
0xd2: {  	s30 =	simm.s32 $0x100  }
0xd3: {  	[tilespmem:s20], [sflag:$0x3] =	stream.indirect.gather [hbm4b:s3+s29], $0x80, s30, s29, $0xb8;
	[tilespmem:$0x1D4C0] =	vst v63  }
0xd4: {  	s30 =	simm.s32 $0x180  }
0xd5: {  	[tilespmem:s25], [sflag:$0x4] =	stream.indirect.gather [hbm4b:s3+s29], $0x80, s30, s29, $0xb8;
	[tilespmem:$0x1D4C0] =	vst v63  }
0xd6: {  	s30 =	simm.s32 $0x200  }
0xd7: {  	[tilespmem:s26], [sflag:$0x5] =	stream.indirect.gather [hbm4b:s3+s29], $0x80, s30, s29, $0xb8;
	[tilespmem:$0x1D4C0] =	vst v63  }
0xd8: {  	s30 =	simm.s32 $0x280  }
0xd9: {  	[tilespmem:s31], [sflag:$0x6] =	stream.indirect.gather [hbm4b:s3+s29], $0x80, s30, s29, $0xb8;
	[tilespmem:$0x1D4C0] =	vst v63  }
0xda: {  	s0 =	simm.s32 $0x8800;
	s30 =	simm.s32 $0x300  }
0xdb: {  	[tilespmem:s0], [sflag:$0x7] =	stream.indirect.gather [hbm4b:s3+s29], $0x80, s30, s29, $0xb8;
	[tilespmem:$0x1D4C0] =	vst v63  }
0xdc: {  	_ =	swait.ge [sflag:s4], $0x1400  }
0xdd: {  	[sflag:s4] =	ssyncset.done $0x0  }
0xde: {  	[sflag:s4] =	ssyncadd.s32 $0xFFFFEC00  }
0xdf: {  	[spmem:s23] =	stream.indirect.scatter.add.f32 [tilespmem:s19], [sflag:$0x8], $0x80, s6, s29, $0xb8;
	[tilespmem:$0x1D4C0] =	vst v63  }
0xe0: {  	_ =	swait.ge [sflag:s7], $0x1400  }
0xe1: {  	[sflag:s7] =	ssyncset.done $0x0  }
0xe2: {  	s30 =	simm.s32 $0x480;
	[sflag:s7] =	ssyncadd.s32 $0xFFFFEC00  }
0xe3: {  	[spmem:s23] =	stream.indirect.scatter.add.f32 [tilespmem:s18], [sflag:$0x9], $0x80, s30, s29, $0xb8;
	[tilespmem:$0x1D4C0] =	vst v63  }
0xe4: {  	_ =	swait.ge [sflag:s9], $0x1400  }
0xe5: {  	[sflag:s9] =	ssyncset.done $0x0  }
0xe6: {  	s18 =	simm.s32 $0x500;
	[sflag:s9] =	ssyncadd.s32 $0xFFFFEC00  }
0xe7: {  	[spmem:s23] =	stream.indirect.scatter.add.f32 [tilespmem:s20], [sflag:$0xA], $0x80, s18, s29, $0xb8;
	[tilespmem:$0x1D4C0] =	vst v63  }
0xe8: {  	_ =	swait.ge [sflag:s8], $0x1400  }
0xe9: {  	[sflag:s8] =	ssyncset.done $0x0  }
0xea: {  	s30 =	simm.s32 $0x580;
	[sflag:s8] =	ssyncadd.s32 $0xFFFFEC00  }
0xeb: {  	[spmem:s23] =	stream.indirect.scatter.add.f32 [tilespmem:s25], [sflag:$0xB], $0x80, s30, s29, $0xb8;
	[tilespmem:$0x1D4C0] =	vst v63  }
0xec: {  	_ =	swait.ge [sflag:s12], $0x1400  }
0xed: {  	[sflag:s12] =	ssyncset.done $0x0  }
0xee: {  	s18 =	simm.s32 $0x600;
	[sflag:s12] =	ssyncadd.s32 $0xFFFFEC00  }
0xef: {  	[spmem:s23] =	stream.indirect.scatter.add.f32 [tilespmem:s26], [sflag:$0xC], $0x80, s18, s29, $0xb8;
	[tilespmem:$0x1D4C0] =	vst v63  }
0xf0: {  	_ =	swait.ge [sflag:s13], $0x1400  }
0xf1: {  	[sflag:s13] =	ssyncset.done $0x0  }
0xf2: {  	s30 =	simm.s32 $0x680;
	[sflag:s13] =	ssyncadd.s32 $0xFFFFEC00  }
0xf3: {  	[spmem:s23] =	stream.indirect.scatter.add.f32 [tilespmem:s31], [sflag:$0xD], $0x80, s30, s29, $0xb8;
	[tilespmem:$0x1D4C0] =	vst v63  }
0xf4: {  	_ =	swait.ge [sflag:s14], $0x1400  }
0xf5: {  	[sflag:s14] =	ssyncset.done $0x0  }
0xf6: {  	s18 =	simm.s32 $0x700;
	[sflag:s14] =	ssyncadd.s32 $0xFFFFEC00  }
0xf7: {  	[spmem:s23] =	stream.indirect.scatter.add.f32 [tilespmem:s0], [sflag:$0xE], $0x80, s18, s29, $0xb8;
	[tilespmem:$0x1D4C0] =	vst v63  }
0xf8: {  	_ =	swait.ge [sflag:s22], $0x380  }
0xf9: {  	[sflag:s22] =	ssyncset.done $0x0  }
0xfa: {  	[sflag:s22] =	ssyncadd.s32 $0xFFFFFC80  }
0xfb: {  	_ =	swait.ge [sflag:s28], $0x380  }
0xfc: {  	[sflag:s28] =	ssyncset.done $0x0  }
0xfd: {  	[sflag:s28] =	ssyncadd.s32 $0xFFFFFC80  }
0xfe: {  	_ =	swait.ge [sflag:s10], $0x1400  }
0xff: {  	[sflag:s10] =	ssyncset.done $0x0  }
0x100: {  	[sflag:s10] =	ssyncadd.s32 $0xFFFFEC00  }
0x101: {  	_ =	swait.ge [sflag:s2], $0x1400  }
0x102: {  	[sflag:s2] =	ssyncset.done $0x0  }
0x103: {  	[sflag:s2] =	ssyncadd.s32 $0xFFFFEC00  }
0x104: {  	_ =	swait.ge [sflag:s11], $0x1400  }
0x105: {  	[sflag:s11] =	ssyncset.done $0x0  }
0x106: {  	[sflag:s11] =	ssyncadd.s32 $0xFFFFEC00  }
0x107: {  	_ =	swait.ge [sflag:s15], $0x1400  }
0x108: {  	[sflag:s15] =	ssyncset.done $0x0  }
0x109: {  	[sflag:s15] =	ssyncadd.s32 $0xFFFFEC00  }
0x10a: {  	_ =	swait.ge [sflag:s5], $0x1400  }
0x10b: {  	[sflag:s5] =	ssyncset.done $0x0  }
0x10c: {  	[sflag:s5] =	ssyncadd.s32 $0xFFFFEC00  }
0x10d: {  	_ =	swait.ge [sflag:s1], $0x1400  }
0x10e: {  	[sflag:s1] =	ssyncset.done $0x0  }
0x10f: {  	[sflag:s1] =	ssyncadd.s32 $0xFFFFEC00  }
0x110: {  	s22 =	smin.u32 s16, $0x1F;
	_ =	swait.ge [sflag:s24], $0x1400  }
0x111: {  	s18 =	sshll.u32 s22, $0xA;
	s6 =	rddreg [dreg:$0x4]  }
0x112: {  	s6 =	sadd.s32 s18, s6  }
0x113: {  	[sflag:s24] =	ssyncset.done $0x0;
	s22 =	rddreg [dreg:$0x5];
	s6 =	sshrl.u32 s6, $0x3  }
0x114: {  	[sflag:s24] =	ssyncadd.s32 $0xFFFFEC00;
	s18 =	sadd.s32 s22, s6;
	s22 =	rddreg [dreg:$0x6]  }
0x115: {  	[tilespmem:s16], [sflag:$0xF] =	stream.linear.gather [hbm4b:s18+s16], $0x380, $0x38;
	[tilespmem:$0x1D4C0] =	vst v63  }
0x116: {  	s0 =	simm.s32 $0x400;
	s6 =	sadd.s32 s22, s6  }
0x117: {  	[tilespmem:s0], [sflag:$0x10] =	stream.linear.gather [hbm4b:s6+s16], $0x380, $0x38;
	[tilespmem:$0x1D4C0] =	vst v63  }
0x118: {  	s6 =	simm.s32 $0x800  }
0x119: {  	[tilespmem:s19], [sflag:$0x1] =	stream.indirect.gather [hbm4b:s3+s29], $0x80, s6, s29, $0xb8;
	[tilespmem:$0x1D4C0] =	vst v63  }
0x11a: {  	s0 =	simm.s32 $0x2400;
	s16 =	simm.s32 $0x880  }
0x11b: {  	[tilespmem:s0], [sflag:$0x2] =	stream.indirect.gather [hbm4b:s3+s29], $0x80, s16, s29, $0xb8;
	[tilespmem:$0x1D4C0] =	vst v63  }
0x11c: {  	s18 =	simm.s32 $0x900  }
0x11d: {  	[tilespmem:s20], [sflag:$0x3] =	stream.indirect.gather [hbm4b:s3+s29], $0x80, s18, s29, $0xb8;
	[tilespmem:$0x1D4C0] =	vst v63  }
0x11e: {  	s22 =	simm.s32 $0x980  }
0x11f: {  	[tilespmem:s25], [sflag:$0x4] =	stream.indirect.gather [hbm4b:s3+s29], $0x80, s22, s29, $0xb8;
	[tilespmem:$0x1D4C0] =	vst v63  }
0x120: {  	s16 =	simm.s32 $0xA00  }
0x121: {  	[tilespmem:s26], [sflag:$0x5] =	stream.indirect.gather [hbm4b:s3+s29], $0x80, s16, s29, $0xb8;
	[tilespmem:$0x1D4C0] =	vst v63  }
0x122: {  	s18 =	simm.s32 $0xA80  }
0x123: {  	[tilespmem:s31], [sflag:$0x6] =	stream.indirect.gather [hbm4b:s3+s29], $0x80, s18, s29, $0xb8;
	[tilespmem:$0x1D4C0] =	vst v63  }
0x124: {  	s30 =	simm.s32 $0x8800;
	s22 =	simm.s32 $0xB00  }
0x125: {  	[tilespmem:s30], [sflag:$0x7] =	stream.indirect.gather [hbm4b:s3+s29], $0x80, s22, s29, $0xb8;
	[tilespmem:$0x1D4C0] =	vst v63  }
0x126: {  	_ =	swait.ge [sflag:s4], $0x1400  }
0x127: {  	[sflag:s4] =	ssyncset.done $0x0  }
0x128: {  	s16 =	simm.s32 $0xC00;
	[sflag:s4] =	ssyncadd.s32 $0xFFFFEC00  }
0x129: {  	[spmem:s23] =	stream.indirect.scatter.add.f32 [tilespmem:s19], [sflag:$0x8], $0x80, s16, s29, $0xb8;
	[tilespmem:$0x1D4C0] =	vst v63  }
0x12a: {  	_ =	swait.ge [sflag:s7], $0x1400  }
0x12b: {  	[sflag:s7] =	ssyncset.done $0x0  }
0x12c: {  	s18 =	simm.s32 $0xC80;
	[sflag:s7] =	ssyncadd.s32 $0xFFFFEC00  }
0x12d: {  	[spmem:s23] =	stream.indirect.scatter.add.f32 [tilespmem:s0], [sflag:$0x9], $0x80, s18, s29, $0xb8;
	[tilespmem:$0x1D4C0] =	vst v63  }
0x12e: {  	_ =	swait.ge [sflag:s9], $0x1400  }
0x12f: {  	[sflag:s9] =	ssyncset.done $0x0  }
0x130: {  	s19 =	simm.s32 $0xD00;
	[sflag:s9] =	ssyncadd.s32 $0xFFFFEC00  }
0x131: {  	[spmem:s23] =	stream.indirect.scatter.add.f32 [tilespmem:s20], [sflag:$0xA], $0x80, s19, s29, $0xb8;
	[tilespmem:$0x1D4C0] =	vst v63  }
0x132: {  	_ =	swait.ge [sflag:s8], $0x1400  }
0x133: {  	[sflag:s8] =	ssyncset.done $0x0  }
0x134: {  	s22 =	simm.s32 $0xD80;
	[sflag:s8] =	ssyncadd.s32 $0xFFFFEC00  }
0x135: {  	[spmem:s23] =	stream.indirect.scatter.add.f32 [tilespmem:s25], [sflag:$0xB], $0x80, s22, s29, $0xb8;
	[tilespmem:$0x1D4C0] =	vst v63  }
0x136: {  	_ =	swait.ge [sflag:s12], $0x1400  }
0x137: {  	[sflag:s12] =	ssyncset.done $0x0  }
0x138: {  	s25 =	simm.s32 $0xE00;
	[sflag:s12] =	ssyncadd.s32 $0xFFFFEC00  }
0x139: {  	[spmem:s23] =	stream.indirect.scatter.add.f32 [tilespmem:s26], [sflag:$0xC], $0x80, s25, s29, $0xb8;
	[tilespmem:$0x1D4C0] =	vst v63  }
0x13a: {  	_ =	swait.ge [sflag:s13], $0x1400  }
0x13b: {  	[sflag:s13] =	ssyncset.done $0x0  }
0x13c: {  	s26 =	simm.s32 $0xE80;
	[sflag:s13] =	ssyncadd.s32 $0xFFFFEC00  }
0x13d: {  	[spmem:s23] =	stream.indirect.scatter.add.f32 [tilespmem:s31], [sflag:$0xD], $0x80, s26, s29, $0xb8;
	[tilespmem:$0x1D4C0] =	vst v63  }
0x13e: {  	_ =	swait.ge [sflag:s14], $0x1400  }
0x13f: {  	[sflag:s14] =	ssyncset.done $0x0  }
0x140: {  	s20 =	simm.s32 $0xF;
	s31 =	simm.s32 $0xF00;
	[sflag:s14] =	ssyncadd.s32 $0xFFFFEC00  }
0x141: {  	[spmem:s23] =	stream.indirect.scatter.add.f32 [tilespmem:s30], [sflag:$0xE], $0x80, s31, s29, $0xb8;
	[tilespmem:$0x1D4C0] =	vst v63  }
0x142: {  	_ =	swait.ge [sflag:s20], $0x380  }
0x143: {  	[sflag:s20] =	ssyncset.done $0x0  }
0x144: {  	[sflag:s20] =	ssyncadd.s32 $0xFFFFFC80  }
0x145: {  	_ =	swait.ge [sflag:s28], $0x380  }
0x146: {  	[sflag:s28] =	ssyncset.done $0x0  }
0x147: {  	[sflag:s28] =	ssyncadd.s32 $0xFFFFFC80  }
0x148: {  	_ =	swait.ge [sflag:s10], $0x1400  }
0x149: {  	[sflag:s10] =	ssyncset.done $0x0  }
0x14a: {  	[sflag:s10] =	ssyncadd.s32 $0xFFFFEC00  }
0x14b: {  	_ =	swait.ge [sflag:s2], $0x1400  }
0x14c: {  	[sflag:s2] =	ssyncset.done $0x0  }
0x14d: {  	[sflag:s2] =	ssyncadd.s32 $0xFFFFEC00  }
0x14e: {  	_ =	swait.ge [sflag:s11], $0x1400  }
0x14f: {  	[sflag:s11] =	ssyncset.done $0x0  }
0x150: {  	[sflag:s11] =	ssyncadd.s32 $0xFFFFEC00  }
0x151: {  	_ =	swait.ge [sflag:s15], $0x1400  }
0x152: {  	[sflag:s15] =	ssyncset.done $0x0  }
0x153: {  	[sflag:s15] =	ssyncadd.s32 $0xFFFFEC00  }
0x154: {  	_ =	swait.ge [sflag:s5], $0x1400  }
0x155: {  	[sflag:s5] =	ssyncset.done $0x0  }
0x156: {  	[sflag:s5] =	ssyncadd.s32 $0xFFFFEC00  }
0x157: {  	_ =	swait.ge [sflag:s1], $0x1400  }
0x158: {  	[sflag:s1] =	ssyncset.done $0x0  }
0x159: {  	s6 =	simm.s32 $0x2;
	[sflag:s1] =	ssyncadd.s32 $0xFFFFEC00  }
0x15a: {  	s7 =	simm.s32 $0x1000;
	s18 =	smov.u32 s17;
	_ =	swait.ge [sflag:s24], $0x1400  }
0x15b: {  	s8 =	smov.u32 s23;
	s22 =	simm.s32 $0x800;
	[sflag:s24] =	ssyncset.done $0x0  }
.LBB2_2:
0x15c: {  	s24 =	simm.s32 $0xE  }
0x15d: {  	s18 =	sadd.s32 $0x100, s18;
	s26 =	simm.s32 $0x0;
	[sflag:s24] =	ssyncadd.s32 $0xFFFFEC00  }
0x15e: {  	[tilespmem:s22], [sflag:$0xF] =	stream.linear.gather [hbm4b:s18+s26], $0x380, $0x38;
	[tilespmem:$0x1D4C0] =	vst v63  }
0x15f: {  	s21 =	sadd.s32 $0x100, s21;
	s0 =	simm.s32 $0xC00  }
0x160: {  	[tilespmem:s0], [sflag:$0x10] =	stream.linear.gather [hbm4b:s21+s26], $0x380, $0x38;
	[tilespmem:$0x1D4C0] =	vst v63  }
0x161: {  	_ = 	snop  }
0x162: {  	[tilespmem:s7], [sflag:$0x1] =	stream.indirect.gather [hbm4b:s3+s29], $0x80, s26, s29, $0xb8;
	[tilespmem:$0x1D4C0] =	vst v63  }
0x163: {  	s1 =	simm.s32 $0x80;
	s0 =	simm.s32 $0x2400  }
0x164: {  	[tilespmem:s0], [sflag:$0x2] =	stream.indirect.gather [hbm4b:s3+s29], $0x80, s1, s29, $0xb8;
	[tilespmem:$0x1D4C0] =	vst v63  }
0x165: {  	s14 =	simm.s32 $0x100;
	s16 =	simm.s32 $0x3800  }
0x166: {  	[tilespmem:s16], [sflag:$0x3] =	stream.indirect.gather [hbm4b:s3+s29], $0x80, s14, s29, $0xb8;
	[tilespmem:$0x1D4C0] =	vst v63  }
0x167: {  	s5 =	simm.s32 $0x180;
	s9 =	simm.s32 $0x4C00  }
0x168: {  	[tilespmem:s9], [sflag:$0x4] =	stream.indirect.gather [hbm4b:s3+s29], $0x80, s5, s29, $0xb8;
	[tilespmem:$0x1D4C0] =	vst v63  }
0x169: {  	s10 =	simm.s32 $0x200;
	s4 =	simm.s32 $0x6000  }
0x16a: {  	[tilespmem:s4], [sflag:$0x5] =	stream.indirect.gather [hbm4b:s3+s29], $0x80, s10, s29, $0xb8;
	[tilespmem:$0x1D4C0] =	vst v63  }
0x16b: {  	s11 =	simm.s32 $0x280;
	s12 =	simm.s32 $0x7400  }
0x16c: {  	[tilespmem:s12], [sflag:$0x6] =	stream.indirect.gather [hbm4b:s3+s29], $0x80, s11, s29, $0xb8;
	[tilespmem:$0x1D4C0] =	vst v63  }
0x16d: {  	s28 =	simm.s32 $0x300;
	s13 =	simm.s32 $0x8800;
	s17 =	simm.s32 $0x1  }
0x16e: {  	[tilespmem:s13], [sflag:$0x7] =	stream.indirect.gather [hbm4b:s3+s29], $0x80, s28, s29, $0xb8;
	[tilespmem:$0x1D4C0] =	vst v63  }
0x16f: {  	_ =	swait.ge [sflag:s17], $0x1400  }
0x170: {  	[sflag:s17] =	ssyncset.done $0x0  }
0x171: {  	s2 =	simm.s32 $0x400;
	s31 =	simm.s32 $0x2;
	[sflag:s17] =	ssyncadd.s32 $0xFFFFEC00  }
0x172: {  	[spmem:s8] =	stream.indirect.scatter.add.f32 [tilespmem:s7], [sflag:$0x8], $0x80, s2, s29, $0xb8;
	[tilespmem:$0x1D4C0] =	vst v63  }
0x173: {  	_ =	swait.ge [sflag:s31], $0x1400  }
0x174: {  	[sflag:s31] =	ssyncset.done $0x0  }
0x175: {  	s19 =	simm.s32 $0x480;
	[sflag:s31] =	ssyncadd.s32 $0xFFFFEC00  }
0x176: {  	[spmem:s8] =	stream.indirect.scatter.add.f32 [tilespmem:s0], [sflag:$0x9], $0x80, s19, s29, $0xb8;
	[tilespmem:$0x1D4C0] =	vst v63  }
0x177: {  	s8 =	simm.s32 $0x3  }
0x178: {  	_ =	swait.ge [sflag:s8], $0x1400  }
0x179: {  	[sflag:s8] =	ssyncset.done $0x0  }
0x17a: {  	s20 =	simm.s32 $0x500;
	s13 =	simm.s32 $0x4;
	[sflag:s8] =	ssyncadd.s32 $0xFFFFEC00  }
0x17b: {  	[spmem:s23] =	stream.indirect.scatter.add.f32 [tilespmem:s16], [sflag:$0xA], $0x80, s20, s29, $0xb8;
	[tilespmem:$0x1D4C0] =	vst v63  }
0x17c: {  	_ =	swait.ge [sflag:s13], $0x1400  }
0x17d: {  	[sflag:s13] =	ssyncset.done $0x0  }
0x17e: {  	s25 =	simm.s32 $0x580;
	[sflag:s13] =	ssyncadd.s32 $0xFFFFEC00  }
0x17f: {  	[spmem:s23] =	stream.indirect.scatter.add.f32 [tilespmem:s9], [sflag:$0xB], $0x80, s25, s29, $0xb8;
	[tilespmem:$0x1D4C0] =	vst v63  }
0x180: {  	s25 =	simm.s32 $0x5  }
0x181: {  	_ =	swait.ge [sflag:s25], $0x1400  }
0x182: {  	[sflag:s25] =	ssyncset.done $0x0  }
0x183: {  	s30 =	simm.s32 $0x600;
	s20 =	simm.s32 $0x6;
	[sflag:s25] =	ssyncadd.s32 $0xFFFFEC00  }
0x184: {  	[spmem:s23] =	stream.indirect.scatter.add.f32 [tilespmem:s4], [sflag:$0xC], $0x80, s30, s29, $0xb8;
	[tilespmem:$0x1D4C0] =	vst v63  }
0x185: {  	_ =	swait.ge [sflag:s20], $0x1400  }
0x186: {  	[sflag:s20] =	ssyncset.done $0x0  }
0x187: {  	s10 =	simm.s32 $0x7;
	s2 =	simm.s32 $0x680;
	[sflag:s20] =	ssyncadd.s32 $0xFFFFEC00  }
0x188: {  	[spmem:s23] =	stream.indirect.scatter.add.f32 [tilespmem:s12], [sflag:$0xD], $0x80, s2, s29, $0xb8;
	[tilespmem:$0x1D4C0] =	vst v63  }
0x189: {  	_ =	swait.ge [sflag:s10], $0x1400  }
0x18a: {  	s15 =	simm.s32 $0x8800;
	[sflag:s10] =	ssyncset.done $0x0  }
0x18b: {  	s14 =	simm.s32 $0xF;
	s5 =	simm.s32 $0x700;
	[sflag:s10] =	ssyncadd.s32 $0xFFFFEC00  }
0x18c: {  	[spmem:s23] =	stream.indirect.scatter.add.f32 [tilespmem:s15], [sflag:$0xE], $0x80, s5, s29, $0xb8;
	[tilespmem:$0x1D4C0] =	vst v63  }
0x18d: {  	_ =	swait.ge [sflag:s14], $0x380  }
0x18e: {  	[sflag:s14] =	ssyncset.done $0x0  }
0x18f: {  	s28 =	simm.s32 $0x10;
	[sflag:s14] =	ssyncadd.s32 $0xFFFFFC80  }
0x190: {  	_ =	swait.ge [sflag:s28], $0x380  }
0x191: {  	[sflag:s28] =	ssyncset.done $0x0  }
0x192: {  	s2 =	simm.s32 $0x8;
	[sflag:s28] =	ssyncadd.s32 $0xFFFFFC80  }
0x193: {  	_ =	swait.ge [sflag:s2], $0x1400  }
0x194: {  	[sflag:s2] =	ssyncset.done $0x0  }
0x195: {  	s11 =	simm.s32 $0x9;
	[sflag:s2] =	ssyncadd.s32 $0xFFFFEC00  }
0x196: {  	_ =	swait.ge [sflag:s11], $0x1400  }
0x197: {  	[sflag:s11] =	ssyncset.done $0x0  }
0x198: {  	s15 =	simm.s32 $0xA;
	[sflag:s11] =	ssyncadd.s32 $0xFFFFEC00  }
0x199: {  	_ =	swait.ge [sflag:s15], $0x1400  }
0x19a: {  	[sflag:s15] =	ssyncset.done $0x0  }
0x19b: {  	s5 =	simm.s32 $0xB;
	[sflag:s15] =	ssyncadd.s32 $0xFFFFEC00  }
0x19c: {  	_ =	swait.ge [sflag:s5], $0x1400  }
0x19d: {  	[sflag:s5] =	ssyncset.done $0x0  }
0x19e: {  	s1 =	simm.s32 $0xC;
	[sflag:s5] =	ssyncadd.s32 $0xFFFFEC00  }
0x19f: {  	_ =	swait.ge [sflag:s1], $0x1400  }
0x1a0: {  	[sflag:s1] =	ssyncset.done $0x0  }
0x1a1: {  	s19 =	simm.s32 $0xD;
	[sflag:s1] =	ssyncadd.s32 $0xFFFFEC00  }
0x1a2: {  	_ =	swait.ge [sflag:s19], $0x1400  }
0x1a3: {  	[sflag:s19] =	ssyncset.done $0x0  }
0x1a4: {  	s22 =	smov.u32 s6;
	[sflag:s19] =	ssyncadd.s32 $0xFFFFEC00  }
0x1a5: {  	s22 =	smin.u32 s22, $0x1F;
	_ =	swait.ge [sflag:s24], $0x1400  }
0x1a6: {  	s22 =	sshll.u32 s22, $0xA;
	s30 =	rddreg [dreg:$0x4]  }
0x1a7: {  	s22 =	sadd.s32 s22, s30  }
0x1a8: {  	[sflag:s24] =	ssyncset.done $0x0;
	s7 =	rddreg [dreg:$0x5];
	s22 =	sshrl.u32 s22, $0x3  }
0x1a9: {  	[sflag:s24] =	ssyncadd.s32 $0xFFFFEC00;
	s30 =	sadd.s32 s7, s22  }
0x1aa: {  	[tilespmem:s26], [sflag:$0xF] =	stream.linear.gather [hbm4b:s30+s26], $0x380, $0x38;
	[tilespmem:$0x1D4C0] =	vst v63  }
0x1ab: {  	s30 =	rddreg [dreg:$0x6]  }
0x1ac: {  	s22 =	sadd.s32 s30, s22;
	s30 =	simm.s32 $0x400  }
0x1ad: {  	[tilespmem:s30], [sflag:$0x10] =	stream.linear.gather [hbm4b:s22+s26], $0x380, $0x38;
	[tilespmem:$0x1D4C0] =	vst v63  }
0x1ae: {  	s7 =	simm.s32 $0x1000;
	s22 =	simm.s32 $0x800  }
0x1af: {  	[tilespmem:s7], [sflag:$0x1] =	stream.indirect.gather [hbm4b:s3+s29], $0x80, s22, s29, $0xb8;
	[tilespmem:$0x1D4C0] =	vst v63  }
0x1b0: {  	s30 =	simm.s32 $0x880  }
0x1b1: {  	[tilespmem:s0], [sflag:$0x2] =	stream.indirect.gather [hbm4b:s3+s29], $0x80, s30, s29, $0xb8;
	[tilespmem:$0x1D4C0] =	vst v63  }
0x1b2: {  	s30 =	simm.s32 $0x900  }
0x1b3: {  	[tilespmem:s16], [sflag:$0x3] =	stream.indirect.gather [hbm4b:s3+s29], $0x80, s30, s29, $0xb8;
	[tilespmem:$0x1D4C0] =	vst v63  }
0x1b4: {  	s30 =	simm.s32 $0x980  }
0x1b5: {  	[tilespmem:s9], [sflag:$0x4] =	stream.indirect.gather [hbm4b:s3+s29], $0x80, s30, s29, $0xb8;
	[tilespmem:$0x1D4C0] =	vst v63  }
0x1b6: {  	s30 =	simm.s32 $0xA00  }
0x1b7: {  	[tilespmem:s4], [sflag:$0x5] =	stream.indirect.gather [hbm4b:s3+s29], $0x80, s30, s29, $0xb8;
	[tilespmem:$0x1D4C0] =	vst v63  }
0x1b8: {  	s30 =	simm.s32 $0xA80  }
0x1b9: {  	[tilespmem:s12], [sflag:$0x6] =	stream.indirect.gather [hbm4b:s3+s29], $0x80, s30, s29, $0xb8;
	[tilespmem:$0x1D4C0] =	vst v63  }
0x1ba: {  	s26 =	simm.s32 $0xB00;
	s30 =	simm.s32 $0x8800  }
0x1bb: {  	[tilespmem:s30], [sflag:$0x7] =	stream.indirect.gather [hbm4b:s3+s29], $0x80, s26, s29, $0xb8;
	[tilespmem:$0x1D4C0] =	vst v63  }
0x1bc: {  	_ =	swait.ge [sflag:s17], $0x1400  }
0x1bd: {  	[sflag:s17] =	ssyncset.done $0x0  }
0x1be: {  	s26 =	simm.s32 $0xC00;
	[sflag:s17] =	ssyncadd.s32 $0xFFFFEC00  }
0x1bf: {  	[spmem:s23] =	stream.indirect.scatter.add.f32 [tilespmem:s7], [sflag:$0x8], $0x80, s26, s29, $0xb8;
	[tilespmem:$0x1D4C0] =	vst v63  }
0x1c0: {  	_ =	swait.ge [sflag:s31], $0x1400  }
0x1c1: {  	[sflag:s31] =	ssyncset.done $0x0  }
0x1c2: {  	s26 =	simm.s32 $0xC80;
	[sflag:s31] =	ssyncadd.s32 $0xFFFFEC00  }
0x1c3: {  	[spmem:s23] =	stream.indirect.scatter.add.f32 [tilespmem:s0], [sflag:$0x9], $0x80, s26, s29, $0xb8;
	[tilespmem:$0x1D4C0] =	vst v63  }
0x1c4: {  	_ =	swait.ge [sflag:s8], $0x1400  }
0x1c5: {  	[sflag:s8] =	ssyncset.done $0x0  }
0x1c6: {  	s31 =	simm.s32 $0xD00;
	[sflag:s8] =	ssyncadd.s32 $0xFFFFEC00  }
0x1c7: {  	[spmem:s23] =	stream.indirect.scatter.add.f32 [tilespmem:s16], [sflag:$0xA], $0x80, s31, s29, $0xb8;
	[tilespmem:$0x1D4C0] =	vst v63  }
0x1c8: {  	_ =	swait.ge [sflag:s13], $0x1400  }
0x1c9: {  	[sflag:s13] =	ssyncset.done $0x0  }
0x1ca: {  	s17 =	simm.s32 $0xD80;
	[sflag:s13] =	ssyncadd.s32 $0xFFFFEC00  }
0x1cb: {  	[spmem:s23] =	stream.indirect.scatter.add.f32 [tilespmem:s9], [sflag:$0xB], $0x80, s17, s29, $0xb8;
	[tilespmem:$0x1D4C0] =	vst v63  }
0x1cc: {  	_ =	swait.ge [sflag:s25], $0x1400  }
0x1cd: {  	[sflag:s25] =	ssyncset.done $0x0  }
0x1ce: {  	[sflag:s25] =	ssyncadd.s32 $0xFFFFEC00;
	s25 =	simm.s32 $0xE00  }
0x1cf: {  	[spmem:s23] =	stream.indirect.scatter.add.f32 [tilespmem:s4], [sflag:$0xC], $0x80, s25, s29, $0xb8;
	[tilespmem:$0x1D4C0] =	vst v63  }
0x1d0: {  	_ =	swait.ge [sflag:s20], $0x1400  }
0x1d1: {  	[sflag:s20] =	ssyncset.done $0x0  }
0x1d2: {  	s26 =	simm.s32 $0xE80;
	[sflag:s20] =	ssyncadd.s32 $0xFFFFEC00  }
0x1d3: {  	[spmem:s23] =	stream.indirect.scatter.add.f32 [tilespmem:s12], [sflag:$0xD], $0x80, s26, s29, $0xb8;
	[tilespmem:$0x1D4C0] =	vst v63  }
0x1d4: {  	_ =	swait.ge [sflag:s10], $0x1400  }
0x1d5: {  	[sflag:s10] =	ssyncset.done $0x0  }
0x1d6: {  	s31 =	simm.s32 $0xF00;
	[sflag:s10] =	ssyncadd.s32 $0xFFFFEC00  }
0x1d7: {  	[spmem:s23] =	stream.indirect.scatter.add.f32 [tilespmem:s30], [sflag:$0xE], $0x80, s31, s29, $0xb8;
	[tilespmem:$0x1D4C0] =	vst v63  }
0x1d8: {  	_ =	swait.ge [sflag:s14], $0x380  }
0x1d9: {  	[sflag:s14] =	ssyncset.done $0x0  }
0x1da: {  	[sflag:s14] =	ssyncadd.s32 $0xFFFFFC80  }
0x1db: {  	_ =	swait.ge [sflag:s28], $0x380  }
0x1dc: {  	[sflag:s28] =	ssyncset.done $0x0  }
0x1dd: {  	[sflag:s28] =	ssyncadd.s32 $0xFFFFFC80  }
0x1de: {  	_ =	swait.ge [sflag:s2], $0x1400  }
0x1df: {  	[sflag:s2] =	ssyncset.done $0x0  }
0x1e0: {  	[sflag:s2] =	ssyncadd.s32 $0xFFFFEC00  }
0x1e1: {  	_ =	swait.ge [sflag:s11], $0x1400  }
0x1e2: {  	[sflag:s11] =	ssyncset.done $0x0  }
0x1e3: {  	[sflag:s11] =	ssyncadd.s32 $0xFFFFEC00  }
0x1e4: {  	_ =	swait.ge [sflag:s15], $0x1400  }
0x1e5: {  	[sflag:s15] =	ssyncset.done $0x0  }
0x1e6: {  	[sflag:s15] =	ssyncadd.s32 $0xFFFFEC00  }
0x1e7: {  	_ =	swait.ge [sflag:s5], $0x1400  }
0x1e8: {  	[sflag:s5] =	ssyncset.done $0x0  }
0x1e9: {  	[sflag:s5] =	ssyncadd.s32 $0xFFFFEC00  }
0x1ea: {  	_ =	swait.ge [sflag:s1], $0x1400  }
0x1eb: {  	[sflag:s1] =	ssyncset.done $0x0  }
0x1ec: {  	p1 =	sne.s32 s6, $0x20;
	[sflag:s1] =	ssyncadd.s32 $0xFFFFEC00  }
.Ltmp0:
0x1ed: {  	_ =	swait.ge [sflag:s19], $0x1400;
	(pc) =	sbr.rel @p1 .LBB2_2-.Ltmp0, $4  }
0x1ee: {  	[sflag:s19] =	ssyncset.done $0x0  }
0x1ef: {  	[sflag:s19] =	ssyncadd.s32 $0xFFFFEC00  }
0x1f0: {  	s6 =	sadd.s32 $0x2, s6;
	_ =	swait.ge [sflag:s24], $0x1400  }
0x1f1: {  	s0 =	simm.s32 $0xE;
	s8 =	smov.u32 s23;
	[sflag:s24] =	ssyncset.done $0x0  }
0x1f2: {  	[sflag:s0] =	ssyncadd.s32 $0xFFFFEC00  }
0x1f3: {  	[bflag:$0x0] =	sbarrier.arrive $0xFFFF  }
0x1f4: {  	s18 =	rddreg [dreg:$0xa]  }
0x1f5: {  	s6 =	rddreg [dreg:$0x10]  }
0x1f6: {  	s7 =	rddreg [dreg:$0x17]  }
0x1f7: {  	[hbm:s6], [sflag:s18] =	dma.local @p0 [spmem:s7], $0x2700  }
0x1f8: {  	s6 =	simm.s32 @p0 $0x11  }
0x1f9: {  	_ =	swait.ge @p0 [sflag:s6], $0x2700  }
0x1fa: {  	[sflag:s6] =	ssyncset.done @p0 $0x0;
	s7 =	rddreg [dreg:$0x18]  }
0x1fb: {  	[sflag:s6] =	ssyncadd.s32 @p0 $0xFFFFD900;
	s6 =	rddreg [dreg:$0x11]  }
0x1fc: {  	[hbm:s6], [sflag:s18] =	dma.local @!p0 [spmem:s7], $0x2780  }
0x1fd: {  	s6 =	simm.s32 @!p0 $0x11  }
0x1fe: {  	_ =	swait.ge @!p0 [sflag:s6], $0x2780  }
0x1ff: {  	s9 =	rddreg [dreg:$0x19]  }
0x200: {  	s31 =	rddreg [dreg:$0x12];
	s9 =	sadd.s32 $0x1, s9  }
0x201: {  	p1 =	sne.s32 s9, s31  }
.Ltmp1:
0x202: {  	_ = 	snop;
	(pc) =	sbr.rel @p1 .LBB2_1-.Ltmp1, $3  }
0x203: {  	_ =	sdelay $0x1  }
0x204: {  	s22 =	simm.s32 $0x80;
	[sflag:s6] =	ssyncset.done @!p0 $0x0  }
0x205: {  	s4 =	simm.s32 $0x0;
	[sflag:s6] =	ssyncadd.s32 @!p0 $0xFFFFD880;
	s6 =	simm.s32 $0x400  }
0x206: {  	_ =	sfence.sel $0x180000  }
0x207: {  	[bflag:$0x0] =	sbarrier.arrive $0xFFFF  }
0x208: {  	_ =	strace $0x90000047  }
0x209: {  	s0 =	stileid.u32;
	[bflag:$0x2] =	sbarrier.arrive $0xFFFF  }
0x20a: {  	p0 =	sne.s32 s0, $0x0;
	s0 =	rddreg [dreg:$0x3]  }
0x20b: {  	s0 =	sadd.s32 @!p0 $0x100000, s0  }
0x20c: {  	[sflag:s0] =	ssyncadd.tile.s32 @!p0 $0x1;
	_ =	shalt  }
.Lfunc_end2:
_tile_overlayer_lowered:
.L_overlay_start_2:
0x20d: {  	(tag) =	ssettag $0x2  }
0x20e: {  	s0 =	rddreg [dreg:$0x0];
	s2 =	stileid.u32  }
0x20f: {  	s1 =	rddreg [dreg:$0x1];
	p0 =	sne.s32 s2, $0x0  }
0x210: {  	s3 =	rddreg [dreg:$0x2];
	[bflag:$0x3] =	sbarrier.arrive $0xFFFF;
	s2 =	simm.s32 @!p0 $0x1C12  }
0x211: {  	[timem:s3], [sflag:s2] =	dma.local @!p0 [hbm:s0], s1  }
0x212: {  	s0 =	simm.s32 @!p0 $0x12  }
0x213: {  	_ =	swait.ge @!p0 [sflag:s0], s1  }
0x214: {  	s1 =	ssub.s32 @!p0 $0x0, s1;
	[sflag:s0] =	ssyncset.done @!p0 $0x0  }
0x215: {  	[sflag:s0] =	ssyncadd.s32 @!p0 s1  }
0x216: {  	[bflag:$0x3] =	sbarrier.arrive $0xFFFF  }
0x217: {  	_ =	shalt  }

</sc_bundles>
